<compile_context>
chip_gen: v7x
topology: tpu7x:2x2x1
jax: 0.10.2.dev20260603
libtpu: 0.0.44.dev20260713+nightly
codegen_flags: <defaults>
</compile_context>

<pallas_src>
import jax
import jax.numpy as jnp
from jax import lax
from jax.experimental import pallas as pl
from jax.experimental.pallas import tpu as pltpu
from jax.experimental.pallas import tpu_sc as plsc

H = 1024
F = 4096
E = 8
NT = 4096
BT = 256
NB = NT // BT + E
NPAD = NB * BT
LANES = 128

NW = 32
TPW = NT // NW
RC = 32
NCHUNK = TPW // RC



def _router_body(x_ref, gw_ref, ids_ref):
    xb = x_ref[...]
    logits = lax.dot_general(xb, gw_ref[...], (((1,), (1,)), ((), ())),
                             preferred_element_type=jnp.float32)
    lane = lax.broadcasted_iota(jnp.int32, logits.shape, 1)
    masked = jnp.where(lane < E, logits, -jnp.inf)
    mx = jnp.max(masked, axis=1, keepdims=True)
    cand = jnp.where(masked == mx, lane, LANES)
    ids_ref[...] = jnp.min(cand, axis=1).astype(jnp.int32)


def _router(x2d, gw_pad):
    brt = 512
    return pl.pallas_call(
        _router_body,
        grid=(NT // brt,),
        in_specs=[
            pl.BlockSpec((brt, H), lambda b: (b, 0)),
            pl.BlockSpec((LANES, H), lambda b: (0, 0)),
        ],
        out_specs=pl.BlockSpec((brt,), lambda b: (b,)),
        out_shape=jax.ShapeDtypeStruct((NT,), jnp.int32),
    )(x2d, gw_pad)



def _dispatch_body(ids_ref, dest_ref, gs_ref, bexp_ref, meta_ref):
    ids = ids_ref[...]
    rows, cols = ids.shape
    r1 = lax.broadcasted_iota(jnp.int32, (cols, cols), 0)
    c1 = lax.broadcasted_iota(jnp.int32, (cols, cols), 1)
    m_up = (r1 < c1).astype(jnp.float32)
    r2 = lax.broadcasted_iota(jnp.int32, (rows, rows), 0)
    c2 = lax.broadcasted_iota(jnp.int32, (rows, rows), 1)
    s_lo = (c2 < r2).astype(jnp.float32)

    lane1d = lax.broadcasted_iota(jnp.int32, (LANES,), 0)
    dest = jnp.zeros(ids.shape, jnp.int32)
    gs = jnp.zeros((LANES,), jnp.int32)
    starts = []
    start = jnp.int32(0)
    for e in range(E):
        m = (ids == e).astype(jnp.float32)
        rank_in_row = lax.dot_general(m, m_up, (((1,), (0,)), ((), ())),
                                      preferred_element_type=jnp.float32)
        row_tot = jnp.sum(m, axis=1, keepdims=True)
        row_pre = lax.dot_general(s_lo, row_tot, (((1,), (0,)), ((), ())),
                                  preferred_element_type=jnp.float32)
        rank = (rank_in_row + row_pre).astype(jnp.int32)
        tot = jnp.sum(row_tot).astype(jnp.int32)
        dest = jnp.where(ids == e, start + rank, dest)
        gs = jnp.where(lane1d == e, tot, gs)
        starts.append(start // BT)
        nblk = (tot + BT - 1) // BT
        start = start + nblk * BT
    used = start // BT
    bexp = jnp.zeros((LANES,), jnp.int32)
    for e in range(1, E):
        bexp = bexp + jnp.where(
            (lane1d >= starts[e]) & (starts[e] < used), 1, 0)
    dest_ref[...] = dest
    gs_ref[...] = gs
    bexp_ref[...] = bexp
    meta_ref[...] = jnp.full((LANES,), used, jnp.int32)


def _dispatch(ids2d):
    return pl.pallas_call(
        _dispatch_body,
        grid=(1,),
        in_specs=[pl.BlockSpec((NT // LANES, LANES), lambda i: (0, 0))],
        out_specs=[
            pl.BlockSpec((NT // LANES, LANES), lambda i: (0, 0)),
            pl.BlockSpec((LANES,), lambda i: (0,)),
            pl.BlockSpec((LANES,), lambda i: (0,)),
            pl.BlockSpec((LANES,), lambda i: (0,)),
        ],
        out_shape=[
            jax.ShapeDtypeStruct((NT // LANES, LANES), jnp.int32),
            jax.ShapeDtypeStruct((LANES,), jnp.int32),
            jax.ShapeDtypeStruct((LANES,), jnp.int32),
            jax.ShapeDtypeStruct((LANES,), jnp.int32),
        ],
    )(ids2d)



def _sc_wid():
    return lax.axis_index("s") * 2 + lax.axis_index("c")


def _disperse_body(x_hbm, dest_hbm, xs_hbm, idx_v, rows_v,
                   l0, l1, s0, s1):
    wid = _sc_wid()
    pltpu.sync_copy(dest_hbm.at[wid], idx_v)
    lsem = [l0, l1]
    ssem = [s0, s1]
    loads = {0: pltpu.async_copy(x_hbm.at[pl.ds(wid * TPW, RC)],
                                 rows_v.at[0], lsem[0])}
    scats = [None, None]
    for c in range(NCHUNK):
        i = c % 2
        if c + 1 < NCHUNK:
            j = (c + 1) % 2
            if scats[j] is not None:
                scats[j].wait()
            loads[c + 1] = pltpu.async_copy(
                x_hbm.at[pl.ds(wid * TPW + (c + 1) * RC, RC)],
                rows_v.at[j], lsem[j])
        loads[c].wait()
        scats[i] = pltpu.async_copy(rows_v.at[i], xs_hbm.at[idx_v.at[c]],
                                    ssem[i])
    for h in scats:
        if h is not None:
            h.wait()


def _disperse(x2d, dest3):
    mesh = plsc.VectorSubcoreMesh(core_axis_name="c", subcore_axis_name="s")
    f = pl.kernel(
        _disperse_body,
        out_type=jax.ShapeDtypeStruct((NPAD, H), jnp.float32),
        mesh=mesh,
        scratch_types=[
            pltpu.VMEM((NCHUNK, RC), jnp.int32),
            pltpu.VMEM((2, RC, H), jnp.float32),
            pltpu.SemaphoreType.DMA,
            pltpu.SemaphoreType.DMA,
            pltpu.SemaphoreType.DMA,
            pltpu.SemaphoreType.DMA,
        ],
    )
    return f(x2d, dest3)



def _ffn_body(bexp_ref, used_ref, x_ref, w1_ref, w2_ref, o_ref):
    del bexp_ref

    @pl.when(pl.program_id(0) < used_ref[0])
    def _active():
        xb = x_ref[...]
        nf = 8
        bf = F // nf
        dn = (((1,), (0,)), ((), ()))
        xb16 = xb.astype(jnp.bfloat16)
        for f in range(nf):
            w1b = w1_ref[0, :, f * bf:(f + 1) * bf].astype(jnp.bfloat16)
            h = lax.dot_general(xb16, w1b, dn,
                                preferred_element_type=jnp.float32)
            h = 0.5 * h * (1.0 + lax.erf(h * 0.7071067811865476))
            w2b = w2_ref[0, f * bf:(f + 1) * bf, :].astype(jnp.bfloat16)
            part = lax.dot_general(h.astype(jnp.bfloat16), w2b, dn,
                                   preferred_element_type=jnp.float32)
            if f == 0:
                o_ref[...] = part
            else:
                o_ref[...] += part


def _ffn(bexp, used, xs, w1, w2):
    grid_spec = pltpu.PrefetchScalarGridSpec(
        num_scalar_prefetch=2,
        grid=(NB,),
        in_specs=[
            pl.BlockSpec((BT, H), lambda b, be, u: (b, 0)),
            pl.BlockSpec((1, H, F), lambda b, be, u: (be[b], 0, 0),
                         pipeline_mode=pl.Buffered(buffer_count=1)),
            pl.BlockSpec((1, F, H), lambda b, be, u: (be[b], 0, 0),
                         pipeline_mode=pl.Buffered(buffer_count=2)),
        ],
        out_specs=pl.BlockSpec((BT, H), lambda b, be, u: (b, 0)),
    )
    return pl.pallas_call(
        _ffn_body,
        grid_spec=grid_spec,
        out_shape=jax.ShapeDtypeStruct((NPAD, H), jnp.float32),
        compiler_params=pltpu.CompilerParams(
            dimension_semantics=("arbitrary",),
            vmem_limit_bytes=120 * 1024 * 1024,
        ),
    )(bexp, used, xs, w1, w2)



def _combine_body(os_hbm, dest_hbm, out_hbm, idx_v, rows_v,
                  g0, g1, p0, p1):
    wid = _sc_wid()
    pltpu.sync_copy(dest_hbm.at[wid], idx_v)
    gsem = [g0, g1]
    psem = [p0, p1]
    gets = {0: pltpu.async_copy(os_hbm.at[idx_v.at[0]], rows_v.at[0],
                                gsem[0])}
    puts = [None, None]
    for c in range(NCHUNK):
        i = c % 2
        if c + 1 < NCHUNK:
            j = (c + 1) % 2
            if puts[j] is not None:
                puts[j].wait()
            gets[c + 1] = pltpu.async_copy(os_hbm.at[idx_v.at[c + 1]],
                                           rows_v.at[j], gsem[j])
        gets[c].wait()
        puts[i] = pltpu.async_copy(
            rows_v.at[i], out_hbm.at[pl.ds(wid * TPW + c * RC, RC)], psem[i])
    for h in puts:
        if h is not None:
            h.wait()


def _combine(os_, dest3):
    mesh = plsc.VectorSubcoreMesh(core_axis_name="c", subcore_axis_name="s")
    f = pl.kernel(
        _combine_body,
        out_type=jax.ShapeDtypeStruct((NT, H), jnp.float32),
        mesh=mesh,
        scratch_types=[
            pltpu.VMEM((NCHUNK, RC), jnp.int32),
            pltpu.VMEM((2, RC, H), jnp.float32),
            pltpu.SemaphoreType.DMA,
            pltpu.SemaphoreType.DMA,
            pltpu.SemaphoreType.DMA,
            pltpu.SemaphoreType.DMA,
        ],
    )
    return f(os_, dest3)



def kernel(x, gate_w, w1, w2):
    b, s, h = x.shape
    x2d = x.reshape(NT, H)
    gw_pad = jnp.zeros((LANES, H), jnp.float32).at[:E].set(gate_w)
    ids = _router(x2d, gw_pad)
    dest2d, gs, bexp, meta = _dispatch(ids.reshape(NT // LANES, LANES))
    nused = meta[:1]
    dest3 = dest2d.reshape(NW, NCHUNK, RC)
    xs = _disperse(x2d, dest3)
    os_ = _ffn(bexp[:NB], nused, xs, w1, w2)
    out2d = _combine(os_, dest3)
    return out2d.reshape(b, s, h), gs[:E]

# --- scband reference (transcript-rebuilt; emitter-appended) ---
"""Pipeline reference for scband-mo-elayer-86406152061635 (READ-ONLY COPY).

The authoritative reference and input builder live on the scoring server;
editing this copy changes nothing except your own understanding.
"""

import jax, jax.numpy as jnp
import numpy as np

H = 1024
F = 4096
E = 8
B = 2
S = 2048

def setup_inputs(seed: int = 0) -> dict:
    key = jax.random.key(seed)
    k1, k2, k3, k4 = jax.random.split(key, 4)
    x = jax.random.normal(k1, (B, S, H), dtype=jnp.float32)
    gate_w = jax.random.normal(k2, (E, H), dtype=jnp.float32) * 0.02
    w1 = jax.random.normal(k3, (E, H, F), dtype=jnp.float32) * 0.02
    w2 = jax.random.normal(k4, (E, F, H), dtype=jnp.float32) * 0.02
    return {"x": x, "gate_w": gate_w, "w1": w1, "w2": w2}

def reference(x, gate_w, w1, w2):
    b, s, h = x.shape
    num_tokens = b * s
    tokens = x.reshape(num_tokens, h)
    # SimpleRouter: top-1 routing
    logits = tokens @ gate_w.T
    expert_ids = jnp.argmax(logits, axis=-1)
    output = jnp.zeros((num_tokens, h), dtype=x.dtype)
    group_sizes = []
    for e in range(E):
        mask = expert_ids == e
        group_sizes.append(jnp.sum(mask).astype(jnp.int32))
        hdn = jax.nn.gelu(tokens @ w1[e], approximate=False)
        out_e = hdn @ w2[e]
        output = jnp.where(mask[:, None], out_e, output)
    return output.reshape(b, s, h), jnp.stack(group_sizes).astype(jnp.int32)

if __name__ == "__main__":
    import jax
    _d = setup_inputs()
    print(jax.jit(kernel)(*tuple(_d.values())))

</pallas_src>

<mosaic_0001>
#map = affine_map<(d0, d1) -> (0, 0)>
#map1 = affine_map<(d0, d1) -> (0, 0, 0)>
module attributes {stable_mosaic.version = 14 : i64} {
  func.func @_combine_body(%arg0: i32, %arg1: i32, %arg2: memref<6144x1024xf32, #tpu.memory_space<hbm>>, %arg3: memref<32x4x32xi32, #tpu.memory_space<hbm>>, %arg4: memref<4096x1024xf32, #tpu.memory_space<hbm>>, %arg5: memref<4x32xi32, #tpu.memory_space<vmem>>, %arg6: memref<2x32x1024xf32, #tpu.memory_space<vmem>>, %arg7: memref<!tpu.dma_semaphore, #tpu.memory_space<semaphore_mem>>, %arg8: memref<!tpu.dma_semaphore, #tpu.memory_space<semaphore_mem>>, %arg9: memref<!tpu.dma_semaphore, #tpu.memory_space<semaphore_mem>>, %arg10: memref<!tpu.dma_semaphore, #tpu.memory_space<semaphore_mem>>) attributes {dimension_semantics = [#tpu.dimension_semantics<core_parallel>, #tpu.dimension_semantics<subcore_parallel>], iteration_bounds = array<i64: 2, 16>, scalar_prefetch = 0 : i64, scratch_operands = 6 : i64, tpu.core_type = #tpu.core_type<sc_vector_subcore>, window_params = [{transform_indices = #map}, {transform_indices = #map1}, {transform_indices = #map}]} {
    %mul3A = arith.constant 2 : i32
    %mul3A_0 = arith.muli %arg1, %mul3A : i32
    %add3A = arith.addi %mul3A_0, %arg0 : i32
    "tpu.region"() ({
      %run_scoped3A = tpu.sem_alloc : memref<!tpu.dma_semaphore, #tpu.memory_space<semaphore_mem>>
      %dma_start3A_215 = arith.constant 0 : i32
      %dma_start3A_216 = arith.constant 0 : i32
      %dma_start3A_217 = tpu.memref_slice %arg3[%add3A, %dma_start3A_215, %dma_start3A_216] : memref<32x4x32xi32, #tpu.memory_space<hbm>> -> memref<1x4x32xi32, #tpu.memory_space<hbm>>
      %dma_start3A_218 = tpu.memref_squeeze %dma_start3A_217 : memref<1x4x32xi32, #tpu.memory_space<hbm>> -> memref<4x32xi32, #tpu.memory_space<hbm>>
      %dma_start3A_219 = arith.constant 0 : i32
      %dma_start3A_220 = arith.constant 0 : i32
      %dma_start3A_221 = tpu.memref_slice %arg3[%add3A, %dma_start3A_219, %dma_start3A_220] : memref<32x4x32xi32, #tpu.memory_space<hbm>> -> memref<1x4x32xi32, #tpu.memory_space<hbm>>
      %dma_start3A_222 = tpu.memref_squeeze %dma_start3A_221 : memref<1x4x32xi32, #tpu.memory_space<hbm>> -> memref<4x32xi32, #tpu.memory_space<hbm>>
      tpu.enqueue_dma source(%dma_start3A_222 : memref<4x32xi32, #tpu.memory_space<hbm>>) target(%arg5 : memref<4x32xi32, #tpu.memory_space<vmem>>) target_semaphore(%run_scoped3A : memref<!tpu.dma_semaphore, #tpu.memory_space<semaphore_mem>>)
      %dma_wait3A_223 = arith.constant 0 : i32
      %dma_wait3A_224 = arith.constant 0 : i32
      %dma_wait3A_225 = tpu.memref_slice %arg3[%add3A, %dma_wait3A_223, %dma_wait3A_224] : memref<32x4x32xi32, #tpu.memory_space<hbm>> -> memref<1x4x32xi32, #tpu.memory_space<hbm>>
      %dma_wait3A_226 = tpu.memref_squeeze %dma_wait3A_225 : memref<1x4x32xi32, #tpu.memory_space<hbm>> -> memref<4x32xi32, #tpu.memory_space<hbm>>
      %dma_wait3A_227 = arith.constant 0 : i32
      %dma_wait3A_228 = arith.constant 0 : i32
      %dma_wait3A_229 = tpu.memref_slice %arg3[%add3A, %dma_wait3A_227, %dma_wait3A_228] : memref<32x4x32xi32, #tpu.memory_space<hbm>> -> memref<1x4x32xi32, #tpu.memory_space<hbm>>
      %dma_wait3A_230 = tpu.memref_squeeze %dma_wait3A_229 : memref<1x4x32xi32, #tpu.memory_space<hbm>> -> memref<4x32xi32, #tpu.memory_space<hbm>>
      tpu.wait_dma2 semaphore(%run_scoped3A : memref<!tpu.dma_semaphore, #tpu.memory_space<semaphore_mem>>) src(%dma_wait3A_230 : memref<4x32xi32, #tpu.memory_space<hbm>>) dst(%arg5 : memref<4x32xi32, #tpu.memory_space<vmem>>)
      tpu.yield
    }) : () -> ()
    %dma_start3A = arith.constant 0 : i32
    %dma_start3A_1 = arith.constant 0 : i32
    %dma_start3A_2 = arith.constant 0 : i32
    %dma_start3A_3 = arith.constant 0 : i32
    %dma_start3A_4 = tpu.memref_slice %arg6[%dma_start3A_1, %dma_start3A_2, %dma_start3A_3] : memref<2x32x1024xf32, #tpu.memory_space<vmem>> -> memref<1x32x1024xf32, #tpu.memory_space<vmem>>
    %dma_start3A_5 = tpu.memref_squeeze %dma_start3A_4 : memref<1x32x1024xf32, #tpu.memory_space<vmem>> -> memref<32x1024xf32, #tpu.memory_space<vmem>>
    %dma_start3A_6 = arith.constant 0 : i32
    %dma_start3A_7 = tpu.memref_slice %arg5[%dma_start3A, %dma_start3A_6] : memref<4x32xi32, #tpu.memory_space<vmem>> -> memref<1x32xi32, #tpu.memory_space<vmem>>
    %dma_start3A_8 = tpu.memref_squeeze %dma_start3A_7 : memref<1x32xi32, #tpu.memory_space<vmem>> -> memref<32xi32, #tpu.memory_space<vmem>>
    %dma_start3A_9 = arith.constant 0 : i32
    %dma_start3A_10 = arith.constant 0 : i32
    %dma_start3A_11 = tpu.memref_slice %arg2[%dma_start3A_9, %dma_start3A_10] : memref<6144x1024xf32, #tpu.memory_space<hbm>> -> memref<6144x1024xf32, #tpu.memory_space<hbm>>
    tpu.enqueue_indirect_dma source(%dma_start3A_11 : memref<6144x1024xf32, #tpu.memory_space<hbm>>) target(%dma_start3A_5 : memref<32x1024xf32, #tpu.memory_space<vmem>>) offsets(%dma_start3A_8 : memref<32xi32, #tpu.memory_space<vmem>>) semaphore(%arg7 : memref<!tpu.dma_semaphore, #tpu.memory_space<semaphore_mem>>)
    %dma_start3A_12 = arith.constant 1 : i32
    %dma_start3A_13 = arith.constant 1 : i32
    %dma_start3A_14 = arith.constant 0 : i32
    %dma_start3A_15 = arith.constant 0 : i32
    %dma_start3A_16 = tpu.memref_slice %arg6[%dma_start3A_13, %dma_start3A_14, %dma_start3A_15] : memref<2x32x1024xf32, #tpu.memory_space<vmem>> -> memref<1x32x1024xf32, #tpu.memory_space<vmem>>
    %dma_start3A_17 = tpu.memref_squeeze %dma_start3A_16 : memref<1x32x1024xf32, #tpu.memory_space<vmem>> -> memref<32x1024xf32, #tpu.memory_space<vmem>>
    %dma_start3A_18 = arith.constant 0 : i32
    %dma_start3A_19 = tpu.memref_slice %arg5[%dma_start3A_12, %dma_start3A_18] : memref<4x32xi32, #tpu.memory_space<vmem>> -> memref<1x32xi32, #tpu.memory_space<vmem>>
    %dma_start3A_20 = tpu.memref_squeeze %dma_start3A_19 : memref<1x32xi32, #tpu.memory_space<vmem>> -> memref<32xi32, #tpu.memory_space<vmem>>
    %dma_start3A_21 = arith.constant 0 : i32
    %dma_start3A_22 = arith.constant 0 : i32
    %dma_start3A_23 = tpu.memref_slice %arg2[%dma_start3A_21, %dma_start3A_22] : memref<6144x1024xf32, #tpu.memory_space<hbm>> -> memref<6144x1024xf32, #tpu.memory_space<hbm>>
    tpu.enqueue_indirect_dma source(%dma_start3A_23 : memref<6144x1024xf32, #tpu.memory_space<hbm>>) target(%dma_start3A_17 : memref<32x1024xf32, #tpu.memory_space<vmem>>) offsets(%dma_start3A_20 : memref<32xi32, #tpu.memory_space<vmem>>) semaphore(%arg8 : memref<!tpu.dma_semaphore, #tpu.memory_space<semaphore_mem>>)
    %dma_wait3A = arith.constant 0 : i32
    %dma_wait3A_24 = arith.constant 0 : i32
    %dma_wait3A_25 = arith.constant 0 : i32
    %dma_wait3A_26 = arith.constant 0 : i32
    %dma_wait3A_27 = tpu.memref_slice %arg6[%dma_wait3A_24, %dma_wait3A_25, %dma_wait3A_26] : memref<2x32x1024xf32, #tpu.memory_space<vmem>> -> memref<1x32x1024xf32, #tpu.memory_space<vmem>>
    %dma_wait3A_28 = tpu.memref_squeeze %dma_wait3A_27 : memref<1x32x1024xf32, #tpu.memory_space<vmem>> -> memref<32x1024xf32, #tpu.memory_space<vmem>>
    %dma_wait3A_29 = arith.constant 0 : i32
    %dma_wait3A_30 = tpu.memref_slice %arg5[%dma_wait3A, %dma_wait3A_29] : memref<4x32xi32, #tpu.memory_space<vmem>> -> memref<1x32xi32, #tpu.memory_space<vmem>>
    %dma_wait3A_31 = tpu.memref_squeeze %dma_wait3A_30 : memref<1x32xi32, #tpu.memory_space<vmem>> -> memref<32xi32, #tpu.memory_space<vmem>>
    %dma_wait3A_32 = arith.constant 0 : i32
    %dma_wait3A_33 = arith.constant 0 : i32
    %dma_wait3A_34 = tpu.memref_slice %arg2[%dma_wait3A_32, %dma_wait3A_33] : memref<6144x1024xf32, #tpu.memory_space<hbm>> -> memref<6144x1024xf32, #tpu.memory_space<hbm>>
    tpu.wait_indirect_dma semaphore(%arg7 : memref<!tpu.dma_semaphore, #tpu.memory_space<semaphore_mem>>) src(%dma_wait3A_34 : memref<6144x1024xf32, #tpu.memory_space<hbm>>) dst(%dma_wait3A_28 : memref<32x1024xf32, #tpu.memory_space<vmem>>)
    %mul3A_35 = arith.constant 128 : i32
    %mul3A_36 = arith.muli %add3A, %mul3A_35 : i32
    %add3A_37 = arith.constant 0 : i32
    %add3A_38 = arith.addi %mul3A_36, %add3A_37 : i32
    %dma_start3A_39 = arith.constant 0 : i32
    %dma_start3A_40 = arith.constant 0 : i32
    %dma_start3A_41 = arith.constant 0 : i32
    %dma_start3A_42 = tpu.memref_slice %arg6[%dma_start3A_39, %dma_start3A_40, %dma_start3A_41] : memref<2x32x1024xf32, #tpu.memory_space<vmem>> -> memref<1x32x1024xf32, #tpu.memory_space<vmem>>
    %dma_start3A_43 = tpu.memref_squeeze %dma_start3A_42 : memref<1x32x1024xf32, #tpu.memory_space<vmem>> -> memref<32x1024xf32, #tpu.memory_space<vmem>>
    %dma_start3A_44 = arith.constant 0 : i32
    %dma_start3A_45 = tpu.memref_slice %arg4[%add3A_38, %dma_start3A_44] : memref<4096x1024xf32, #tpu.memory_space<hbm>> -> memref<32x1024xf32, #tpu.memory_space<hbm>>
    %dma_start3A_46 = arith.constant 0 : i32
    %dma_start3A_47 = tpu.memref_slice %arg4[%add3A_38, %dma_start3A_46] : memref<4096x1024xf32, #tpu.memory_space<hbm>> -> memref<32x1024xf32, #tpu.memory_space<hbm>>
    %dma_start3A_48 = arith.constant 0 : i32
    %dma_start3A_49 = arith.constant 0 : i32
    %dma_start3A_50 = tpu.memref_slice %arg6[%dma_start3A_39, %dma_start3A_48, %dma_start3A_49] : memref<2x32x1024xf32, #tpu.memory_space<vmem>> -> memref<1x32x1024xf32, #tpu.memory_space<vmem>>
    %dma_start3A_51 = tpu.memref_squeeze %dma_start3A_50 : memref<1x32x1024xf32, #tpu.memory_space<vmem>> -> memref<32x1024xf32, #tpu.memory_space<vmem>>
    tpu.enqueue_dma source(%dma_start3A_51 : memref<32x1024xf32, #tpu.memory_space<vmem>>) target(%dma_start3A_47 : memref<32x1024xf32, #tpu.memory_space<hbm>>) target_semaphore(%arg9 : memref<!tpu.dma_semaphore, #tpu.memory_space<semaphore_mem>>)
    %dma_wait3A_52 = arith.constant 0 : i32
    %dma_wait3A_53 = arith.constant 0 : i32
    %dma_wait3A_54 = arith.constant 0 : i32
    %dma_wait3A_55 = tpu.memref_slice %arg6[%dma_wait3A_52, %dma_wait3A_53, %dma_wait3A_54] : memref<2x32x1024xf32, #tpu.memory_space<vmem>> -> memref<1x32x1024xf32, #tpu.memory_space<vmem>>
    %dma_wait3A_56 = tpu.memref_squeeze %dma_wait3A_55 : memref<1x32x1024xf32, #tpu.memory_space<vmem>> -> memref<32x1024xf32, #tpu.memory_space<vmem>>
    %dma_wait3A_57 = arith.constant 0 : i32
    %dma_wait3A_58 = tpu.memref_slice %arg4[%add3A_38, %dma_wait3A_57] : memref<4096x1024xf32, #tpu.memory_space<hbm>> -> memref<32x1024xf32, #tpu.memory_space<hbm>>
    %dma_wait3A_59 = arith.constant 0 : i32
    %dma_wait3A_60 = tpu.memref_slice %arg4[%add3A_38, %dma_wait3A_59] : memref<4096x1024xf32, #tpu.memory_space<hbm>> -> memref<32x1024xf32, #tpu.memory_space<hbm>>
    %dma_wait3A_61 = arith.constant 0 : i32
    %dma_wait3A_62 = arith.constant 0 : i32
    %dma_wait3A_63 = tpu.memref_slice %arg6[%dma_wait3A_52, %dma_wait3A_61, %dma_wait3A_62] : memref<2x32x1024xf32, #tpu.memory_space<vmem>> -> memref<1x32x1024xf32, #tpu.memory_space<vmem>>
    %dma_wait3A_64 = tpu.memref_squeeze %dma_wait3A_63 : memref<1x32x1024xf32, #tpu.memory_space<vmem>> -> memref<32x1024xf32, #tpu.memory_space<vmem>>
    tpu.wait_dma2 semaphore(%arg9 : memref<!tpu.dma_semaphore, #tpu.memory_space<semaphore_mem>>) src(%dma_wait3A_64 : memref<32x1024xf32, #tpu.memory_space<vmem>>) dst(%dma_wait3A_60 : memref<32x1024xf32, #tpu.memory_space<hbm>>)
    %dma_start3A_65 = arith.constant 2 : i32
    %dma_start3A_66 = arith.constant 0 : i32
    %dma_start3A_67 = arith.constant 0 : i32
    %dma_start3A_68 = arith.constant 0 : i32
    %dma_start3A_69 = tpu.memref_slice %arg6[%dma_start3A_66, %dma_start3A_67, %dma_start3A_68] : memref<2x32x1024xf32, #tpu.memory_space<vmem>> -> memref<1x32x1024xf32, #tpu.memory_space<vmem>>
    %dma_start3A_70 = tpu.memref_squeeze %dma_start3A_69 : memref<1x32x1024xf32, #tpu.memory_space<vmem>> -> memref<32x1024xf32, #tpu.memory_space<vmem>>
    %dma_start3A_71 = arith.constant 0 : i32
    %dma_start3A_72 = tpu.memref_slice %arg5[%dma_start3A_65, %dma_start3A_71] : memref<4x32xi32, #tpu.memory_space<vmem>> -> memref<1x32xi32, #tpu.memory_space<vmem>>
    %dma_start3A_73 = tpu.memref_squeeze %dma_start3A_72 : memref<1x32xi32, #tpu.memory_space<vmem>> -> memref<32xi32, #tpu.memory_space<vmem>>
    %dma_start3A_74 = arith.constant 0 : i32
    %dma_start3A_75 = arith.constant 0 : i32
    %dma_start3A_76 = tpu.memref_slice %arg2[%dma_start3A_74, %dma_start3A_75] : memref<6144x1024xf32, #tpu.memory_space<hbm>> -> memref<6144x1024xf32, #tpu.memory_space<hbm>>
    tpu.enqueue_indirect_dma source(%dma_start3A_76 : memref<6144x1024xf32, #tpu.memory_space<hbm>>) target(%dma_start3A_70 : memref<32x1024xf32, #tpu.memory_space<vmem>>) offsets(%dma_start3A_73 : memref<32xi32, #tpu.memory_space<vmem>>) semaphore(%arg7 : memref<!tpu.dma_semaphore, #tpu.memory_space<semaphore_mem>>)
    %dma_wait3A_77 = arith.constant 1 : i32
    %dma_wait3A_78 = arith.constant 1 : i32
    %dma_wait3A_79 = arith.constant 0 : i32
    %dma_wait3A_80 = arith.constant 0 : i32
    %dma_wait3A_81 = tpu.memref_slice %arg6[%dma_wait3A_78, %dma_wait3A_79, %dma_wait3A_80] : memref<2x32x1024xf32, #tpu.memory_space<vmem>> -> memref<1x32x1024xf32, #tpu.memory_space<vmem>>
    %dma_wait3A_82 = tpu.memref_squeeze %dma_wait3A_81 : memref<1x32x1024xf32, #tpu.memory_space<vmem>> -> memref<32x1024xf32, #tpu.memory_space<vmem>>
    %dma_wait3A_83 = arith.constant 0 : i32
    %dma_wait3A_84 = tpu.memref_slice %arg5[%dma_wait3A_77, %dma_wait3A_83] : memref<4x32xi32, #tpu.memory_space<vmem>> -> memref<1x32xi32, #tpu.memory_space<vmem>>
    %dma_wait3A_85 = tpu.memref_squeeze %dma_wait3A_84 : memref<1x32xi32, #tpu.memory_space<vmem>> -> memref<32xi32, #tpu.memory_space<vmem>>
    %dma_wait3A_86 = arith.constant 0 : i32
    %dma_wait3A_87 = arith.constant 0 : i32
    %dma_wait3A_88 = tpu.memref_slice %arg2[%dma_wait3A_86, %dma_wait3A_87] : memref<6144x1024xf32, #tpu.memory_space<hbm>> -> memref<6144x1024xf32, #tpu.memory_space<hbm>>
    tpu.wait_indirect_dma semaphore(%arg8 : memref<!tpu.dma_semaphore, #tpu.memory_space<semaphore_mem>>) src(%dma_wait3A_88 : memref<6144x1024xf32, #tpu.memory_space<hbm>>) dst(%dma_wait3A_82 : memref<32x1024xf32, #tpu.memory_space<vmem>>)
    %mul3A_89 = arith.constant 128 : i32
    %mul3A_90 = arith.muli %add3A, %mul3A_89 : i32
    %add3A_91 = arith.constant 32 : i32
    %add3A_92 = arith.addi %mul3A_90, %add3A_91 : i32
    %dma_start3A_93 = arith.constant 1 : i32
    %dma_start3A_94 = arith.constant 0 : i32
    %dma_start3A_95 = arith.constant 0 : i32
    %dma_start3A_96 = tpu.memref_slice %arg6[%dma_start3A_93, %dma_start3A_94, %dma_start3A_95] : memref<2x32x1024xf32, #tpu.memory_space<vmem>> -> memref<1x32x1024xf32, #tpu.memory_space<vmem>>
    %dma_start3A_97 = tpu.memref_squeeze %dma_start3A_96 : memref<1x32x1024xf32, #tpu.memory_space<vmem>> -> memref<32x1024xf32, #tpu.memory_space<vmem>>
    %dma_start3A_98 = arith.constant 0 : i32
    %dma_start3A_99 = tpu.memref_slice %arg4[%add3A_92, %dma_start3A_98] : memref<4096x1024xf32, #tpu.memory_space<hbm>> -> memref<32x1024xf32, #tpu.memory_space<hbm>>
    %dma_start3A_100 = arith.constant 0 : i32
    %dma_start3A_101 = tpu.memref_slice %arg4[%add3A_92, %dma_start3A_100] : memref<4096x1024xf32, #tpu.memory_space<hbm>> -> memref<32x1024xf32, #tpu.memory_space<hbm>>
    %dma_start3A_102 = arith.constant 0 : i32
    %dma_start3A_103 = arith.constant 0 : i32
    %dma_start3A_104 = tpu.memref_slice %arg6[%dma_start3A_93, %dma_start3A_102, %dma_start3A_103] : memref<2x32x1024xf32, #tpu.memory_space<vmem>> -> memref<1x32x1024xf32, #tpu.memory_space<vmem>>
    %dma_start3A_105 = tpu.memref_squeeze %dma_start3A_104 : memref<1x32x1024xf32, #tpu.memory_space<vmem>> -> memref<32x1024xf32, #tpu.memory_space<vmem>>
    tpu.enqueue_dma source(%dma_start3A_105 : memref<32x1024xf32, #tpu.memory_space<vmem>>) target(%dma_start3A_101 : memref<32x1024xf32, #tpu.memory_space<hbm>>) target_semaphore(%arg10 : memref<!tpu.dma_semaphore, #tpu.memory_space<semaphore_mem>>)
    %dma_wait3A_106 = arith.constant 1 : i32
    %dma_wait3A_107 = arith.constant 0 : i32
    %dma_wait3A_108 = arith.constant 0 : i32
    %dma_wait3A_109 = tpu.memref_slice %arg6[%dma_wait3A_106, %dma_wait3A_107, %dma_wait3A_108] : memref<2x32x1024xf32, #tpu.memory_space<vmem>> -> memref<1x32x1024xf32, #tpu.memory_space<vmem>>
    %dma_wait3A_110 = tpu.memref_squeeze %dma_wait3A_109 : memref<1x32x1024xf32, #tpu.memory_space<vmem>> -> memref<32x1024xf32, #tpu.memory_space<vmem>>
    %dma_wait3A_111 = arith.constant 0 : i32
    %dma_wait3A_112 = tpu.memref_slice %arg4[%add3A_92, %dma_wait3A_111] : memref<4096x1024xf32, #tpu.memory_space<hbm>> -> memref<32x1024xf32, #tpu.memory_space<hbm>>
    %dma_wait3A_113 = arith.constant 0 : i32
    %dma_wait3A_114 = tpu.memref_slice %arg4[%add3A_92, %dma_wait3A_113] : memref<4096x1024xf32, #tpu.memory_space<hbm>> -> memref<32x1024xf32, #tpu.memory_space<hbm>>
    %dma_wait3A_115 = arith.constant 0 : i32
    %dma_wait3A_116 = arith.constant 0 : i32
    %dma_wait3A_117 = tpu.memref_slice %arg6[%dma_wait3A_106, %dma_wait3A_115, %dma_wait3A_116] : memref<2x32x1024xf32, #tpu.memory_space<vmem>> -> memref<1x32x1024xf32, #tpu.memory_space<vmem>>
    %dma_wait3A_118 = tpu.memref_squeeze %dma_wait3A_117 : memref<1x32x1024xf32, #tpu.memory_space<vmem>> -> memref<32x1024xf32, #tpu.memory_space<vmem>>
    tpu.wait_dma2 semaphore(%arg10 : memref<!tpu.dma_semaphore, #tpu.memory_space<semaphore_mem>>) src(%dma_wait3A_118 : memref<32x1024xf32, #tpu.memory_space<vmem>>) dst(%dma_wait3A_114 : memref<32x1024xf32, #tpu.memory_space<hbm>>)
    %dma_start3A_119 = arith.constant 3 : i32
    %dma_start3A_120 = arith.constant 1 : i32
    %dma_start3A_121 = arith.constant 0 : i32
    %dma_start3A_122 = arith.constant 0 : i32
    %dma_start3A_123 = tpu.memref_slice %arg6[%dma_start3A_120, %dma_start3A_121, %dma_start3A_122] : memref<2x32x1024xf32, #tpu.memory_space<vmem>> -> memref<1x32x1024xf32, #tpu.memory_space<vmem>>
    %dma_start3A_124 = tpu.memref_squeeze %dma_start3A_123 : memref<1x32x1024xf32, #tpu.memory_space<vmem>> -> memref<32x1024xf32, #tpu.memory_space<vmem>>
    %dma_start3A_125 = arith.constant 0 : i32
    %dma_start3A_126 = tpu.memref_slice %arg5[%dma_start3A_119, %dma_start3A_125] : memref<4x32xi32, #tpu.memory_space<vmem>> -> memref<1x32xi32, #tpu.memory_space<vmem>>
    %dma_start3A_127 = tpu.memref_squeeze %dma_start3A_126 : memref<1x32xi32, #tpu.memory_space<vmem>> -> memref<32xi32, #tpu.memory_space<vmem>>
    %dma_start3A_128 = arith.constant 0 : i32
    %dma_start3A_129 = arith.constant 0 : i32
    %dma_start3A_130 = tpu.memref_slice %arg2[%dma_start3A_128, %dma_start3A_129] : memref<6144x1024xf32, #tpu.memory_space<hbm>> -> memref<6144x1024xf32, #tpu.memory_space<hbm>>
    tpu.enqueue_indirect_dma source(%dma_start3A_130 : memref<6144x1024xf32, #tpu.memory_space<hbm>>) target(%dma_start3A_124 : memref<32x1024xf32, #tpu.memory_space<vmem>>) offsets(%dma_start3A_127 : memref<32xi32, #tpu.memory_space<vmem>>) semaphore(%arg8 : memref<!tpu.dma_semaphore, #tpu.memory_space<semaphore_mem>>)
    %dma_wait3A_131 = arith.constant 2 : i32
    %dma_wait3A_132 = arith.constant 0 : i32
    %dma_wait3A_133 = arith.constant 0 : i32
    %dma_wait3A_134 = arith.constant 0 : i32
    %dma_wait3A_135 = tpu.memref_slice %arg6[%dma_wait3A_132, %dma_wait3A_133, %dma_wait3A_134] : memref<2x32x1024xf32, #tpu.memory_space<vmem>> -> memref<1x32x1024xf32, #tpu.memory_space<vmem>>
    %dma_wait3A_136 = tpu.memref_squeeze %dma_wait3A_135 : memref<1x32x1024xf32, #tpu.memory_space<vmem>> -> memref<32x1024xf32, #tpu.memory_space<vmem>>
    %dma_wait3A_137 = arith.constant 0 : i32
    %dma_wait3A_138 = tpu.memref_slice %arg5[%dma_wait3A_131, %dma_wait3A_137] : memref<4x32xi32, #tpu.memory_space<vmem>> -> memref<1x32xi32, #tpu.memory_space<vmem>>
    %dma_wait3A_139 = tpu.memref_squeeze %dma_wait3A_138 : memref<1x32xi32, #tpu.memory_space<vmem>> -> memref<32xi32, #tpu.memory_space<vmem>>
    %dma_wait3A_140 = arith.constant 0 : i32
    %dma_wait3A_141 = arith.constant 0 : i32
    %dma_wait3A_142 = tpu.memref_slice %arg2[%dma_wait3A_140, %dma_wait3A_141] : memref<6144x1024xf32, #tpu.memory_space<hbm>> -> memref<6144x1024xf32, #tpu.memory_space<hbm>>
    tpu.wait_indirect_dma semaphore(%arg7 : memref<!tpu.dma_semaphore, #tpu.memory_space<semaphore_mem>>) src(%dma_wait3A_142 : memref<6144x1024xf32, #tpu.memory_space<hbm>>) dst(%dma_wait3A_136 : memref<32x1024xf32, #tpu.memory_space<vmem>>)
    %mul3A_143 = arith.constant 128 : i32
    %mul3A_144 = arith.muli %add3A, %mul3A_143 : i32
    %add3A_145 = arith.constant 64 : i32
    %add3A_146 = arith.addi %mul3A_144, %add3A_145 : i32
    %dma_start3A_147 = arith.constant 0 : i32
    %dma_start3A_148 = arith.constant 0 : i32
    %dma_start3A_149 = arith.constant 0 : i32
    %dma_start3A_150 = tpu.memref_slice %arg6[%dma_start3A_147, %dma_start3A_148, %dma_start3A_149] : memref<2x32x1024xf32, #tpu.memory_space<vmem>> -> memref<1x32x1024xf32, #tpu.memory_space<vmem>>
    %dma_start3A_151 = tpu.memref_squeeze %dma_start3A_150 : memref<1x32x1024xf32, #tpu.memory_space<vmem>> -> memref<32x1024xf32, #tpu.memory_space<vmem>>
    %dma_start3A_152 = arith.constant 0 : i32
    %dma_start3A_153 = tpu.memref_slice %arg4[%add3A_146, %dma_start3A_152] : memref<4096x1024xf32, #tpu.memory_space<hbm>> -> memref<32x1024xf32, #tpu.memory_space<hbm>>
    %dma_start3A_154 = arith.constant 0 : i32
    %dma_start3A_155 = tpu.memref_slice %arg4[%add3A_146, %dma_start3A_154] : memref<4096x1024xf32, #tpu.memory_space<hbm>> -> memref<32x1024xf32, #tpu.memory_space<hbm>>
    %dma_start3A_156 = arith.constant 0 : i32
    %dma_start3A_157 = arith.constant 0 : i32
    %dma_start3A_158 = tpu.memref_slice %arg6[%dma_start3A_147, %dma_start3A_156, %dma_start3A_157] : memref<2x32x1024xf32, #tpu.memory_space<vmem>> -> memref<1x32x1024xf32, #tpu.memory_space<vmem>>
    %dma_start3A_159 = tpu.memref_squeeze %dma_start3A_158 : memref<1x32x1024xf32, #tpu.memory_space<vmem>> -> memref<32x1024xf32, #tpu.memory_space<vmem>>
    tpu.enqueue_dma source(%dma_start3A_159 : memref<32x1024xf32, #tpu.memory_space<vmem>>) target(%dma_start3A_155 : memref<32x1024xf32, #tpu.memory_space<hbm>>) target_semaphore(%arg9 : memref<!tpu.dma_semaphore, #tpu.memory_space<semaphore_mem>>)
    %dma_wait3A_160 = arith.constant 3 : i32
    %dma_wait3A_161 = arith.constant 1 : i32
    %dma_wait3A_162 = arith.constant 0 : i32
    %dma_wait3A_163 = arith.constant 0 : i32
    %dma_wait3A_164 = tpu.memref_slice %arg6[%dma_wait3A_161, %dma_wait3A_162, %dma_wait3A_163] : memref<2x32x1024xf32, #tpu.memory_space<vmem>> -> memref<1x32x1024xf32, #tpu.memory_space<vmem>>
    %dma_wait3A_165 = tpu.memref_squeeze %dma_wait3A_164 : memref<1x32x1024xf32, #tpu.memory_space<vmem>> -> memref<32x1024xf32, #tpu.memory_space<vmem>>
    %dma_wait3A_166 = arith.constant 0 : i32
    %dma_wait3A_167 = tpu.memref_slice %arg5[%dma_wait3A_160, %dma_wait3A_166] : memref<4x32xi32, #tpu.memory_space<vmem>> -> memref<1x32xi32, #tpu.memory_space<vmem>>
    %dma_wait3A_168 = tpu.memref_squeeze %dma_wait3A_167 : memref<1x32xi32, #tpu.memory_space<vmem>> -> memref<32xi32, #tpu.memory_space<vmem>>
    %dma_wait3A_169 = arith.constant 0 : i32
    %dma_wait3A_170 = arith.constant 0 : i32
    %dma_wait3A_171 = tpu.memref_slice %arg2[%dma_wait3A_169, %dma_wait3A_170] : memref<6144x1024xf32, #tpu.memory_space<hbm>> -> memref<6144x1024xf32, #tpu.memory_space<hbm>>
    tpu.wait_indirect_dma semaphore(%arg8 : memref<!tpu.dma_semaphore, #tpu.memory_space<semaphore_mem>>) src(%dma_wait3A_171 : memref<6144x1024xf32, #tpu.memory_space<hbm>>) dst(%dma_wait3A_165 : memref<32x1024xf32, #tpu.memory_space<vmem>>)
    %mul3A_172 = arith.constant 128 : i32
    %mul3A_173 = arith.muli %add3A, %mul3A_172 : i32
    %add3A_174 = arith.constant 96 : i32
    %add3A_175 = arith.addi %mul3A_173, %add3A_174 : i32
    %dma_start3A_176 = arith.constant 1 : i32
    %dma_start3A_177 = arith.constant 0 : i32
    %dma_start3A_178 = arith.constant 0 : i32
    %dma_start3A_179 = tpu.memref_slice %arg6[%dma_start3A_176, %dma_start3A_177, %dma_start3A_178] : memref<2x32x1024xf32, #tpu.memory_space<vmem>> -> memref<1x32x1024xf32, #tpu.memory_space<vmem>>
    %dma_start3A_180 = tpu.memref_squeeze %dma_start3A_179 : memref<1x32x1024xf32, #tpu.memory_space<vmem>> -> memref<32x1024xf32, #tpu.memory_space<vmem>>
    %dma_start3A_181 = arith.constant 0 : i32
    %dma_start3A_182 = tpu.memref_slice %arg4[%add3A_175, %dma_start3A_181] : memref<4096x1024xf32, #tpu.memory_space<hbm>> -> memref<32x1024xf32, #tpu.memory_space<hbm>>
    %dma_start3A_183 = arith.constant 0 : i32
    %dma_start3A_184 = tpu.memref_slice %arg4[%add3A_175, %dma_start3A_183] : memref<4096x1024xf32, #tpu.memory_space<hbm>> -> memref<32x1024xf32, #tpu.memory_space<hbm>>
    %dma_start3A_185 = arith.constant 0 : i32
    %dma_start3A_186 = arith.constant 0 : i32
    %dma_start3A_187 = tpu.memref_slice %arg6[%dma_start3A_176, %dma_start3A_185, %dma_start3A_186] : memref<2x32x1024xf32, #tpu.memory_space<vmem>> -> memref<1x32x1024xf32, #tpu.memory_space<vmem>>
    %dma_start3A_188 = tpu.memref_squeeze %dma_start3A_187 : memref<1x32x1024xf32, #tpu.memory_space<vmem>> -> memref<32x1024xf32, #tpu.memory_space<vmem>>
    tpu.enqueue_dma source(%dma_start3A_188 : memref<32x1024xf32, #tpu.memory_space<vmem>>) target(%dma_start3A_184 : memref<32x1024xf32, #tpu.memory_space<hbm>>) target_semaphore(%arg10 : memref<!tpu.dma_semaphore, #tpu.memory_space<semaphore_mem>>)
    %dma_wait3A_189 = arith.constant 0 : i32
    %dma_wait3A_190 = arith.constant 0 : i32
    %dma_wait3A_191 = arith.constant 0 : i32
    %dma_wait3A_192 = tpu.memref_slice %arg6[%dma_wait3A_189, %dma_wait3A_190, %dma_wait3A_191] : memref<2x32x1024xf32, #tpu.memory_space<vmem>> -> memref<1x32x1024xf32, #tpu.memory_space<vmem>>
    %dma_wait3A_193 = tpu.memref_squeeze %dma_wait3A_192 : memref<1x32x1024xf32, #tpu.memory_space<vmem>> -> memref<32x1024xf32, #tpu.memory_space<vmem>>
    %dma_wait3A_194 = arith.constant 0 : i32
    %dma_wait3A_195 = tpu.memref_slice %arg4[%add3A_146, %dma_wait3A_194] : memref<4096x1024xf32, #tpu.memory_space<hbm>> -> memref<32x1024xf32, #tpu.memory_space<hbm>>
    %dma_wait3A_196 = arith.constant 0 : i32
    %dma_wait3A_197 = tpu.memref_slice %arg4[%add3A_146, %dma_wait3A_196] : memref<4096x1024xf32, #tpu.memory_space<hbm>> -> memref<32x1024xf32, #tpu.memory_space<hbm>>
    %dma_wait3A_198 = arith.constant 0 : i32
    %dma_wait3A_199 = arith.constant 0 : i32
    %dma_wait3A_200 = tpu.memref_slice %arg6[%dma_wait3A_189, %dma_wait3A_198, %dma_wait3A_199] : memref<2x32x1024xf32, #tpu.memory_space<vmem>> -> memref<1x32x1024xf32, #tpu.memory_space<vmem>>
    %dma_wait3A_201 = tpu.memref_squeeze %dma_wait3A_200 : memref<1x32x1024xf32, #tpu.memory_space<vmem>> -> memref<32x1024xf32, #tpu.memory_space<vmem>>
    tpu.wait_dma2 semaphore(%arg9 : memref<!tpu.dma_semaphore, #tpu.memory_space<semaphore_mem>>) src(%dma_wait3A_201 : memref<32x1024xf32, #tpu.memory_space<vmem>>) dst(%dma_wait3A_197 : memref<32x1024xf32, #tpu.memory_space<hbm>>)
    %dma_wait3A_202 = arith.constant 1 : i32
    %dma_wait3A_203 = arith.constant 0 : i32
    %dma_wait3A_204 = arith.constant 0 : i32
    %dma_wait3A_205 = tpu.memref_slice %arg6[%dma_wait3A_202, %dma_wait3A_203, %dma_wait3A_204] : memref<2x32x1024xf32, #tpu.memory_space<vmem>> -> memref<1x32x1024xf32, #tpu.memory_space<vmem>>
    %dma_wait3A_206 = tpu.memref_squeeze %dma_wait3A_205 : memref<1x32x1024xf32, #tpu.memory_space<vmem>> -> memref<32x1024xf32, #tpu.memory_space<vmem>>
    %dma_wait3A_207 = arith.constant 0 : i32
    %dma_wait3A_208 = tpu.memref_slice %arg4[%add3A_175, %dma_wait3A_207] : memref<4096x1024xf32, #tpu.memory_space<hbm>> -> memref<32x1024xf32, #tpu.memory_space<hbm>>
    %dma_wait3A_209 = arith.constant 0 : i32
    %dma_wait3A_210 = tpu.memref_slice %arg4[%add3A_175, %dma_wait3A_209] : memref<4096x1024xf32, #tpu.memory_space<hbm>> -> memref<32x1024xf32, #tpu.memory_space<hbm>>
    %dma_wait3A_211 = arith.constant 0 : i32
    %dma_wait3A_212 = arith.constant 0 : i32
    %dma_wait3A_213 = tpu.memref_slice %arg6[%dma_wait3A_202, %dma_wait3A_211, %dma_wait3A_212] : memref<2x32x1024xf32, #tpu.memory_space<vmem>> -> memref<1x32x1024xf32, #tpu.memory_space<vmem>>
    %dma_wait3A_214 = tpu.memref_squeeze %dma_wait3A_213 : memref<1x32x1024xf32, #tpu.memory_space<vmem>> -> memref<32x1024xf32, #tpu.memory_space<vmem>>
    tpu.wait_dma2 semaphore(%arg10 : memref<!tpu.dma_semaphore, #tpu.memory_space<semaphore_mem>>) src(%dma_wait3A_214 : memref<32x1024xf32, #tpu.memory_space<vmem>>) dst(%dma_wait3A_210 : memref<32x1024xf32, #tpu.memory_space<hbm>>)
    return
  }
}

#map = affine_map<(d0, d1) -> (0, 0)>
#map1 = affine_map<(d0, d1) -> (0, 0, 0)>
module attributes {stable_mosaic.version = 14 : i64} {
  func.func @_disperse_body(%arg0: i32, %arg1: i32, %arg2: memref<4096x1024xf32, #tpu.memory_space<hbm>>, %arg3: memref<32x4x32xi32, #tpu.memory_space<hbm>>, %arg4: memref<6144x1024xf32, #tpu.memory_space<hbm>>, %arg5: memref<4x32xi32, #tpu.memory_space<vmem>>, %arg6: memref<2x32x1024xf32, #tpu.memory_space<vmem>>, %arg7: memref<!tpu.dma_semaphore, #tpu.memory_space<semaphore_mem>>, %arg8: memref<!tpu.dma_semaphore, #tpu.memory_space<semaphore_mem>>, %arg9: memref<!tpu.dma_semaphore, #tpu.memory_space<semaphore_mem>>, %arg10: memref<!tpu.dma_semaphore, #tpu.memory_space<semaphore_mem>>) attributes {dimension_semantics = [#tpu.dimension_semantics<core_parallel>, #tpu.dimension_semantics<subcore_parallel>], iteration_bounds = array<i64: 2, 16>, scalar_prefetch = 0 : i64, scratch_operands = 6 : i64, tpu.core_type = #tpu.core_type<sc_vector_subcore>, window_params = [{transform_indices = #map}, {transform_indices = #map1}, {transform_indices = #map}]} {
    %mul3A = arith.constant 2 : i32
    %mul3A_0 = arith.muli %arg1, %mul3A : i32
    %add3A = arith.addi %mul3A_0, %arg0 : i32
    "tpu.region"() ({
      %run_scoped3A = tpu.sem_alloc : memref<!tpu.dma_semaphore, #tpu.memory_space<semaphore_mem>>
      %dma_start3A_213 = arith.constant 0 : i32
      %dma_start3A_214 = arith.constant 0 : i32
      %dma_start3A_215 = tpu.memref_slice %arg3[%add3A, %dma_start3A_213, %dma_start3A_214] : memref<32x4x32xi32, #tpu.memory_space<hbm>> -> memref<1x4x32xi32, #tpu.memory_space<hbm>>
      %dma_start3A_216 = tpu.memref_squeeze %dma_start3A_215 : memref<1x4x32xi32, #tpu.memory_space<hbm>> -> memref<4x32xi32, #tpu.memory_space<hbm>>
      %dma_start3A_217 = arith.constant 0 : i32
      %dma_start3A_218 = arith.constant 0 : i32
      %dma_start3A_219 = tpu.memref_slice %arg3[%add3A, %dma_start3A_217, %dma_start3A_218] : memref<32x4x32xi32, #tpu.memory_space<hbm>> -> memref<1x4x32xi32, #tpu.memory_space<hbm>>
      %dma_start3A_220 = tpu.memref_squeeze %dma_start3A_219 : memref<1x4x32xi32, #tpu.memory_space<hbm>> -> memref<4x32xi32, #tpu.memory_space<hbm>>
      tpu.enqueue_dma source(%dma_start3A_220 : memref<4x32xi32, #tpu.memory_space<hbm>>) target(%arg5 : memref<4x32xi32, #tpu.memory_space<vmem>>) target_semaphore(%run_scoped3A : memref<!tpu.dma_semaphore, #tpu.memory_space<semaphore_mem>>)
      %dma_wait3A_221 = arith.constant 0 : i32
      %dma_wait3A_222 = arith.constant 0 : i32
      %dma_wait3A_223 = tpu.memref_slice %arg3[%add3A, %dma_wait3A_221, %dma_wait3A_222] : memref<32x4x32xi32, #tpu.memory_space<hbm>> -> memref<1x4x32xi32, #tpu.memory_space<hbm>>
      %dma_wait3A_224 = tpu.memref_squeeze %dma_wait3A_223 : memref<1x4x32xi32, #tpu.memory_space<hbm>> -> memref<4x32xi32, #tpu.memory_space<hbm>>
      %dma_wait3A_225 = arith.constant 0 : i32
      %dma_wait3A_226 = arith.constant 0 : i32
      %dma_wait3A_227 = tpu.memref_slice %arg3[%add3A, %dma_wait3A_225, %dma_wait3A_226] : memref<32x4x32xi32, #tpu.memory_space<hbm>> -> memref<1x4x32xi32, #tpu.memory_space<hbm>>
      %dma_wait3A_228 = tpu.memref_squeeze %dma_wait3A_227 : memref<1x4x32xi32, #tpu.memory_space<hbm>> -> memref<4x32xi32, #tpu.memory_space<hbm>>
      tpu.wait_dma2 semaphore(%run_scoped3A : memref<!tpu.dma_semaphore, #tpu.memory_space<semaphore_mem>>) src(%dma_wait3A_228 : memref<4x32xi32, #tpu.memory_space<hbm>>) dst(%arg5 : memref<4x32xi32, #tpu.memory_space<vmem>>)
      tpu.yield
    }) : () -> ()
    %mul3A_1 = arith.constant 128 : i32
    %mul3A_2 = arith.muli %add3A, %mul3A_1 : i32
    %dma_start3A = arith.constant 0 : i32
    %dma_start3A_3 = arith.constant 0 : i32
    %dma_start3A_4 = arith.constant 0 : i32
    %dma_start3A_5 = tpu.memref_slice %arg6[%dma_start3A, %dma_start3A_3, %dma_start3A_4] : memref<2x32x1024xf32, #tpu.memory_space<vmem>> -> memref<1x32x1024xf32, #tpu.memory_space<vmem>>
    %dma_start3A_6 = tpu.memref_squeeze %dma_start3A_5 : memref<1x32x1024xf32, #tpu.memory_space<vmem>> -> memref<32x1024xf32, #tpu.memory_space<vmem>>
    %dma_start3A_7 = arith.constant 0 : i32
    %dma_start3A_8 = tpu.memref_slice %arg2[%mul3A_2, %dma_start3A_7] : memref<4096x1024xf32, #tpu.memory_space<hbm>> -> memref<32x1024xf32, #tpu.memory_space<hbm>>
    %dma_start3A_9 = arith.constant 0 : i32
    %dma_start3A_10 = arith.constant 0 : i32
    %dma_start3A_11 = tpu.memref_slice %arg6[%dma_start3A, %dma_start3A_9, %dma_start3A_10] : memref<2x32x1024xf32, #tpu.memory_space<vmem>> -> memref<1x32x1024xf32, #tpu.memory_space<vmem>>
    %dma_start3A_12 = tpu.memref_squeeze %dma_start3A_11 : memref<1x32x1024xf32, #tpu.memory_space<vmem>> -> memref<32x1024xf32, #tpu.memory_space<vmem>>
    %dma_start3A_13 = arith.constant 0 : i32
    %dma_start3A_14 = tpu.memref_slice %arg2[%mul3A_2, %dma_start3A_13] : memref<4096x1024xf32, #tpu.memory_space<hbm>> -> memref<32x1024xf32, #tpu.memory_space<hbm>>
    tpu.enqueue_dma source(%dma_start3A_14 : memref<32x1024xf32, #tpu.memory_space<hbm>>) target(%dma_start3A_12 : memref<32x1024xf32, #tpu.memory_space<vmem>>) target_semaphore(%arg7 : memref<!tpu.dma_semaphore, #tpu.memory_space<semaphore_mem>>)
    %mul3A_15 = arith.constant 128 : i32
    %mul3A_16 = arith.muli %add3A, %mul3A_15 : i32
    %add3A_17 = arith.constant 32 : i32
    %add3A_18 = arith.addi %mul3A_16, %add3A_17 : i32
    %dma_start3A_19 = arith.constant 1 : i32
    %dma_start3A_20 = arith.constant 0 : i32
    %dma_start3A_21 = arith.constant 0 : i32
    %dma_start3A_22 = tpu.memref_slice %arg6[%dma_start3A_19, %dma_start3A_20, %dma_start3A_21] : memref<2x32x1024xf32, #tpu.memory_space<vmem>> -> memref<1x32x1024xf32, #tpu.memory_space<vmem>>
    %dma_start3A_23 = tpu.memref_squeeze %dma_start3A_22 : memref<1x32x1024xf32, #tpu.memory_space<vmem>> -> memref<32x1024xf32, #tpu.memory_space<vmem>>
    %dma_start3A_24 = arith.constant 0 : i32
    %dma_start3A_25 = tpu.memref_slice %arg2[%add3A_18, %dma_start3A_24] : memref<4096x1024xf32, #tpu.memory_space<hbm>> -> memref<32x1024xf32, #tpu.memory_space<hbm>>
    %dma_start3A_26 = arith.constant 0 : i32
    %dma_start3A_27 = arith.constant 0 : i32
    %dma_start3A_28 = tpu.memref_slice %arg6[%dma_start3A_19, %dma_start3A_26, %dma_start3A_27] : memref<2x32x1024xf32, #tpu.memory_space<vmem>> -> memref<1x32x1024xf32, #tpu.memory_space<vmem>>
    %dma_start3A_29 = tpu.memref_squeeze %dma_start3A_28 : memref<1x32x1024xf32, #tpu.memory_space<vmem>> -> memref<32x1024xf32, #tpu.memory_space<vmem>>
    %dma_start3A_30 = arith.constant 0 : i32
    %dma_start3A_31 = tpu.memref_slice %arg2[%add3A_18, %dma_start3A_30] : memref<4096x1024xf32, #tpu.memory_space<hbm>> -> memref<32x1024xf32, #tpu.memory_space<hbm>>
    tpu.enqueue_dma source(%dma_start3A_31 : memref<32x1024xf32, #tpu.memory_space<hbm>>) target(%dma_start3A_29 : memref<32x1024xf32, #tpu.memory_space<vmem>>) target_semaphore(%arg8 : memref<!tpu.dma_semaphore, #tpu.memory_space<semaphore_mem>>)
    %dma_wait3A = arith.constant 0 : i32
    %dma_wait3A_32 = arith.constant 0 : i32
    %dma_wait3A_33 = arith.constant 0 : i32
    %dma_wait3A_34 = tpu.memref_slice %arg6[%dma_wait3A, %dma_wait3A_32, %dma_wait3A_33] : memref<2x32x1024xf32, #tpu.memory_space<vmem>> -> memref<1x32x1024xf32, #tpu.memory_space<vmem>>
    %dma_wait3A_35 = tpu.memref_squeeze %dma_wait3A_34 : memref<1x32x1024xf32, #tpu.memory_space<vmem>> -> memref<32x1024xf32, #tpu.memory_space<vmem>>
    %dma_wait3A_36 = arith.constant 0 : i32
    %dma_wait3A_37 = tpu.memref_slice %arg2[%mul3A_2, %dma_wait3A_36] : memref<4096x1024xf32, #tpu.memory_space<hbm>> -> memref<32x1024xf32, #tpu.memory_space<hbm>>
    %dma_wait3A_38 = arith.constant 0 : i32
    %dma_wait3A_39 = arith.constant 0 : i32
    %dma_wait3A_40 = tpu.memref_slice %arg6[%dma_wait3A, %dma_wait3A_38, %dma_wait3A_39] : memref<2x32x1024xf32, #tpu.memory_space<vmem>> -> memref<1x32x1024xf32, #tpu.memory_space<vmem>>
    %dma_wait3A_41 = tpu.memref_squeeze %dma_wait3A_40 : memref<1x32x1024xf32, #tpu.memory_space<vmem>> -> memref<32x1024xf32, #tpu.memory_space<vmem>>
    %dma_wait3A_42 = arith.constant 0 : i32
    %dma_wait3A_43 = tpu.memref_slice %arg2[%mul3A_2, %dma_wait3A_42] : memref<4096x1024xf32, #tpu.memory_space<hbm>> -> memref<32x1024xf32, #tpu.memory_space<hbm>>
    tpu.wait_dma2 semaphore(%arg7 : memref<!tpu.dma_semaphore, #tpu.memory_space<semaphore_mem>>) src(%dma_wait3A_43 : memref<32x1024xf32, #tpu.memory_space<hbm>>) dst(%dma_wait3A_41 : memref<32x1024xf32, #tpu.memory_space<vmem>>)
    %dma_start3A_44 = arith.constant 0 : i32
    %dma_start3A_45 = arith.constant 0 : i32
    %dma_start3A_46 = arith.constant 0 : i32
    %dma_start3A_47 = arith.constant 0 : i32
    %dma_start3A_48 = tpu.memref_slice %arg6[%dma_start3A_44, %dma_start3A_46, %dma_start3A_47] : memref<2x32x1024xf32, #tpu.memory_space<vmem>> -> memref<1x32x1024xf32, #tpu.memory_space<vmem>>
    %dma_start3A_49 = tpu.memref_squeeze %dma_start3A_48 : memref<1x32x1024xf32, #tpu.memory_space<vmem>> -> memref<32x1024xf32, #tpu.memory_space<vmem>>
    %dma_start3A_50 = arith.constant 0 : i32
    %dma_start3A_51 = tpu.memref_slice %arg5[%dma_start3A_45, %dma_start3A_50] : memref<4x32xi32, #tpu.memory_space<vmem>> -> memref<1x32xi32, #tpu.memory_space<vmem>>
    %dma_start3A_52 = tpu.memref_squeeze %dma_start3A_51 : memref<1x32xi32, #tpu.memory_space<vmem>> -> memref<32xi32, #tpu.memory_space<vmem>>
    %dma_start3A_53 = arith.constant 0 : i32
    %dma_start3A_54 = arith.constant 0 : i32
    %dma_start3A_55 = tpu.memref_slice %arg4[%dma_start3A_53, %dma_start3A_54] : memref<6144x1024xf32, #tpu.memory_space<hbm>> -> memref<6144x1024xf32, #tpu.memory_space<hbm>>
    tpu.enqueue_indirect_dma source(%dma_start3A_49 : memref<32x1024xf32, #tpu.memory_space<vmem>>) target(%dma_start3A_55 : memref<6144x1024xf32, #tpu.memory_space<hbm>>) offsets(%dma_start3A_52 : memref<32xi32, #tpu.memory_space<vmem>>) semaphore(%arg9 : memref<!tpu.dma_semaphore, #tpu.memory_space<semaphore_mem>>)
    %dma_wait3A_56 = arith.constant 0 : i32
    %dma_wait3A_57 = arith.constant 0 : i32
    %dma_wait3A_58 = arith.constant 0 : i32
    %dma_wait3A_59 = arith.constant 0 : i32
    %dma_wait3A_60 = tpu.memref_slice %arg6[%dma_wait3A_56, %dma_wait3A_58, %dma_wait3A_59] : memref<2x32x1024xf32, #tpu.memory_space<vmem>> -> memref<1x32x1024xf32, #tpu.memory_space<vmem>>
    %dma_wait3A_61 = tpu.memref_squeeze %dma_wait3A_60 : memref<1x32x1024xf32, #tpu.memory_space<vmem>> -> memref<32x1024xf32, #tpu.memory_space<vmem>>
    %dma_wait3A_62 = arith.constant 0 : i32
    %dma_wait3A_63 = tpu.memref_slice %arg5[%dma_wait3A_57, %dma_wait3A_62] : memref<4x32xi32, #tpu.memory_space<vmem>> -> memref<1x32xi32, #tpu.memory_space<vmem>>
    %dma_wait3A_64 = tpu.memref_squeeze %dma_wait3A_63 : memref<1x32xi32, #tpu.memory_space<vmem>> -> memref<32xi32, #tpu.memory_space<vmem>>
    %dma_wait3A_65 = arith.constant 0 : i32
    %dma_wait3A_66 = arith.constant 0 : i32
    %dma_wait3A_67 = tpu.memref_slice %arg4[%dma_wait3A_65, %dma_wait3A_66] : memref<6144x1024xf32, #tpu.memory_space<hbm>> -> memref<6144x1024xf32, #tpu.memory_space<hbm>>
    tpu.wait_indirect_dma semaphore(%arg9 : memref<!tpu.dma_semaphore, #tpu.memory_space<semaphore_mem>>) src(%dma_wait3A_61 : memref<32x1024xf32, #tpu.memory_space<vmem>>) dst(%dma_wait3A_67 : memref<6144x1024xf32, #tpu.memory_space<hbm>>)
    %mul3A_68 = arith.constant 128 : i32
    %mul3A_69 = arith.muli %add3A, %mul3A_68 : i32
    %add3A_70 = arith.constant 64 : i32
    %add3A_71 = arith.addi %mul3A_69, %add3A_70 : i32
    %dma_start3A_72 = arith.constant 0 : i32
    %dma_start3A_73 = arith.constant 0 : i32
    %dma_start3A_74 = arith.constant 0 : i32
    %dma_start3A_75 = tpu.memref_slice %arg6[%dma_start3A_72, %dma_start3A_73, %dma_start3A_74] : memref<2x32x1024xf32, #tpu.memory_space<vmem>> -> memref<1x32x1024xf32, #tpu.memory_space<vmem>>
    %dma_start3A_76 = tpu.memref_squeeze %dma_start3A_75 : memref<1x32x1024xf32, #tpu.memory_space<vmem>> -> memref<32x1024xf32, #tpu.memory_space<vmem>>
    %dma_start3A_77 = arith.constant 0 : i32
    %dma_start3A_78 = tpu.memref_slice %arg2[%add3A_71, %dma_start3A_77] : memref<4096x1024xf32, #tpu.memory_space<hbm>> -> memref<32x1024xf32, #tpu.memory_space<hbm>>
    %dma_start3A_79 = arith.constant 0 : i32
    %dma_start3A_80 = arith.constant 0 : i32
    %dma_start3A_81 = tpu.memref_slice %arg6[%dma_start3A_72, %dma_start3A_79, %dma_start3A_80] : memref<2x32x1024xf32, #tpu.memory_space<vmem>> -> memref<1x32x1024xf32, #tpu.memory_space<vmem>>
    %dma_start3A_82 = tpu.memref_squeeze %dma_start3A_81 : memref<1x32x1024xf32, #tpu.memory_space<vmem>> -> memref<32x1024xf32, #tpu.memory_space<vmem>>
    %dma_start3A_83 = arith.constant 0 : i32
    %dma_start3A_84 = tpu.memref_slice %arg2[%add3A_71, %dma_start3A_83] : memref<4096x1024xf32, #tpu.memory_space<hbm>> -> memref<32x1024xf32, #tpu.memory_space<hbm>>
    tpu.enqueue_dma source(%dma_start3A_84 : memref<32x1024xf32, #tpu.memory_space<hbm>>) target(%dma_start3A_82 : memref<32x1024xf32, #tpu.memory_space<vmem>>) target_semaphore(%arg7 : memref<!tpu.dma_semaphore, #tpu.memory_space<semaphore_mem>>)
    %dma_wait3A_85 = arith.constant 1 : i32
    %dma_wait3A_86 = arith.constant 0 : i32
    %dma_wait3A_87 = arith.constant 0 : i32
    %dma_wait3A_88 = tpu.memref_slice %arg6[%dma_wait3A_85, %dma_wait3A_86, %dma_wait3A_87] : memref<2x32x1024xf32, #tpu.memory_space<vmem>> -> memref<1x32x1024xf32, #tpu.memory_space<vmem>>
    %dma_wait3A_89 = tpu.memref_squeeze %dma_wait3A_88 : memref<1x32x1024xf32, #tpu.memory_space<vmem>> -> memref<32x1024xf32, #tpu.memory_space<vmem>>
    %dma_wait3A_90 = arith.constant 0 : i32
    %dma_wait3A_91 = tpu.memref_slice %arg2[%add3A_18, %dma_wait3A_90] : memref<4096x1024xf32, #tpu.memory_space<hbm>> -> memref<32x1024xf32, #tpu.memory_space<hbm>>
    %dma_wait3A_92 = arith.constant 0 : i32
    %dma_wait3A_93 = arith.constant 0 : i32
    %dma_wait3A_94 = tpu.memref_slice %arg6[%dma_wait3A_85, %dma_wait3A_92, %dma_wait3A_93] : memref<2x32x1024xf32, #tpu.memory_space<vmem>> -> memref<1x32x1024xf32, #tpu.memory_space<vmem>>
    %dma_wait3A_95 = tpu.memref_squeeze %dma_wait3A_94 : memref<1x32x1024xf32, #tpu.memory_space<vmem>> -> memref<32x1024xf32, #tpu.memory_space<vmem>>
    %dma_wait3A_96 = arith.constant 0 : i32
    %dma_wait3A_97 = tpu.memref_slice %arg2[%add3A_18, %dma_wait3A_96] : memref<4096x1024xf32, #tpu.memory_space<hbm>> -> memref<32x1024xf32, #tpu.memory_space<hbm>>
    tpu.wait_dma2 semaphore(%arg8 : memref<!tpu.dma_semaphore, #tpu.memory_space<semaphore_mem>>) src(%dma_wait3A_97 : memref<32x1024xf32, #tpu.memory_space<hbm>>) dst(%dma_wait3A_95 : memref<32x1024xf32, #tpu.memory_space<vmem>>)
    %dma_start3A_98 = arith.constant 1 : i32
    %dma_start3A_99 = arith.constant 1 : i32
    %dma_start3A_100 = arith.constant 0 : i32
    %dma_start3A_101 = arith.constant 0 : i32
    %dma_start3A_102 = tpu.memref_slice %arg6[%dma_start3A_98, %dma_start3A_100, %dma_start3A_101] : memref<2x32x1024xf32, #tpu.memory_space<vmem>> -> memref<1x32x1024xf32, #tpu.memory_space<vmem>>
    %dma_start3A_103 = tpu.memref_squeeze %dma_start3A_102 : memref<1x32x1024xf32, #tpu.memory_space<vmem>> -> memref<32x1024xf32, #tpu.memory_space<vmem>>
    %dma_start3A_104 = arith.constant 0 : i32
    %dma_start3A_105 = tpu.memref_slice %arg5[%dma_start3A_99, %dma_start3A_104] : memref<4x32xi32, #tpu.memory_space<vmem>> -> memref<1x32xi32, #tpu.memory_space<vmem>>
    %dma_start3A_106 = tpu.memref_squeeze %dma_start3A_105 : memref<1x32xi32, #tpu.memory_space<vmem>> -> memref<32xi32, #tpu.memory_space<vmem>>
    %dma_start3A_107 = arith.constant 0 : i32
    %dma_start3A_108 = arith.constant 0 : i32
    %dma_start3A_109 = tpu.memref_slice %arg4[%dma_start3A_107, %dma_start3A_108] : memref<6144x1024xf32, #tpu.memory_space<hbm>> -> memref<6144x1024xf32, #tpu.memory_space<hbm>>
    tpu.enqueue_indirect_dma source(%dma_start3A_103 : memref<32x1024xf32, #tpu.memory_space<vmem>>) target(%dma_start3A_109 : memref<6144x1024xf32, #tpu.memory_space<hbm>>) offsets(%dma_start3A_106 : memref<32xi32, #tpu.memory_space<vmem>>) semaphore(%arg10 : memref<!tpu.dma_semaphore, #tpu.memory_space<semaphore_mem>>)
    %dma_wait3A_110 = arith.constant 1 : i32
    %dma_wait3A_111 = arith.constant 1 : i32
    %dma_wait3A_112 = arith.constant 0 : i32
    %dma_wait3A_113 = arith.constant 0 : i32
    %dma_wait3A_114 = tpu.memref_slice %arg6[%dma_wait3A_110, %dma_wait3A_112, %dma_wait3A_113] : memref<2x32x1024xf32, #tpu.memory_space<vmem>> -> memref<1x32x1024xf32, #tpu.memory_space<vmem>>
    %dma_wait3A_115 = tpu.memref_squeeze %dma_wait3A_114 : memref<1x32x1024xf32, #tpu.memory_space<vmem>> -> memref<32x1024xf32, #tpu.memory_space<vmem>>
    %dma_wait3A_116 = arith.constant 0 : i32
    %dma_wait3A_117 = tpu.memref_slice %arg5[%dma_wait3A_111, %dma_wait3A_116] : memref<4x32xi32, #tpu.memory_space<vmem>> -> memref<1x32xi32, #tpu.memory_space<vmem>>
    %dma_wait3A_118 = tpu.memref_squeeze %dma_wait3A_117 : memref<1x32xi32, #tpu.memory_space<vmem>> -> memref<32xi32, #tpu.memory_space<vmem>>
    %dma_wait3A_119 = arith.constant 0 : i32
    %dma_wait3A_120 = arith.constant 0 : i32
    %dma_wait3A_121 = tpu.memref_slice %arg4[%dma_wait3A_119, %dma_wait3A_120] : memref<6144x1024xf32, #tpu.memory_space<hbm>> -> memref<6144x1024xf32, #tpu.memory_space<hbm>>
    tpu.wait_indirect_dma semaphore(%arg10 : memref<!tpu.dma_semaphore, #tpu.memory_space<semaphore_mem>>) src(%dma_wait3A_115 : memref<32x1024xf32, #tpu.memory_space<vmem>>) dst(%dma_wait3A_121 : memref<6144x1024xf32, #tpu.memory_space<hbm>>)
    %mul3A_122 = arith.constant 128 : i32
    %mul3A_123 = arith.muli %add3A, %mul3A_122 : i32
    %add3A_124 = arith.constant 96 : i32
    %add3A_125 = arith.addi %mul3A_123, %add3A_124 : i32
    %dma_start3A_126 = arith.constant 1 : i32
    %dma_start3A_127 = arith.constant 0 : i32
    %dma_start3A_128 = arith.constant 0 : i32
    %dma_start3A_129 = tpu.memref_slice %arg6[%dma_start3A_126, %dma_start3A_127, %dma_start3A_128] : memref<2x32x1024xf32, #tpu.memory_space<vmem>> -> memref<1x32x1024xf32, #tpu.memory_space<vmem>>
    %dma_start3A_130 = tpu.memref_squeeze %dma_start3A_129 : memref<1x32x1024xf32, #tpu.memory_space<vmem>> -> memref<32x1024xf32, #tpu.memory_space<vmem>>
    %dma_start3A_131 = arith.constant 0 : i32
    %dma_start3A_132 = tpu.memref_slice %arg2[%add3A_125, %dma_start3A_131] : memref<4096x1024xf32, #tpu.memory_space<hbm>> -> memref<32x1024xf32, #tpu.memory_space<hbm>>
    %dma_start3A_133 = arith.constant 0 : i32
    %dma_start3A_134 = arith.constant 0 : i32
    %dma_start3A_135 = tpu.memref_slice %arg6[%dma_start3A_126, %dma_start3A_133, %dma_start3A_134] : memref<2x32x1024xf32, #tpu.memory_space<vmem>> -> memref<1x32x1024xf32, #tpu.memory_space<vmem>>
    %dma_start3A_136 = tpu.memref_squeeze %dma_start3A_135 : memref<1x32x1024xf32, #tpu.memory_space<vmem>> -> memref<32x1024xf32, #tpu.memory_space<vmem>>
    %dma_start3A_137 = arith.constant 0 : i32
    %dma_start3A_138 = tpu.memref_slice %arg2[%add3A_125, %dma_start3A_137] : memref<4096x1024xf32, #tpu.memory_space<hbm>> -> memref<32x1024xf32, #tpu.memory_space<hbm>>
    tpu.enqueue_dma source(%dma_start3A_138 : memref<32x1024xf32, #tpu.memory_space<hbm>>) target(%dma_start3A_136 : memref<32x1024xf32, #tpu.memory_space<vmem>>) target_semaphore(%arg8 : memref<!tpu.dma_semaphore, #tpu.memory_space<semaphore_mem>>)
    %dma_wait3A_139 = arith.constant 0 : i32
    %dma_wait3A_140 = arith.constant 0 : i32
    %dma_wait3A_141 = arith.constant 0 : i32
    %dma_wait3A_142 = tpu.memref_slice %arg6[%dma_wait3A_139, %dma_wait3A_140, %dma_wait3A_141] : memref<2x32x1024xf32, #tpu.memory_space<vmem>> -> memref<1x32x1024xf32, #tpu.memory_space<vmem>>
    %dma_wait3A_143 = tpu.memref_squeeze %dma_wait3A_142 : memref<1x32x1024xf32, #tpu.memory_space<vmem>> -> memref<32x1024xf32, #tpu.memory_space<vmem>>
    %dma_wait3A_144 = arith.constant 0 : i32
    %dma_wait3A_145 = tpu.memref_slice %arg2[%add3A_71, %dma_wait3A_144] : memref<4096x1024xf32, #tpu.memory_space<hbm>> -> memref<32x1024xf32, #tpu.memory_space<hbm>>
    %dma_wait3A_146 = arith.constant 0 : i32
    %dma_wait3A_147 = arith.constant 0 : i32
    %dma_wait3A_148 = tpu.memref_slice %arg6[%dma_wait3A_139, %dma_wait3A_146, %dma_wait3A_147] : memref<2x32x1024xf32, #tpu.memory_space<vmem>> -> memref<1x32x1024xf32, #tpu.memory_space<vmem>>
    %dma_wait3A_149 = tpu.memref_squeeze %dma_wait3A_148 : memref<1x32x1024xf32, #tpu.memory_space<vmem>> -> memref<32x1024xf32, #tpu.memory_space<vmem>>
    %dma_wait3A_150 = arith.constant 0 : i32
    %dma_wait3A_151 = tpu.memref_slice %arg2[%add3A_71, %dma_wait3A_150] : memref<4096x1024xf32, #tpu.memory_space<hbm>> -> memref<32x1024xf32, #tpu.memory_space<hbm>>
    tpu.wait_dma2 semaphore(%arg7 : memref<!tpu.dma_semaphore, #tpu.memory_space<semaphore_mem>>) src(%dma_wait3A_151 : memref<32x1024xf32, #tpu.memory_space<hbm>>) dst(%dma_wait3A_149 : memref<32x1024xf32, #tpu.memory_space<vmem>>)
    %dma_start3A_152 = arith.constant 0 : i32
    %dma_start3A_153 = arith.constant 2 : i32
    %dma_start3A_154 = arith.constant 0 : i32
    %dma_start3A_155 = arith.constant 0 : i32
    %dma_start3A_156 = tpu.memref_slice %arg6[%dma_start3A_152, %dma_start3A_154, %dma_start3A_155] : memref<2x32x1024xf32, #tpu.memory_space<vmem>> -> memref<1x32x1024xf32, #tpu.memory_space<vmem>>
    %dma_start3A_157 = tpu.memref_squeeze %dma_start3A_156 : memref<1x32x1024xf32, #tpu.memory_space<vmem>> -> memref<32x1024xf32, #tpu.memory_space<vmem>>
    %dma_start3A_158 = arith.constant 0 : i32
    %dma_start3A_159 = tpu.memref_slice %arg5[%dma_start3A_153, %dma_start3A_158] : memref<4x32xi32, #tpu.memory_space<vmem>> -> memref<1x32xi32, #tpu.memory_space<vmem>>
    %dma_start3A_160 = tpu.memref_squeeze %dma_start3A_159 : memref<1x32xi32, #tpu.memory_space<vmem>> -> memref<32xi32, #tpu.memory_space<vmem>>
    %dma_start3A_161 = arith.constant 0 : i32
    %dma_start3A_162 = arith.constant 0 : i32
    %dma_start3A_163 = tpu.memref_slice %arg4[%dma_start3A_161, %dma_start3A_162] : memref<6144x1024xf32, #tpu.memory_space<hbm>> -> memref<6144x1024xf32, #tpu.memory_space<hbm>>
    tpu.enqueue_indirect_dma source(%dma_start3A_157 : memref<32x1024xf32, #tpu.memory_space<vmem>>) target(%dma_start3A_163 : memref<6144x1024xf32, #tpu.memory_space<hbm>>) offsets(%dma_start3A_160 : memref<32xi32, #tpu.memory_space<vmem>>) semaphore(%arg9 : memref<!tpu.dma_semaphore, #tpu.memory_space<semaphore_mem>>)
    %dma_wait3A_164 = arith.constant 1 : i32
    %dma_wait3A_165 = arith.constant 0 : i32
    %dma_wait3A_166 = arith.constant 0 : i32
    %dma_wait3A_167 = tpu.memref_slice %arg6[%dma_wait3A_164, %dma_wait3A_165, %dma_wait3A_166] : memref<2x32x1024xf32, #tpu.memory_space<vmem>> -> memref<1x32x1024xf32, #tpu.memory_space<vmem>>
    %dma_wait3A_168 = tpu.memref_squeeze %dma_wait3A_167 : memref<1x32x1024xf32, #tpu.memory_space<vmem>> -> memref<32x1024xf32, #tpu.memory_space<vmem>>
    %dma_wait3A_169 = arith.constant 0 : i32
    %dma_wait3A_170 = tpu.memref_slice %arg2[%add3A_125, %dma_wait3A_169] : memref<4096x1024xf32, #tpu.memory_space<hbm>> -> memref<32x1024xf32, #tpu.memory_space<hbm>>
    %dma_wait3A_171 = arith.constant 0 : i32
    %dma_wait3A_172 = arith.constant 0 : i32
    %dma_wait3A_173 = tpu.memref_slice %arg6[%dma_wait3A_164, %dma_wait3A_171, %dma_wait3A_172] : memref<2x32x1024xf32, #tpu.memory_space<vmem>> -> memref<1x32x1024xf32, #tpu.memory_space<vmem>>
    %dma_wait3A_174 = tpu.memref_squeeze %dma_wait3A_173 : memref<1x32x1024xf32, #tpu.memory_space<vmem>> -> memref<32x1024xf32, #tpu.memory_space<vmem>>
    %dma_wait3A_175 = arith.constant 0 : i32
    %dma_wait3A_176 = tpu.memref_slice %arg2[%add3A_125, %dma_wait3A_175] : memref<4096x1024xf32, #tpu.memory_space<hbm>> -> memref<32x1024xf32, #tpu.memory_space<hbm>>
    tpu.wait_dma2 semaphore(%arg8 : memref<!tpu.dma_semaphore, #tpu.memory_space<semaphore_mem>>) src(%dma_wait3A_176 : memref<32x1024xf32, #tpu.memory_space<hbm>>) dst(%dma_wait3A_174 : memref<32x1024xf32, #tpu.memory_space<vmem>>)
    %dma_start3A_177 = arith.constant 1 : i32
    %dma_start3A_178 = arith.constant 3 : i32
    %dma_start3A_179 = arith.constant 0 : i32
    %dma_start3A_180 = arith.constant 0 : i32
    %dma_start3A_181 = tpu.memref_slice %arg6[%dma_start3A_177, %dma_start3A_179, %dma_start3A_180] : memref<2x32x1024xf32, #tpu.memory_space<vmem>> -> memref<1x32x1024xf32, #tpu.memory_space<vmem>>
    %dma_start3A_182 = tpu.memref_squeeze %dma_start3A_181 : memref<1x32x1024xf32, #tpu.memory_space<vmem>> -> memref<32x1024xf32, #tpu.memory_space<vmem>>
    %dma_start3A_183 = arith.constant 0 : i32
    %dma_start3A_184 = tpu.memref_slice %arg5[%dma_start3A_178, %dma_start3A_183] : memref<4x32xi32, #tpu.memory_space<vmem>> -> memref<1x32xi32, #tpu.memory_space<vmem>>
    %dma_start3A_185 = tpu.memref_squeeze %dma_start3A_184 : memref<1x32xi32, #tpu.memory_space<vmem>> -> memref<32xi32, #tpu.memory_space<vmem>>
    %dma_start3A_186 = arith.constant 0 : i32
    %dma_start3A_187 = arith.constant 0 : i32
    %dma_start3A_188 = tpu.memref_slice %arg4[%dma_start3A_186, %dma_start3A_187] : memref<6144x1024xf32, #tpu.memory_space<hbm>> -> memref<6144x1024xf32, #tpu.memory_space<hbm>>
    tpu.enqueue_indirect_dma source(%dma_start3A_182 : memref<32x1024xf32, #tpu.memory_space<vmem>>) target(%dma_start3A_188 : memref<6144x1024xf32, #tpu.memory_space<hbm>>) offsets(%dma_start3A_185 : memref<32xi32, #tpu.memory_space<vmem>>) semaphore(%arg10 : memref<!tpu.dma_semaphore, #tpu.memory_space<semaphore_mem>>)
    %dma_wait3A_189 = arith.constant 0 : i32
    %dma_wait3A_190 = arith.constant 2 : i32
    %dma_wait3A_191 = arith.constant 0 : i32
    %dma_wait3A_192 = arith.constant 0 : i32
    %dma_wait3A_193 = tpu.memref_slice %arg6[%dma_wait3A_189, %dma_wait3A_191, %dma_wait3A_192] : memref<2x32x1024xf32, #tpu.memory_space<vmem>> -> memref<1x32x1024xf32, #tpu.memory_space<vmem>>
    %dma_wait3A_194 = tpu.memref_squeeze %dma_wait3A_193 : memref<1x32x1024xf32, #tpu.memory_space<vmem>> -> memref<32x1024xf32, #tpu.memory_space<vmem>>
    %dma_wait3A_195 = arith.constant 0 : i32
    %dma_wait3A_196 = tpu.memref_slice %arg5[%dma_wait3A_190, %dma_wait3A_195] : memref<4x32xi32, #tpu.memory_space<vmem>> -> memref<1x32xi32, #tpu.memory_space<vmem>>
    %dma_wait3A_197 = tpu.memref_squeeze %dma_wait3A_196 : memref<1x32xi32, #tpu.memory_space<vmem>> -> memref<32xi32, #tpu.memory_space<vmem>>
    %dma_wait3A_198 = arith.constant 0 : i32
    %dma_wait3A_199 = arith.constant 0 : i32
    %dma_wait3A_200 = tpu.memref_slice %arg4[%dma_wait3A_198, %dma_wait3A_199] : memref<6144x1024xf32, #tpu.memory_space<hbm>> -> memref<6144x1024xf32, #tpu.memory_space<hbm>>
    tpu.wait_indirect_dma semaphore(%arg9 : memref<!tpu.dma_semaphore, #tpu.memory_space<semaphore_mem>>) src(%dma_wait3A_194 : memref<32x1024xf32, #tpu.memory_space<vmem>>) dst(%dma_wait3A_200 : memref<6144x1024xf32, #tpu.memory_space<hbm>>)
    %dma_wait3A_201 = arith.constant 1 : i32
    %dma_wait3A_202 = arith.constant 3 : i32
    %dma_wait3A_203 = arith.constant 0 : i32
    %dma_wait3A_204 = arith.constant 0 : i32
    %dma_wait3A_205 = tpu.memref_slice %arg6[%dma_wait3A_201, %dma_wait3A_203, %dma_wait3A_204] : memref<2x32x1024xf32, #tpu.memory_space<vmem>> -> memref<1x32x1024xf32, #tpu.memory_space<vmem>>
    %dma_wait3A_206 = tpu.memref_squeeze %dma_wait3A_205 : memref<1x32x1024xf32, #tpu.memory_space<vmem>> -> memref<32x1024xf32, #tpu.memory_space<vmem>>
    %dma_wait3A_207 = arith.constant 0 : i32
    %dma_wait3A_208 = tpu.memref_slice %arg5[%dma_wait3A_202, %dma_wait3A_207] : memref<4x32xi32, #tpu.memory_space<vmem>> -> memref<1x32xi32, #tpu.memory_space<vmem>>
    %dma_wait3A_209 = tpu.memref_squeeze %dma_wait3A_208 : memref<1x32xi32, #tpu.memory_space<vmem>> -> memref<32xi32, #tpu.memory_space<vmem>>
    %dma_wait3A_210 = arith.constant 0 : i32
    %dma_wait3A_211 = arith.constant 0 : i32
    %dma_wait3A_212 = tpu.memref_slice %arg4[%dma_wait3A_210, %dma_wait3A_211] : memref<6144x1024xf32, #tpu.memory_space<hbm>> -> memref<6144x1024xf32, #tpu.memory_space<hbm>>
    tpu.wait_indirect_dma semaphore(%arg10 : memref<!tpu.dma_semaphore, #tpu.memory_space<semaphore_mem>>) src(%dma_wait3A_206 : memref<32x1024xf32, #tpu.memory_space<vmem>>) dst(%dma_wait3A_212 : memref<6144x1024xf32, #tpu.memory_space<hbm>>)
    return
  }
}

module attributes {stable_mosaic.version = 14 : i64} {
  func.func @_router_body(%arg0: i32, %arg1: memref<512x1024xf32, #tpu.memory_space<vmem>>, %arg2: memref<128x1024xf32, #tpu.memory_space<vmem>>, %arg3: memref<512xi32, #tpu.memory_space<vmem>>) attributes {dimension_semantics = [#tpu.dimension_semantics<arbitrary>], iteration_bounds = array<i64: 8>, scalar_prefetch = 0 : i64, scratch_operands = 0 : i64, tpu.core_type = #tpu.core_type<tc>, window_params = [{transform_indices = @transform_0, window_bounds = array<i64: 512, 1024>}, {pipeline_mode = #tpu.pipeline_mode<synchronous>, transform_indices = @transform_1, window_bounds = array<i64: 128, 1024>}, {transform_indices = @transform_2, window_bounds = array<i64: 512>}]} {
    %get3A = arith.constant 0 : index
    %get3A_0 = arith.constant 0 : index
    %get3A_1 = vector.load %arg1[%get3A, %get3A_0] : memref<512x1024xf32, #tpu.memory_space<vmem>>, vector<512x1024xf32>
    %get3A_2 = arith.constant 0 : index
    %get3A_3 = arith.constant 0 : index
    %get3A_4 = vector.load %arg2[%get3A_2, %get3A_3] : memref<128x1024xf32, #tpu.memory_space<vmem>>, vector<128x1024xf32>
    %dot_general3A = arith.constant dense<0.000000e+00> : vector<512x128xf32>
    %dot_general3A_5 = tpu.matmul %get3A_1, %get3A_4, %dot_general3A {dimension_numbers = #tpu.dot_dimension_numbers<[1], [1], [0], [0], [0, 0, 1, 0], [], []>, transpose_lhs_hint = false} : vector<512x1024xf32>, vector<128x1024xf32>, vector<512x128xf32> -> vector<512x128xf32>
    %iota3A = tpu.iota {dimensions = array<i32: 1>} : vector<512x128xi32>
    %lt3A = arith.constant 8 : i32
    %lt3A_6 = vector.broadcast %lt3A : i32 to vector<512x128xi32>
    %lt3A_7 = arith.cmpi slt, %iota3A, %lt3A_6 : vector<512x128xi32>
    %jit3A = arith.constant 0xFF800000 : f32
    %broadcast_in_dim3A = vector.broadcast %jit3A : f32 to vector<512x128xf32>
    %select_n3A = arith.select %lt3A_7, %dot_general3A_5, %broadcast_in_dim3A : vector<512x128xi1>, vector<512x128xf32>
    %reduce_max3A = arith.constant dense<0xFF800000> : vector<512xf32>
    %reduce_max3A_8 = vector.multi_reduction <maximumf>, %select_n3A, %reduce_max3A [1] : vector<512x128xf32> to vector<512xf32>
    %broadcast_in_dim3A_9 = vector.shape_cast %reduce_max3A_8 : vector<512xf32> to vector<512x1xf32>
    %eq3A = vector.broadcast %broadcast_in_dim3A_9 : vector<512x1xf32> to vector<512x128xf32>
    %eq3A_10 = arith.cmpf oeq, %select_n3A, %eq3A : vector<512x128xf32>
    %jit3A_11 = arith.constant 128 : i32
    %broadcast_in_dim3A_12 = vector.broadcast %jit3A_11 : i32 to vector<512x128xi32>
    %select_n3A_13 = arith.select %eq3A_10, %iota3A, %broadcast_in_dim3A_12 : vector<512x128xi1>, vector<512x128xi32>
    %reduce_min3A = arith.constant dense<2147483647> : vector<512xi32>
    %reduce_min3A_14 = vector.multi_reduction <minsi>, %select_n3A_13, %reduce_min3A [1] : vector<512x128xi32> to vector<512xi32>
    %swap3A = arith.constant 0 : index
    %swap3A_15 = vector.load %arg3[%swap3A] : memref<512xi32, #tpu.memory_space<vmem>>, vector<512xi32>
    tpu.vector_store %arg3[%swap3A], %reduce_min3A_14 {strides = array<i32>} : memref<512xi32, #tpu.memory_space<vmem>>, vector<512xi32>,
    return
  }
  func.func @transform_0(%arg0: i32) -> (i32, i32) {
    %c0_i32 = arith.constant 0 : i32
    %c0_i32_0 = arith.constant 0 : i32
    return %arg0, %c0_i32 : i32, i32
  }
  func.func @transform_1(%arg0: i32) -> (i32, i32) {
    %c0_i32 = arith.constant 0 : i32
    %c0_i32_0 = arith.constant 0 : i32
    %c0_i32_1 = arith.constant 0 : i32
    return %c0_i32, %c0_i32_0 : i32, i32
  }
  func.func @transform_2(%arg0: i32) -> i32 {
    %c0_i32 = arith.constant 0 : i32
    return %arg0 : i32
  }
}

module attributes {stable_mosaic.version = 14 : i64} {
  func.func @_ffn_body(%arg0: i32, %arg1: memref<24xi32, #tpu.memory_space<smem>>, %arg2: memref<1xi32, #tpu.memory_space<smem>>, %arg3: memref<256x1024xf32, #tpu.memory_space<vmem>>, %arg4: memref<1x1024x4096xf32, #tpu.memory_space<vmem>>, %arg5: memref<1x4096x1024xf32, #tpu.memory_space<vmem>>, %arg6: memref<256x1024xf32, #tpu.memory_space<vmem>>) attributes {dimension_semantics = [#tpu.dimension_semantics<arbitrary>], iteration_bounds = array<i64: 24>, scalar_prefetch = 2 : i64, scratch_operands = 0 : i64, tpu.core_type = #tpu.core_type<tc>, window_params = [{transform_indices = @transform_0, window_bounds = array<i64: 256, 1024>}, {pipeline_mode = #tpu.pipeline_mode<synchronous>, transform_indices = @transform_1, window_bounds = array<i64: 1, 1024, 4096>}, {pipeline_mode = #tpu.pipeline_mode<double_buffered>, transform_indices = @transform_2, window_bounds = array<i64: 1, 4096, 1024>}, {transform_indices = @transform_3, window_bounds = array<i64: 256, 1024>}]} {
    %get3A = arith.constant 0 : index
    %get3A_0 = memref.load %arg2[%get3A] : memref<1xi32, #tpu.memory_space<smem>>
    %lt3A = arith.cmpi slt, %arg0, %get3A_0 : i32
    %convert_element_type3A = arith.extui %lt3A : i1 to i32
    %cond3A = arith.constant 0 : i32
    %cond3A_1 = arith.cmpi ne, %convert_element_type3A, %cond3A : i32
    scf.if %cond3A_1 {
      %get3A_2 = arith.constant 0 : index
      %get3A_3 = arith.constant 0 : index
      %get3A_4 = vector.load %arg3[%get3A_2, %get3A_3] : memref<256x1024xf32, #tpu.memory_space<vmem>>, vector<256x1024xf32>
      %convert_element_type3A_5 = arith.truncf %get3A_4 : vector<256x1024xf32> to vector<256x1024xbf16>
      %get3A_6 = arith.constant 0 : index
      %get3A_7 = arith.constant 0 : index
      %get3A_8 = arith.constant 0 : index
      %get3A_9 = vector.load %arg4[%get3A_6, %get3A_7, %get3A_8] : memref<1x1024x4096xf32, #tpu.memory_space<vmem>>, vector<1x1024x512xf32>
      %get3A_10 = vector.shape_cast %get3A_9 : vector<1x1024x512xf32> to vector<1024x512xf32>
      %convert_element_type3A_11 = arith.truncf %get3A_10 : vector<1024x512xf32> to vector<1024x512xbf16>
      %dot_general3A = arith.constant dense<0.000000e+00> : vector<256x512xf32>
      %dot_general3A_12 = tpu.matmul %convert_element_type3A_5, %convert_element_type3A_11, %dot_general3A {dimension_numbers = #tpu.dot_dimension_numbers<[1], [0], [0], [1], [0, 0, 1, 1], [], []>, transpose_lhs_hint = false} : vector<256x1024xbf16>, vector<1024x512xbf16>, vector<256x512xf32> -> vector<256x512xf32>
      %mul3A = arith.constant 5.000000e-01 : f32
      %mul3A_13 = vector.broadcast %mul3A : f32 to vector<256x512xf32>
      %mul3A_14 = arith.mulf %mul3A_13, %dot_general3A_12 : vector<256x512xf32>
      %mul3A_15 = arith.constant 0.707106769 : f32
      %mul3A_16 = vector.broadcast %mul3A_15 : f32 to vector<256x512xf32>
      %mul3A_17 = arith.mulf %dot_general3A_12, %mul3A_16 : vector<256x512xf32>
      %erf3A = math.erf %mul3A_17 : vector<256x512xf32>
      %add3A = arith.constant 1.000000e+00 : f32
      %add3A_18 = vector.broadcast %add3A : f32 to vector<256x512xf32>
      %add3A_19 = arith.addf %add3A_18, %erf3A : vector<256x512xf32>
      %mul3A_20 = arith.mulf %mul3A_14, %add3A_19 : vector<256x512xf32>
      %get3A_21 = arith.constant 0 : index
      %get3A_22 = arith.constant 0 : index
      %get3A_23 = arith.constant 0 : index
      %get3A_24 = vector.load %arg5[%get3A_21, %get3A_22, %get3A_23] : memref<1x4096x1024xf32, #tpu.memory_space<vmem>>, vector<1x512x1024xf32>
      %get3A_25 = vector.shape_cast %get3A_24 : vector<1x512x1024xf32> to vector<512x1024xf32>
      %convert_element_type3A_26 = arith.truncf %get3A_25 : vector<512x1024xf32> to vector<512x1024xbf16>
      %convert_element_type3A_27 = arith.truncf %mul3A_20 : vector<256x512xf32> to vector<256x512xbf16>
      %dot_general3A_28 = arith.constant dense<0.000000e+00> : vector<256x1024xf32>
      %dot_general3A_29 = tpu.matmul %convert_element_type3A_27, %convert_element_type3A_26, %dot_general3A_28 {dimension_numbers = #tpu.dot_dimension_numbers<[1], [0], [0], [1], [0, 0, 1, 1], [], []>, transpose_lhs_hint = false} : vector<256x512xbf16>, vector<512x1024xbf16>, vector<256x1024xf32> -> vector<256x1024xf32>
      %swap3A = arith.constant 0 : index
      %swap3A_30 = arith.constant 0 : index
      %swap3A_31 = vector.load %arg6[%swap3A, %swap3A_30] : memref<256x1024xf32, #tpu.memory_space<vmem>>, vector<256x1024xf32>
      tpu.vector_store %arg6[%swap3A, %swap3A_30], %dot_general3A_29 {strides = array<i32>} : memref<256x1024xf32, #tpu.memory_space<vmem>>, vector<256x1024xf32>,
      %get3A_32 = arith.constant 0 : index
      %get3A_33 = arith.constant 0 : index
      %get3A_34 = arith.constant 512 : index
      %get3A_35 = vector.load %arg4[%get3A_32, %get3A_33, %get3A_34] : memref<1x1024x4096xf32, #tpu.memory_space<vmem>>, vector<1x1024x512xf32>
      %get3A_36 = vector.shape_cast %get3A_35 : vector<1x1024x512xf32> to vector<1024x512xf32>
      %convert_element_type3A_37 = arith.truncf %get3A_36 : vector<1024x512xf32> to vector<1024x512xbf16>
      %dot_general3A_38 = arith.constant dense<0.000000e+00> : vector<256x512xf32>
      %dot_general3A_39 = tpu.matmul %convert_element_type3A_5, %convert_element_type3A_37, %dot_general3A_38 {dimension_numbers = #tpu.dot_dimension_numbers<[1], [0], [0], [1], [0, 0, 1, 1], [], []>, transpose_lhs_hint = false} : vector<256x1024xbf16>, vector<1024x512xbf16>, vector<256x512xf32> -> vector<256x512xf32>
      %mul3A_40 = arith.constant 5.000000e-01 : f32
      %mul3A_41 = vector.broadcast %mul3A_40 : f32 to vector<256x512xf32>
      %mul3A_42 = arith.mulf %mul3A_41, %dot_general3A_39 : vector<256x512xf32>
      %mul3A_43 = arith.constant 0.707106769 : f32
      %mul3A_44 = vector.broadcast %mul3A_43 : f32 to vector<256x512xf32>
      %mul3A_45 = arith.mulf %dot_general3A_39, %mul3A_44 : vector<256x512xf32>
      %erf3A_46 = math.erf %mul3A_45 : vector<256x512xf32>
      %add3A_47 = arith.constant 1.000000e+00 : f32
      %add3A_48 = vector.broadcast %add3A_47 : f32 to vector<256x512xf32>
      %add3A_49 = arith.addf %add3A_48, %erf3A_46 : vector<256x512xf32>
      %mul3A_50 = arith.mulf %mul3A_42, %add3A_49 : vector<256x512xf32>
      %get3A_51 = arith.constant 0 : index
      %get3A_52 = arith.constant 512 : index
      %get3A_53 = arith.constant 0 : index
      %get3A_54 = vector.load %arg5[%get3A_51, %get3A_52, %get3A_53] : memref<1x4096x1024xf32, #tpu.memory_space<vmem>>, vector<1x512x1024xf32>
      %get3A_55 = vector.shape_cast %get3A_54 : vector<1x512x1024xf32> to vector<512x1024xf32>
      %convert_element_type3A_56 = arith.truncf %get3A_55 : vector<512x1024xf32> to vector<512x1024xbf16>
      %convert_element_type3A_57 = arith.truncf %mul3A_50 : vector<256x512xf32> to vector<256x512xbf16>
      %dot_general3A_58 = arith.constant dense<0.000000e+00> : vector<256x1024xf32>
      %dot_general3A_59 = tpu.matmul %convert_element_type3A_57, %convert_element_type3A_56, %dot_general3A_58 {dimension_numbers = #tpu.dot_dimension_numbers<[1], [0], [0], [1], [0, 0, 1, 1], [], []>, transpose_lhs_hint = false} : vector<256x512xbf16>, vector<512x1024xbf16>, vector<256x1024xf32> -> vector<256x1024xf32>
      %get3A_60 = arith.constant 0 : index
      %get3A_61 = arith.constant 0 : index
      %get3A_62 = vector.load %arg6[%get3A_60, %get3A_61] : memref<256x1024xf32, #tpu.memory_space<vmem>>, vector<256x1024xf32>
      %add3A_63 = arith.addf %get3A_62, %dot_general3A_59 : vector<256x1024xf32>
      %swap3A_64 = arith.constant 0 : index
      %swap3A_65 = arith.constant 0 : index
      %swap3A_66 = vector.load %arg6[%swap3A_64, %swap3A_65] : memref<256x1024xf32, #tpu.memory_space<vmem>>, vector<256x1024xf32>
      tpu.vector_store %arg6[%swap3A_64, %swap3A_65], %add3A_63 {strides = array<i32>} : memref<256x1024xf32, #tpu.memory_space<vmem>>, vector<256x1024xf32>,
      %get3A_67 = arith.constant 0 : index
      %get3A_68 = arith.constant 0 : index
      %get3A_69 = arith.constant 1024 : index
      %get3A_70 = vector.load %arg4[%get3A_67, %get3A_68, %get3A_69] : memref<1x1024x4096xf32, #tpu.memory_space<vmem>>, vector<1x1024x512xf32>
      %get3A_71 = vector.shape_cast %get3A_70 : vector<1x1024x512xf32> to vector<1024x512xf32>
      %convert_element_type3A_72 = arith.truncf %get3A_71 : vector<1024x512xf32> to vector<1024x512xbf16>
      %dot_general3A_73 = arith.constant dense<0.000000e+00> : vector<256x512xf32>
      %dot_general3A_74 = tpu.matmul %convert_element_type3A_5, %convert_element_type3A_72, %dot_general3A_73 {dimension_numbers = #tpu.dot_dimension_numbers<[1], [0], [0], [1], [0, 0, 1, 1], [], []>, transpose_lhs_hint = false} : vector<256x1024xbf16>, vector<1024x512xbf16>, vector<256x512xf32> -> vector<256x512xf32>
      %mul3A_75 = arith.constant 5.000000e-01 : f32
      %mul3A_76 = vector.broadcast %mul3A_75 : f32 to vector<256x512xf32>
      %mul3A_77 = arith.mulf %mul3A_76, %dot_general3A_74 : vector<256x512xf32>
      %mul3A_78 = arith.constant 0.707106769 : f32
      %mul3A_79 = vector.broadcast %mul3A_78 : f32 to vector<256x512xf32>
      %mul3A_80 = arith.mulf %dot_general3A_74, %mul3A_79 : vector<256x512xf32>
      %erf3A_81 = math.erf %mul3A_80 : vector<256x512xf32>
      %add3A_82 = arith.constant 1.000000e+00 : f32
      %add3A_83 = vector.broadcast %add3A_82 : f32 to vector<256x512xf32>
      %add3A_84 = arith.addf %add3A_83, %erf3A_81 : vector<256x512xf32>
      %mul3A_85 = arith.mulf %mul3A_77, %add3A_84 : vector<256x512xf32>
      %get3A_86 = arith.constant 0 : index
      %get3A_87 = arith.constant 1024 : index
      %get3A_88 = arith.constant 0 : index
      %get3A_89 = vector.load %arg5[%get3A_86, %get3A_87, %get3A_88] : memref<1x4096x1024xf32, #tpu.memory_space<vmem>>, vector<1x512x1024xf32>
      %get3A_90 = vector.shape_cast %get3A_89 : vector<1x512x1024xf32> to vector<512x1024xf32>
      %convert_element_type3A_91 = arith.truncf %get3A_90 : vector<512x1024xf32> to vector<512x1024xbf16>
      %convert_element_type3A_92 = arith.truncf %mul3A_85 : vector<256x512xf32> to vector<256x512xbf16>
      %dot_general3A_93 = arith.constant dense<0.000000e+00> : vector<256x1024xf32>
      %dot_general3A_94 = tpu.matmul %convert_element_type3A_92, %convert_element_type3A_91, %dot_general3A_93 {dimension_numbers = #tpu.dot_dimension_numbers<[1], [0], [0], [1], [0, 0, 1, 1], [], []>, transpose_lhs_hint = false} : vector<256x512xbf16>, vector<512x1024xbf16>, vector<256x1024xf32> -> vector<256x1024xf32>
      %get3A_95 = arith.constant 0 : index
      %get3A_96 = arith.constant 0 : index
      %get3A_97 = vector.load %arg6[%get3A_95, %get3A_96] : memref<256x1024xf32, #tpu.memory_space<vmem>>, vector<256x1024xf32>
      %add3A_98 = arith.addf %get3A_97, %dot_general3A_94 : vector<256x1024xf32>
      %swap3A_99 = arith.constant 0 : index
      %swap3A_100 = arith.constant 0 : index
      %swap3A_101 = vector.load %arg6[%swap3A_99, %swap3A_100] : memref<256x1024xf32, #tpu.memory_space<vmem>>, vector<256x1024xf32>
      tpu.vector_store %arg6[%swap3A_99, %swap3A_100], %add3A_98 {strides = array<i32>} : memref<256x1024xf32, #tpu.memory_space<vmem>>, vector<256x1024xf32>,
      %get3A_102 = arith.constant 0 : index
      %get3A_103 = arith.constant 0 : index
      %get3A_104 = arith.constant 1536 : index
      %get3A_105 = vector.load %arg4[%get3A_102, %get3A_103, %get3A_104] : memref<1x1024x4096xf32, #tpu.memory_space<vmem>>, vector<1x1024x512xf32>
      %get3A_106 = vector.shape_cast %get3A_105 : vector<1x1024x512xf32> to vector<1024x512xf32>
      %convert_element_type3A_107 = arith.truncf %get3A_106 : vector<1024x512xf32> to vector<1024x512xbf16>
      %dot_general3A_108 = arith.constant dense<0.000000e+00> : vector<256x512xf32>
      %dot_general3A_109 = tpu.matmul %convert_element_type3A_5, %convert_element_type3A_107, %dot_general3A_108 {dimension_numbers = #tpu.dot_dimension_numbers<[1], [0], [0], [1], [0, 0, 1, 1], [], []>, transpose_lhs_hint = false} : vector<256x1024xbf16>, vector<1024x512xbf16>, vector<256x512xf32> -> vector<256x512xf32>
      %mul3A_110 = arith.constant 5.000000e-01 : f32
      %mul3A_111 = vector.broadcast %mul3A_110 : f32 to vector<256x512xf32>
      %mul3A_112 = arith.mulf %mul3A_111, %dot_general3A_109 : vector<256x512xf32>
      %mul3A_113 = arith.constant 0.707106769 : f32
      %mul3A_114 = vector.broadcast %mul3A_113 : f32 to vector<256x512xf32>
      %mul3A_115 = arith.mulf %dot_general3A_109, %mul3A_114 : vector<256x512xf32>
      %erf3A_116 = math.erf %mul3A_115 : vector<256x512xf32>
      %add3A_117 = arith.constant 1.000000e+00 : f32
      %add3A_118 = vector.broadcast %add3A_117 : f32 to vector<256x512xf32>
      %add3A_119 = arith.addf %add3A_118, %erf3A_116 : vector<256x512xf32>
      %mul3A_120 = arith.mulf %mul3A_112, %add3A_119 : vector<256x512xf32>
      %get3A_121 = arith.constant 0 : index
      %get3A_122 = arith.constant 1536 : index
      %get3A_123 = arith.constant 0 : index
      %get3A_124 = vector.load %arg5[%get3A_121, %get3A_122, %get3A_123] : memref<1x4096x1024xf32, #tpu.memory_space<vmem>>, vector<1x512x1024xf32>
      %get3A_125 = vector.shape_cast %get3A_124 : vector<1x512x1024xf32> to vector<512x1024xf32>
      %convert_element_type3A_126 = arith.truncf %get3A_125 : vector<512x1024xf32> to vector<512x1024xbf16>
      %convert_element_type3A_127 = arith.truncf %mul3A_120 : vector<256x512xf32> to vector<256x512xbf16>
      %dot_general3A_128 = arith.constant dense<0.000000e+00> : vector<256x1024xf32>
      %dot_general3A_129 = tpu.matmul %convert_element_type3A_127, %convert_element_type3A_126, %dot_general3A_128 {dimension_numbers = #tpu.dot_dimension_numbers<[1], [0], [0], [1], [0, 0, 1, 1], [], []>, transpose_lhs_hint = false} : vector<256x512xbf16>, vector<512x1024xbf16>, vector<256x1024xf32> -> vector<256x1024xf32>
      %get3A_130 = arith.constant 0 : index
      %get3A_131 = arith.constant 0 : index
      %get3A_132 = vector.load %arg6[%get3A_130, %get3A_131] : memref<256x1024xf32, #tpu.memory_space<vmem>>, vector<256x1024xf32>
      %add3A_133 = arith.addf %get3A_132, %dot_general3A_129 : vector<256x1024xf32>
      %swap3A_134 = arith.constant 0 : index
      %swap3A_135 = arith.constant 0 : index
      %swap3A_136 = vector.load %arg6[%swap3A_134, %swap3A_135] : memref<256x1024xf32, #tpu.memory_space<vmem>>, vector<256x1024xf32>
      tpu.vector_store %arg6[%swap3A_134, %swap3A_135], %add3A_133 {strides = array<i32>} : memref<256x1024xf32, #tpu.memory_space<vmem>>, vector<256x1024xf32>,
      %get3A_137 = arith.constant 0 : index
      %get3A_138 = arith.constant 0 : index
      %get3A_139 = arith.constant 2048 : index
      %get3A_140 = vector.load %arg4[%get3A_137, %get3A_138, %get3A_139] : memref<1x1024x4096xf32, #tpu.memory_space<vmem>>, vector<1x1024x512xf32>
      %get3A_141 = vector.shape_cast %get3A_140 : vector<1x1024x512xf32> to vector<1024x512xf32>
      %convert_element_type3A_142 = arith.truncf %get3A_141 : vector<1024x512xf32> to vector<1024x512xbf16>
      %dot_general3A_143 = arith.constant dense<0.000000e+00> : vector<256x512xf32>
      %dot_general3A_144 = tpu.matmul %convert_element_type3A_5, %convert_element_type3A_142, %dot_general3A_143 {dimension_numbers = #tpu.dot_dimension_numbers<[1], [0], [0], [1], [0, 0, 1, 1], [], []>, transpose_lhs_hint = false} : vector<256x1024xbf16>, vector<1024x512xbf16>, vector<256x512xf32> -> vector<256x512xf32>
      %mul3A_145 = arith.constant 5.000000e-01 : f32
      %mul3A_146 = vector.broadcast %mul3A_145 : f32 to vector<256x512xf32>
      %mul3A_147 = arith.mulf %mul3A_146, %dot_general3A_144 : vector<256x512xf32>
      %mul3A_148 = arith.constant 0.707106769 : f32
      %mul3A_149 = vector.broadcast %mul3A_148 : f32 to vector<256x512xf32>
      %mul3A_150 = arith.mulf %dot_general3A_144, %mul3A_149 : vector<256x512xf32>
      %erf3A_151 = math.erf %mul3A_150 : vector<256x512xf32>
      %add3A_152 = arith.constant 1.000000e+00 : f32
      %add3A_153 = vector.broadcast %add3A_152 : f32 to vector<256x512xf32>
      %add3A_154 = arith.addf %add3A_153, %erf3A_151 : vector<256x512xf32>
      %mul3A_155 = arith.mulf %mul3A_147, %add3A_154 : vector<256x512xf32>
      %get3A_156 = arith.constant 0 : index
      %get3A_157 = arith.constant 2048 : index
      %get3A_158 = arith.constant 0 : index
      %get3A_159 = vector.load %arg5[%get3A_156, %get3A_157, %get3A_158] : memref<1x4096x1024xf32, #tpu.memory_space<vmem>>, vector<1x512x1024xf32>
      %get3A_160 = vector.shape_cast %get3A_159 : vector<1x512x1024xf32> to vector<512x1024xf32>
      %convert_element_type3A_161 = arith.truncf %get3A_160 : vector<512x1024xf32> to vector<512x1024xbf16>
      %convert_element_type3A_162 = arith.truncf %mul3A_155 : vector<256x512xf32> to vector<256x512xbf16>
      %dot_general3A_163 = arith.constant dense<0.000000e+00> : vector<256x1024xf32>
      %dot_general3A_164 = tpu.matmul %convert_element_type3A_162, %convert_element_type3A_161, %dot_general3A_163 {dimension_numbers = #tpu.dot_dimension_numbers<[1], [0], [0], [1], [0, 0, 1, 1], [], []>, transpose_lhs_hint = false} : vector<256x512xbf16>, vector<512x1024xbf16>, vector<256x1024xf32> -> vector<256x1024xf32>
      %get3A_165 = arith.constant 0 : index
      %get3A_166 = arith.constant 0 : index
      %get3A_167 = vector.load %arg6[%get3A_165, %get3A_166] : memref<256x1024xf32, #tpu.memory_space<vmem>>, vector<256x1024xf32>
      %add3A_168 = arith.addf %get3A_167, %dot_general3A_164 : vector<256x1024xf32>
      %swap3A_169 = arith.constant 0 : index
      %swap3A_170 = arith.constant 0 : index
      %swap3A_171 = vector.load %arg6[%swap3A_169, %swap3A_170] : memref<256x1024xf32, #tpu.memory_space<vmem>>, vector<256x1024xf32>
      tpu.vector_store %arg6[%swap3A_169, %swap3A_170], %add3A_168 {strides = array<i32>} : memref<256x1024xf32, #tpu.memory_space<vmem>>, vector<256x1024xf32>,
      %get3A_172 = arith.constant 0 : index
      %get3A_173 = arith.constant 0 : index
      %get3A_174 = arith.constant 2560 : index
      %get3A_175 = vector.load %arg4[%get3A_172, %get3A_173, %get3A_174] : memref<1x1024x4096xf32, #tpu.memory_space<vmem>>, vector<1x1024x512xf32>
      %get3A_176 = vector.shape_cast %get3A_175 : vector<1x1024x512xf32> to vector<1024x512xf32>
      %convert_element_type3A_177 = arith.truncf %get3A_176 : vector<1024x512xf32> to vector<1024x512xbf16>
      %dot_general3A_178 = arith.constant dense<0.000000e+00> : vector<256x512xf32>
      %dot_general3A_179 = tpu.matmul %convert_element_type3A_5, %convert_element_type3A_177, %dot_general3A_178 {dimension_numbers = #tpu.dot_dimension_numbers<[1], [0], [0], [1], [0, 0, 1, 1], [], []>, transpose_lhs_hint = false} : vector<256x1024xbf16>, vector<1024x512xbf16>, vector<256x512xf32> -> vector<256x512xf32>
      %mul3A_180 = arith.constant 5.000000e-01 : f32
      %mul3A_181 = vector.broadcast %mul3A_180 : f32 to vector<256x512xf32>
      %mul3A_182 = arith.mulf %mul3A_181, %dot_general3A_179 : vector<256x512xf32>
      %mul3A_183 = arith.constant 0.707106769 : f32
      %mul3A_184 = vector.broadcast %mul3A_183 : f32 to vector<256x512xf32>
      %mul3A_185 = arith.mulf %dot_general3A_179, %mul3A_184 : vector<256x512xf32>
      %erf3A_186 = math.erf %mul3A_185 : vector<256x512xf32>
      %add3A_187 = arith.constant 1.000000e+00 : f32
      %add3A_188 = vector.broadcast %add3A_187 : f32 to vector<256x512xf32>
      %add3A_189 = arith.addf %add3A_188, %erf3A_186 : vector<256x512xf32>
      %mul3A_190 = arith.mulf %mul3A_182, %add3A_189 : vector<256x512xf32>
      %get3A_191 = arith.constant 0 : index
      %get3A_192 = arith.constant 2560 : index
      %get3A_193 = arith.constant 0 : index
      %get3A_194 = vector.load %arg5[%get3A_191, %get3A_192, %get3A_193] : memref<1x4096x1024xf32, #tpu.memory_space<vmem>>, vector<1x512x1024xf32>
      %get3A_195 = vector.shape_cast %get3A_194 : vector<1x512x1024xf32> to vector<512x1024xf32>
      %convert_element_type3A_196 = arith.truncf %get3A_195 : vector<512x1024xf32> to vector<512x1024xbf16>
      %convert_element_type3A_197 = arith.truncf %mul3A_190 : vector<256x512xf32> to vector<256x512xbf16>
      %dot_general3A_198 = arith.constant dense<0.000000e+00> : vector<256x1024xf32>
      %dot_general3A_199 = tpu.matmul %convert_element_type3A_197, %convert_element_type3A_196, %dot_general3A_198 {dimension_numbers = #tpu.dot_dimension_numbers<[1], [0], [0], [1], [0, 0, 1, 1], [], []>, transpose_lhs_hint = false} : vector<256x512xbf16>, vector<512x1024xbf16>, vector<256x1024xf32> -> vector<256x1024xf32>
      %get3A_200 = arith.constant 0 : index
      %get3A_201 = arith.constant 0 : index
      %get3A_202 = vector.load %arg6[%get3A_200, %get3A_201] : memref<256x1024xf32, #tpu.memory_space<vmem>>, vector<256x1024xf32>
      %add3A_203 = arith.addf %get3A_202, %dot_general3A_199 : vector<256x1024xf32>
      %swap3A_204 = arith.constant 0 : index
      %swap3A_205 = arith.constant 0 : index
      %swap3A_206 = vector.load %arg6[%swap3A_204, %swap3A_205] : memref<256x1024xf32, #tpu.memory_space<vmem>>, vector<256x1024xf32>
      tpu.vector_store %arg6[%swap3A_204, %swap3A_205], %add3A_203 {strides = array<i32>} : memref<256x1024xf32, #tpu.memory_space<vmem>>, vector<256x1024xf32>,
      %get3A_207 = arith.constant 0 : index
      %get3A_208 = arith.constant 0 : index
      %get3A_209 = arith.constant 3072 : index
      %get3A_210 = vector.load %arg4[%get3A_207, %get3A_208, %get3A_209] : memref<1x1024x4096xf32, #tpu.memory_space<vmem>>, vector<1x1024x512xf32>
      %get3A_211 = vector.shape_cast %get3A_210 : vector<1x1024x512xf32> to vector<1024x512xf32>
      %convert_element_type3A_212 = arith.truncf %get3A_211 : vector<1024x512xf32> to vector<1024x512xbf16>
      %dot_general3A_213 = arith.constant dense<0.000000e+00> : vector<256x512xf32>
      %dot_general3A_214 = tpu.matmul %convert_element_type3A_5, %convert_element_type3A_212, %dot_general3A_213 {dimension_numbers = #tpu.dot_dimension_numbers<[1], [0], [0], [1], [0, 0, 1, 1], [], []>, transpose_lhs_hint = false} : vector<256x1024xbf16>, vector<1024x512xbf16>, vector<256x512xf32> -> vector<256x512xf32>
      %mul3A_215 = arith.constant 5.000000e-01 : f32
      %mul3A_216 = vector.broadcast %mul3A_215 : f32 to vector<256x512xf32>
      %mul3A_217 = arith.mulf %mul3A_216, %dot_general3A_214 : vector<256x512xf32>
      %mul3A_218 = arith.constant 0.707106769 : f32
      %mul3A_219 = vector.broadcast %mul3A_218 : f32 to vector<256x512xf32>
      %mul3A_220 = arith.mulf %dot_general3A_214, %mul3A_219 : vector<256x512xf32>
      %erf3A_221 = math.erf %mul3A_220 : vector<256x512xf32>
      %add3A_222 = arith.constant 1.000000e+00 : f32
      %add3A_223 = vector.broadcast %add3A_222 : f32 to vector<256x512xf32>
      %add3A_224 = arith.addf %add3A_223, %erf3A_221 : vector<256x512xf32>
      %mul3A_225 = arith.mulf %mul3A_217, %add3A_224 : vector<256x512xf32>
      %get3A_226 = arith.constant 0 : index
      %get3A_227 = arith.constant 3072 : index
      %get3A_228 = arith.constant 0 : index
      %get3A_229 = vector.load %arg5[%get3A_226, %get3A_227, %get3A_228] : memref<1x4096x1024xf32, #tpu.memory_space<vmem>>, vector<1x512x1024xf32>
      %get3A_230 = vector.shape_cast %get3A_229 : vector<1x512x1024xf32> to vector<512x1024xf32>
      %convert_element_type3A_231 = arith.truncf %get3A_230 : vector<512x1024xf32> to vector<512x1024xbf16>
      %convert_element_type3A_232 = arith.truncf %mul3A_225 : vector<256x512xf32> to vector<256x512xbf16>
      %dot_general3A_233 = arith.constant dense<0.000000e+00> : vector<256x1024xf32>
      %dot_general3A_234 = tpu.matmul %convert_element_type3A_232, %convert_element_type3A_231, %dot_general3A_233 {dimension_numbers = #tpu.dot_dimension_numbers<[1], [0], [0], [1], [0, 0, 1, 1], [], []>, transpose_lhs_hint = false} : vector<256x512xbf16>, vector<512x1024xbf16>, vector<256x1024xf32> -> vector<256x1024xf32>
      %get3A_235 = arith.constant 0 : index
      %get3A_236 = arith.constant 0 : index
      %get3A_237 = vector.load %arg6[%get3A_235, %get3A_236] : memref<256x1024xf32, #tpu.memory_space<vmem>>, vector<256x1024xf32>
      %add3A_238 = arith.addf %get3A_237, %dot_general3A_234 : vector<256x1024xf32>
      %swap3A_239 = arith.constant 0 : index
      %swap3A_240 = arith.constant 0 : index
      %swap3A_241 = vector.load %arg6[%swap3A_239, %swap3A_240] : memref<256x1024xf32, #tpu.memory_space<vmem>>, vector<256x1024xf32>
      tpu.vector_store %arg6[%swap3A_239, %swap3A_240], %add3A_238 {strides = array<i32>} : memref<256x1024xf32, #tpu.memory_space<vmem>>, vector<256x1024xf32>,
      %get3A_242 = arith.constant 0 : index
      %get3A_243 = arith.constant 0 : index
      %get3A_244 = arith.constant 3584 : index
      %get3A_245 = vector.load %arg4[%get3A_242, %get3A_243, %get3A_244] : memref<1x1024x4096xf32, #tpu.memory_space<vmem>>, vector<1x1024x512xf32>
      %get3A_246 = vector.shape_cast %get3A_245 : vector<1x1024x512xf32> to vector<1024x512xf32>
      %convert_element_type3A_247 = arith.truncf %get3A_246 : vector<1024x512xf32> to vector<1024x512xbf16>
      %dot_general3A_248 = arith.constant dense<0.000000e+00> : vector<256x512xf32>
      %dot_general3A_249 = tpu.matmul %convert_element_type3A_5, %convert_element_type3A_247, %dot_general3A_248 {dimension_numbers = #tpu.dot_dimension_numbers<[1], [0], [0], [1], [0, 0, 1, 1], [], []>, transpose_lhs_hint = false} : vector<256x1024xbf16>, vector<1024x512xbf16>, vector<256x512xf32> -> vector<256x512xf32>
      %mul3A_250 = arith.constant 5.000000e-01 : f32
      %mul3A_251 = vector.broadcast %mul3A_250 : f32 to vector<256x512xf32>
      %mul3A_252 = arith.mulf %mul3A_251, %dot_general3A_249 : vector<256x512xf32>
      %mul3A_253 = arith.constant 0.707106769 : f32
      %mul3A_254 = vector.broadcast %mul3A_253 : f32 to vector<256x512xf32>
      %mul3A_255 = arith.mulf %dot_general3A_249, %mul3A_254 : vector<256x512xf32>
      %erf3A_256 = math.erf %mul3A_255 : vector<256x512xf32>
      %add3A_257 = arith.constant 1.000000e+00 : f32
      %add3A_258 = vector.broadcast %add3A_257 : f32 to vector<256x512xf32>
      %add3A_259 = arith.addf %add3A_258, %erf3A_256 : vector<256x512xf32>
      %mul3A_260 = arith.mulf %mul3A_252, %add3A_259 : vector<256x512xf32>
      %get3A_261 = arith.constant 0 : index
      %get3A_262 = arith.constant 3584 : index
      %get3A_263 = arith.constant 0 : index
      %get3A_264 = vector.load %arg5[%get3A_261, %get3A_262, %get3A_263] : memref<1x4096x1024xf32, #tpu.memory_space<vmem>>, vector<1x512x1024xf32>
      %get3A_265 = vector.shape_cast %get3A_264 : vector<1x512x1024xf32> to vector<512x1024xf32>
      %convert_element_type3A_266 = arith.truncf %get3A_265 : vector<512x1024xf32> to vector<512x1024xbf16>
      %convert_element_type3A_267 = arith.truncf %mul3A_260 : vector<256x512xf32> to vector<256x512xbf16>
      %dot_general3A_268 = arith.constant dense<0.000000e+00> : vector<256x1024xf32>
      %dot_general3A_269 = tpu.matmul %convert_element_type3A_267, %convert_element_type3A_266, %dot_general3A_268 {dimension_numbers = #tpu.dot_dimension_numbers<[1], [0], [0], [1], [0, 0, 1, 1], [], []>, transpose_lhs_hint = false} : vector<256x512xbf16>, vector<512x1024xbf16>, vector<256x1024xf32> -> vector<256x1024xf32>
      %get3A_270 = arith.constant 0 : index
      %get3A_271 = arith.constant 0 : index
      %get3A_272 = vector.load %arg6[%get3A_270, %get3A_271] : memref<256x1024xf32, #tpu.memory_space<vmem>>, vector<256x1024xf32>
      %add3A_273 = arith.addf %get3A_272, %dot_general3A_269 : vector<256x1024xf32>
      %swap3A_274 = arith.constant 0 : index
      %swap3A_275 = arith.constant 0 : index
      %swap3A_276 = vector.load %arg6[%swap3A_274, %swap3A_275] : memref<256x1024xf32, #tpu.memory_space<vmem>>, vector<256x1024xf32>
      tpu.vector_store %arg6[%swap3A_274, %swap3A_275], %add3A_273 {strides = array<i32>} : memref<256x1024xf32, #tpu.memory_space<vmem>>, vector<256x1024xf32>,
    } else {
    }
    return
  }
  func.func @transform_0(%arg0: i32, %arg1: memref<24xi32, #tpu.memory_space<smem>>, %arg2: memref<1xi32, #tpu.memory_space<smem>>) -> (i32, i32) {
    %c0_i32 = arith.constant 0 : i32
    %c0_i32_0 = arith.constant 0 : i32
    return %arg0, %c0_i32 : i32, i32
  }
  func.func @transform_1(%arg0: i32, %arg1: memref<24xi32, #tpu.memory_space<smem>>, %arg2: memref<1xi32, #tpu.memory_space<smem>>) -> (i32, i32, i32) {
    %get3A = arith.index_cast %arg0 : i32 to index
    %get3A_0 = memref.load %arg1[%get3A] : memref<24xi32, #tpu.memory_space<smem>>
    %c0_i32 = arith.constant 0 : i32
    %c0_i32_1 = arith.constant 0 : i32
    %c0_i32_2 = arith.constant 0 : i32
    return %get3A_0, %c0_i32, %c0_i32_1 : i32, i32, i32
  }
  func.func @transform_2(%arg0: i32, %arg1: memref<24xi32, #tpu.memory_space<smem>>, %arg2: memref<1xi32, #tpu.memory_space<smem>>) -> (i32, i32, i32) {
    %get3A = arith.index_cast %arg0 : i32 to index
    %get3A_0 = memref.load %arg1[%get3A] : memref<24xi32, #tpu.memory_space<smem>>
    %c0_i32 = arith.constant 0 : i32
    %c0_i32_1 = arith.constant 0 : i32
    %c0_i32_2 = arith.constant 0 : i32
    return %get3A_0, %c0_i32, %c0_i32_1 : i32, i32, i32
  }
  func.func @transform_3(%arg0: i32, %arg1: memref<24xi32, #tpu.memory_space<smem>>, %arg2: memref<1xi32, #tpu.memory_space<smem>>) -> (i32, i32) {
    %c0_i32 = arith.constant 0 : i32
    %c0_i32_0 = arith.constant 0 : i32
    return %arg0, %c0_i32 : i32, i32
  }
}

module attributes {stable_mosaic.version = 14 : i64} {
  func.func @_dispatch_body(%arg0: i32, %arg1: memref<32x128xi32, #tpu.memory_space<vmem>>, %arg2: memref<32x128xi32, #tpu.memory_space<vmem>>, %arg3: memref<128xi32, #tpu.memory_space<vmem>>, %arg4: memref<128xi32, #tpu.memory_space<vmem>>, %arg5: memref<128xi32, #tpu.memory_space<vmem>>) attributes {dimension_semantics = [#tpu.dimension_semantics<arbitrary>], iteration_bounds = array<i64: 1>, scalar_prefetch = 0 : i64, scratch_operands = 0 : i64, tpu.core_type = #tpu.core_type<tc>, window_params = [{pipeline_mode = #tpu.pipeline_mode<synchronous>, transform_indices = @transform_0, window_bounds = array<i64: 32, 128>}, {pipeline_mode = #tpu.pipeline_mode<synchronous>, transform_indices = @transform_1, window_bounds = array<i64: 32, 128>}, {pipeline_mode = #tpu.pipeline_mode<synchronous>, transform_indices = @transform_2, window_bounds = array<i64: 128>}, {pipeline_mode = #tpu.pipeline_mode<synchronous>, transform_indices = @transform_3, window_bounds = array<i64: 128>}, {pipeline_mode = #tpu.pipeline_mode<synchronous>, transform_indices = @transform_4, window_bounds = array<i64: 128>}]} {
    %get3A = arith.constant 0 : index
    %get3A_0 = arith.constant 0 : index
    %get3A_1 = vector.load %arg1[%get3A, %get3A_0] : memref<32x128xi32, #tpu.memory_space<vmem>>, vector<32x128xi32>
    %iota3A = tpu.iota {dimensions = array<i32: 0>} : vector<128x128xi32>
    %iota3A_2 = tpu.iota {dimensions = array<i32: 1>} : vector<128x128xi32>
    %lt3A = arith.cmpi slt, %iota3A, %iota3A_2 : vector<128x128xi32>
    %convert_element_type3A = arith.extui %lt3A : vector<128x128xi1> to vector<128x128xi32>
    %convert_element_type3A_3 = arith.sitofp %convert_element_type3A : vector<128x128xi32> to vector<128x128xf32>
    %iota3A_4 = tpu.iota {dimensions = array<i32: 0>} : vector<32x32xi32>
    %iota3A_5 = tpu.iota {dimensions = array<i32: 1>} : vector<32x32xi32>
    %lt3A_6 = arith.cmpi slt, %iota3A_5, %iota3A_4 : vector<32x32xi32>
    %convert_element_type3A_7 = arith.extui %lt3A_6 : vector<32x32xi1> to vector<32x32xi32>
    %convert_element_type3A_8 = arith.sitofp %convert_element_type3A_7 : vector<32x32xi32> to vector<32x32xf32>
    %iota3A_9 = tpu.iota {dimensions = array<i32: 1>} : vector<1x128xi32>
    %iota3A_10 = vector.shape_cast %iota3A_9 : vector<1x128xi32> to vector<128xi32>
    %broadcast_in_dim3A = arith.constant 0 : i32
    %broadcast_in_dim3A_11 = vector.broadcast %broadcast_in_dim3A : i32 to vector<32x128xi32>
    %broadcast_in_dim3A_12 = arith.constant 0 : i32
    %broadcast_in_dim3A_13 = vector.broadcast %broadcast_in_dim3A_12 : i32 to vector<128xi32>
    %eq3A = arith.constant 0 : i32
    %eq3A_14 = vector.broadcast %eq3A : i32 to vector<32x128xi32>
    %eq3A_15 = arith.cmpi eq, %get3A_1, %eq3A_14 : vector<32x128xi32>
    %convert_element_type3A_16 = arith.extui %eq3A_15 : vector<32x128xi1> to vector<32x128xi32>
    %convert_element_type3A_17 = arith.sitofp %convert_element_type3A_16 : vector<32x128xi32> to vector<32x128xf32>
    %dot_general3A = arith.constant dense<0.000000e+00> : vector<32x128xf32>
    %dot_general3A_18 = tpu.matmul %convert_element_type3A_17, %convert_element_type3A_3, %dot_general3A {dimension_numbers = #tpu.dot_dimension_numbers<[1], [0], [0], [1], [0, 0, 1, 1], [], []>, transpose_lhs_hint = false} : vector<32x128xf32>, vector<128x128xf32>, vector<32x128xf32> -> vector<32x128xf32>
    %reduce_sum3A = arith.constant dense<0.000000e+00> : vector<32xf32>
    %reduce_sum3A_19 = vector.multi_reduction <add>, %convert_element_type3A_17, %reduce_sum3A [1] : vector<32x128xf32> to vector<32xf32>
    %broadcast_in_dim3A_20 = vector.shape_cast %reduce_sum3A_19 : vector<32xf32> to vector<32x1xf32>
    %dot_general3A_21 = arith.constant dense<0.000000e+00> : vector<32x1xf32>
    %dot_general3A_22 = tpu.matmul %convert_element_type3A_8, %broadcast_in_dim3A_20, %dot_general3A_21 {dimension_numbers = #tpu.dot_dimension_numbers<[1], [0], [0], [1], [0, 0, 1, 1], [], []>, transpose_lhs_hint = false} : vector<32x32xf32>, vector<32x1xf32>, vector<32x1xf32> -> vector<32x1xf32>
    %add3A = vector.broadcast %dot_general3A_22 : vector<32x1xf32> to vector<32x128xf32>
    %add3A_23 = arith.addf %dot_general3A_18, %add3A : vector<32x128xf32>
    %convert_element_type3A_24 = arith.fptosi %add3A_23 : vector<32x128xf32> to vector<32x128xi32>
    %reduce_sum3A_25 = vector.shape_cast %broadcast_in_dim3A_20 : vector<32x1xf32> to vector<1x32x1xf32>
    %reduce_sum3A_26 = arith.constant dense<0.000000e+00> : vector<1xf32>
    %reduce_sum3A_27 = vector.multi_reduction <add>, %reduce_sum3A_25, %reduce_sum3A_26 [1, 2] : vector<1x32x1xf32> to vector<1xf32>
    %reduce_sum3A_28 = vector.shape_cast %reduce_sum3A_27 : vector<1xf32> to vector<1x1x1xf32>
    %reduce_sum3A_29 = vector.extract %reduce_sum3A_28[0, 0, 0] : f32 from vector<1x1x1xf32>
    %convert_element_type3A_30 = arith.fptosi %reduce_sum3A_29 : f32 to i32
    %eq3A_31 = arith.constant 0 : i32
    %eq3A_32 = vector.broadcast %eq3A_31 : i32 to vector<32x128xi32>
    %eq3A_33 = arith.cmpi eq, %get3A_1, %eq3A_32 : vector<32x128xi32>
    %add3A_34 = arith.constant 0 : i32
    %add3A_35 = vector.broadcast %add3A_34 : i32 to vector<32x128xi32>
    %add3A_36 = arith.addi %add3A_35, %convert_element_type3A_24 : vector<32x128xi32>
    %select_n3A = arith.select %eq3A_33, %add3A_36, %broadcast_in_dim3A_11 : vector<32x128xi1>, vector<32x128xi32>
    %eq3A_37 = arith.constant 0 : i32
    %eq3A_38 = vector.broadcast %eq3A_37 : i32 to vector<128xi32>
    %eq3A_39 = arith.cmpi eq, %iota3A_10, %eq3A_38 : vector<128xi32>
    %broadcast_in_dim3A_40 = vector.broadcast %convert_element_type3A_30 : i32 to vector<128xi32>
    %select_n3A_41 = arith.select %eq3A_39, %broadcast_in_dim3A_40, %broadcast_in_dim3A_13 : vector<128xi1>, vector<128xi32>
    %add3A_42 = arith.constant 256 : i32
    %add3A_43 = arith.addi %convert_element_type3A_30, %add3A_42 : i32
    %sub3A = arith.constant 1 : i32
    %sub3A_44 = arith.subi %add3A_43, %sub3A : i32
    %jit3A = arith.constant 256 : i32
    %div3A = arith.divsi %sub3A_44, %jit3A : i32
    %sign3A = arith.constant 0 : i32
    %sign3A_45 = arith.cmpi sgt, %sub3A_44, %sign3A : i32
    %sign3A_46 = arith.extui %sign3A_45 : i1 to i32
    %sign3A_47 = arith.constant 0 : i32
    %sign3A_48 = arith.cmpi slt, %sub3A_44, %sign3A_47 : i32
    %sign3A_49 = arith.extui %sign3A_48 : i1 to i32
    %sign3A_50 = arith.subi %sign3A_46, %sign3A_49 : i32
    %sign3A_51 = arith.constant 0 : i32
    %sign3A_52 = arith.cmpi sgt, %jit3A, %sign3A_51 : i32
    %sign3A_53 = arith.extui %sign3A_52 : i1 to i32
    %sign3A_54 = arith.constant 0 : i32
    %sign3A_55 = arith.cmpi slt, %jit3A, %sign3A_54 : i32
    %sign3A_56 = arith.extui %sign3A_55 : i1 to i32
    %sign3A_57 = arith.subi %sign3A_53, %sign3A_56 : i32
    %ne3A = arith.cmpi ne, %sign3A_50, %sign3A_57 : i32
    %rem3A = arith.remsi %sub3A_44, %jit3A : i32
    %ne3A_58 = arith.constant 0 : i32
    %ne3A_59 = arith.cmpi ne, %rem3A, %ne3A_58 : i32
    %and3A = arith.andi %ne3A, %ne3A_59 : i1
    %sub3A_60 = arith.constant 1 : i32
    %sub3A_61 = arith.subi %div3A, %sub3A_60 : i32
    %select_n3A_62 = arith.select %and3A, %sub3A_61, %div3A : i32
    %mul3A = arith.constant 256 : i32
    %mul3A_63 = arith.muli %select_n3A_62, %mul3A : i32
    %add3A_64 = arith.constant 0 : i32
    %add3A_65 = arith.addi %add3A_64, %mul3A_63 : i32
    %eq3A_66 = arith.constant 1 : i32
    %eq3A_67 = vector.broadcast %eq3A_66 : i32 to vector<32x128xi32>
    %eq3A_68 = arith.cmpi eq, %get3A_1, %eq3A_67 : vector<32x128xi32>
    %convert_element_type3A_69 = arith.extui %eq3A_68 : vector<32x128xi1> to vector<32x128xi32>
    %convert_element_type3A_70 = arith.sitofp %convert_element_type3A_69 : vector<32x128xi32> to vector<32x128xf32>
    %dot_general3A_71 = arith.constant dense<0.000000e+00> : vector<32x128xf32>
    %dot_general3A_72 = tpu.matmul %convert_element_type3A_70, %convert_element_type3A_3, %dot_general3A_71 {dimension_numbers = #tpu.dot_dimension_numbers<[1], [0], [0], [1], [0, 0, 1, 1], [], []>, transpose_lhs_hint = false} : vector<32x128xf32>, vector<128x128xf32>, vector<32x128xf32> -> vector<32x128xf32>
    %reduce_sum3A_73 = arith.constant dense<0.000000e+00> : vector<32xf32>
    %reduce_sum3A_74 = vector.multi_reduction <add>, %convert_element_type3A_70, %reduce_sum3A_73 [1] : vector<32x128xf32> to vector<32xf32>
    %broadcast_in_dim3A_75 = vector.shape_cast %reduce_sum3A_74 : vector<32xf32> to vector<32x1xf32>
    %dot_general3A_76 = arith.constant dense<0.000000e+00> : vector<32x1xf32>
    %dot_general3A_77 = tpu.matmul %convert_element_type3A_8, %broadcast_in_dim3A_75, %dot_general3A_76 {dimension_numbers = #tpu.dot_dimension_numbers<[1], [0], [0], [1], [0, 0, 1, 1], [], []>, transpose_lhs_hint = false} : vector<32x32xf32>, vector<32x1xf32>, vector<32x1xf32> -> vector<32x1xf32>
    %add3A_78 = vector.broadcast %dot_general3A_77 : vector<32x1xf32> to vector<32x128xf32>
    %add3A_79 = arith.addf %dot_general3A_72, %add3A_78 : vector<32x128xf32>
    %convert_element_type3A_80 = arith.fptosi %add3A_79 : vector<32x128xf32> to vector<32x128xi32>
    %reduce_sum3A_81 = vector.shape_cast %broadcast_in_dim3A_75 : vector<32x1xf32> to vector<1x32x1xf32>
    %reduce_sum3A_82 = arith.constant dense<0.000000e+00> : vector<1xf32>
    %reduce_sum3A_83 = vector.multi_reduction <add>, %reduce_sum3A_81, %reduce_sum3A_82 [1, 2] : vector<1x32x1xf32> to vector<1xf32>
    %reduce_sum3A_84 = vector.shape_cast %reduce_sum3A_83 : vector<1xf32> to vector<1x1x1xf32>
    %reduce_sum3A_85 = vector.extract %reduce_sum3A_84[0, 0, 0] : f32 from vector<1x1x1xf32>
    %convert_element_type3A_86 = arith.fptosi %reduce_sum3A_85 : f32 to i32
    %eq3A_87 = arith.constant 1 : i32
    %eq3A_88 = vector.broadcast %eq3A_87 : i32 to vector<32x128xi32>
    %eq3A_89 = arith.cmpi eq, %get3A_1, %eq3A_88 : vector<32x128xi32>
    %add3A_90 = vector.broadcast %add3A_65 : i32 to vector<32x128xi32>
    %add3A_91 = arith.addi %add3A_90, %convert_element_type3A_80 : vector<32x128xi32>
    %select_n3A_92 = arith.select %eq3A_89, %add3A_91, %select_n3A : vector<32x128xi1>, vector<32x128xi32>
    %eq3A_93 = arith.constant 1 : i32
    %eq3A_94 = vector.broadcast %eq3A_93 : i32 to vector<128xi32>
    %eq3A_95 = arith.cmpi eq, %iota3A_10, %eq3A_94 : vector<128xi32>
    %broadcast_in_dim3A_96 = vector.broadcast %convert_element_type3A_86 : i32 to vector<128xi32>
    %select_n3A_97 = arith.select %eq3A_95, %broadcast_in_dim3A_96, %select_n3A_41 : vector<128xi1>, vector<128xi32>
    %jit3A_98 = arith.constant 256 : i32
    %div3A_99 = arith.divsi %add3A_65, %jit3A_98 : i32
    %sign3A_100 = arith.constant 0 : i32
    %sign3A_101 = arith.cmpi sgt, %add3A_65, %sign3A_100 : i32
    %sign3A_102 = arith.extui %sign3A_101 : i1 to i32
    %sign3A_103 = arith.constant 0 : i32
    %sign3A_104 = arith.cmpi slt, %add3A_65, %sign3A_103 : i32
    %sign3A_105 = arith.extui %sign3A_104 : i1 to i32
    %sign3A_106 = arith.subi %sign3A_102, %sign3A_105 : i32
    %sign3A_107 = arith.constant 0 : i32
    %sign3A_108 = arith.cmpi sgt, %jit3A_98, %sign3A_107 : i32
    %sign3A_109 = arith.extui %sign3A_108 : i1 to i32
    %sign3A_110 = arith.constant 0 : i32
    %sign3A_111 = arith.cmpi slt, %jit3A_98, %sign3A_110 : i32
    %sign3A_112 = arith.extui %sign3A_111 : i1 to i32
    %sign3A_113 = arith.subi %sign3A_109, %sign3A_112 : i32
    %ne3A_114 = arith.cmpi ne, %sign3A_106, %sign3A_113 : i32
    %rem3A_115 = arith.remsi %add3A_65, %jit3A_98 : i32
    %ne3A_116 = arith.constant 0 : i32
    %ne3A_117 = arith.cmpi ne, %rem3A_115, %ne3A_116 : i32
    %and3A_118 = arith.andi %ne3A_114, %ne3A_117 : i1
    %sub3A_119 = arith.constant 1 : i32
    %sub3A_120 = arith.subi %div3A_99, %sub3A_119 : i32
    %select_n3A_121 = arith.select %and3A_118, %sub3A_120, %div3A_99 : i32
    %add3A_122 = arith.constant 256 : i32
    %add3A_123 = arith.addi %convert_element_type3A_86, %add3A_122 : i32
    %sub3A_124 = arith.constant 1 : i32
    %sub3A_125 = arith.subi %add3A_123, %sub3A_124 : i32
    %jit3A_126 = arith.constant 256 : i32
    %div3A_127 = arith.divsi %sub3A_125, %jit3A_126 : i32
    %sign3A_128 = arith.constant 0 : i32
    %sign3A_129 = arith.cmpi sgt, %sub3A_125, %sign3A_128 : i32
    %sign3A_130 = arith.extui %sign3A_129 : i1 to i32
    %sign3A_131 = arith.constant 0 : i32
    %sign3A_132 = arith.cmpi slt, %sub3A_125, %sign3A_131 : i32
    %sign3A_133 = arith.extui %sign3A_132 : i1 to i32
    %sign3A_134 = arith.subi %sign3A_130, %sign3A_133 : i32
    %sign3A_135 = arith.constant 0 : i32
    %sign3A_136 = arith.cmpi sgt, %jit3A_126, %sign3A_135 : i32
    %sign3A_137 = arith.extui %sign3A_136 : i1 to i32
    %sign3A_138 = arith.constant 0 : i32
    %sign3A_139 = arith.cmpi slt, %jit3A_126, %sign3A_138 : i32
    %sign3A_140 = arith.extui %sign3A_139 : i1 to i32
    %sign3A_141 = arith.subi %sign3A_137, %sign3A_140 : i32
    %ne3A_142 = arith.cmpi ne, %sign3A_134, %sign3A_141 : i32
    %rem3A_143 = arith.remsi %sub3A_125, %jit3A_126 : i32
    %ne3A_144 = arith.constant 0 : i32
    %ne3A_145 = arith.cmpi ne, %rem3A_143, %ne3A_144 : i32
    %and3A_146 = arith.andi %ne3A_142, %ne3A_145 : i1
    %sub3A_147 = arith.constant 1 : i32
    %sub3A_148 = arith.subi %div3A_127, %sub3A_147 : i32
    %select_n3A_149 = arith.select %and3A_146, %sub3A_148, %div3A_127 : i32
    %mul3A_150 = arith.constant 256 : i32
    %mul3A_151 = arith.muli %select_n3A_149, %mul3A_150 : i32
    %add3A_152 = arith.addi %add3A_65, %mul3A_151 : i32
    %eq3A_153 = arith.constant 2 : i32
    %eq3A_154 = vector.broadcast %eq3A_153 : i32 to vector<32x128xi32>
    %eq3A_155 = arith.cmpi eq, %get3A_1, %eq3A_154 : vector<32x128xi32>
    %convert_element_type3A_156 = arith.extui %eq3A_155 : vector<32x128xi1> to vector<32x128xi32>
    %convert_element_type3A_157 = arith.sitofp %convert_element_type3A_156 : vector<32x128xi32> to vector<32x128xf32>
    %dot_general3A_158 = arith.constant dense<0.000000e+00> : vector<32x128xf32>
    %dot_general3A_159 = tpu.matmul %convert_element_type3A_157, %convert_element_type3A_3, %dot_general3A_158 {dimension_numbers = #tpu.dot_dimension_numbers<[1], [0], [0], [1], [0, 0, 1, 1], [], []>, transpose_lhs_hint = false} : vector<32x128xf32>, vector<128x128xf32>, vector<32x128xf32> -> vector<32x128xf32>
    %reduce_sum3A_160 = arith.constant dense<0.000000e+00> : vector<32xf32>
    %reduce_sum3A_161 = vector.multi_reduction <add>, %convert_element_type3A_157, %reduce_sum3A_160 [1] : vector<32x128xf32> to vector<32xf32>
    %broadcast_in_dim3A_162 = vector.shape_cast %reduce_sum3A_161 : vector<32xf32> to vector<32x1xf32>
    %dot_general3A_163 = arith.constant dense<0.000000e+00> : vector<32x1xf32>
    %dot_general3A_164 = tpu.matmul %convert_element_type3A_8, %broadcast_in_dim3A_162, %dot_general3A_163 {dimension_numbers = #tpu.dot_dimension_numbers<[1], [0], [0], [1], [0, 0, 1, 1], [], []>, transpose_lhs_hint = false} : vector<32x32xf32>, vector<32x1xf32>, vector<32x1xf32> -> vector<32x1xf32>
    %add3A_165 = vector.broadcast %dot_general3A_164 : vector<32x1xf32> to vector<32x128xf32>
    %add3A_166 = arith.addf %dot_general3A_159, %add3A_165 : vector<32x128xf32>
    %convert_element_type3A_167 = arith.fptosi %add3A_166 : vector<32x128xf32> to vector<32x128xi32>
    %reduce_sum3A_168 = vector.shape_cast %broadcast_in_dim3A_162 : vector<32x1xf32> to vector<1x32x1xf32>
    %reduce_sum3A_169 = arith.constant dense<0.000000e+00> : vector<1xf32>
    %reduce_sum3A_170 = vector.multi_reduction <add>, %reduce_sum3A_168, %reduce_sum3A_169 [1, 2] : vector<1x32x1xf32> to vector<1xf32>
    %reduce_sum3A_171 = vector.shape_cast %reduce_sum3A_170 : vector<1xf32> to vector<1x1x1xf32>
    %reduce_sum3A_172 = vector.extract %reduce_sum3A_171[0, 0, 0] : f32 from vector<1x1x1xf32>
    %convert_element_type3A_173 = arith.fptosi %reduce_sum3A_172 : f32 to i32
    %eq3A_174 = arith.constant 2 : i32
    %eq3A_175 = vector.broadcast %eq3A_174 : i32 to vector<32x128xi32>
    %eq3A_176 = arith.cmpi eq, %get3A_1, %eq3A_175 : vector<32x128xi32>
    %add3A_177 = vector.broadcast %add3A_152 : i32 to vector<32x128xi32>
    %add3A_178 = arith.addi %add3A_177, %convert_element_type3A_167 : vector<32x128xi32>
    %select_n3A_179 = arith.select %eq3A_176, %add3A_178, %select_n3A_92 : vector<32x128xi1>, vector<32x128xi32>
    %eq3A_180 = arith.constant 2 : i32
    %eq3A_181 = vector.broadcast %eq3A_180 : i32 to vector<128xi32>
    %eq3A_182 = arith.cmpi eq, %iota3A_10, %eq3A_181 : vector<128xi32>
    %broadcast_in_dim3A_183 = vector.broadcast %convert_element_type3A_173 : i32 to vector<128xi32>
    %select_n3A_184 = arith.select %eq3A_182, %broadcast_in_dim3A_183, %select_n3A_97 : vector<128xi1>, vector<128xi32>
    %jit3A_185 = arith.constant 256 : i32
    %div3A_186 = arith.divsi %add3A_152, %jit3A_185 : i32
    %sign3A_187 = arith.constant 0 : i32
    %sign3A_188 = arith.cmpi sgt, %add3A_152, %sign3A_187 : i32
    %sign3A_189 = arith.extui %sign3A_188 : i1 to i32
    %sign3A_190 = arith.constant 0 : i32
    %sign3A_191 = arith.cmpi slt, %add3A_152, %sign3A_190 : i32
    %sign3A_192 = arith.extui %sign3A_191 : i1 to i32
    %sign3A_193 = arith.subi %sign3A_189, %sign3A_192 : i32
    %sign3A_194 = arith.constant 0 : i32
    %sign3A_195 = arith.cmpi sgt, %jit3A_185, %sign3A_194 : i32
    %sign3A_196 = arith.extui %sign3A_195 : i1 to i32
    %sign3A_197 = arith.constant 0 : i32
    %sign3A_198 = arith.cmpi slt, %jit3A_185, %sign3A_197 : i32
    %sign3A_199 = arith.extui %sign3A_198 : i1 to i32
    %sign3A_200 = arith.subi %sign3A_196, %sign3A_199 : i32
    %ne3A_201 = arith.cmpi ne, %sign3A_193, %sign3A_200 : i32
    %rem3A_202 = arith.remsi %add3A_152, %jit3A_185 : i32
    %ne3A_203 = arith.constant 0 : i32
    %ne3A_204 = arith.cmpi ne, %rem3A_202, %ne3A_203 : i32
    %and3A_205 = arith.andi %ne3A_201, %ne3A_204 : i1
    %sub3A_206 = arith.constant 1 : i32
    %sub3A_207 = arith.subi %div3A_186, %sub3A_206 : i32
    %select_n3A_208 = arith.select %and3A_205, %sub3A_207, %div3A_186 : i32
    %add3A_209 = arith.constant 256 : i32
    %add3A_210 = arith.addi %convert_element_type3A_173, %add3A_209 : i32
    %sub3A_211 = arith.constant 1 : i32
    %sub3A_212 = arith.subi %add3A_210, %sub3A_211 : i32
    %jit3A_213 = arith.constant 256 : i32
    %div3A_214 = arith.divsi %sub3A_212, %jit3A_213 : i32
    %sign3A_215 = arith.constant 0 : i32
    %sign3A_216 = arith.cmpi sgt, %sub3A_212, %sign3A_215 : i32
    %sign3A_217 = arith.extui %sign3A_216 : i1 to i32
    %sign3A_218 = arith.constant 0 : i32
    %sign3A_219 = arith.cmpi slt, %sub3A_212, %sign3A_218 : i32
    %sign3A_220 = arith.extui %sign3A_219 : i1 to i32
    %sign3A_221 = arith.subi %sign3A_217, %sign3A_220 : i32
    %sign3A_222 = arith.constant 0 : i32
    %sign3A_223 = arith.cmpi sgt, %jit3A_213, %sign3A_222 : i32
    %sign3A_224 = arith.extui %sign3A_223 : i1 to i32
    %sign3A_225 = arith.constant 0 : i32
    %sign3A_226 = arith.cmpi slt, %jit3A_213, %sign3A_225 : i32
    %sign3A_227 = arith.extui %sign3A_226 : i1 to i32
    %sign3A_228 = arith.subi %sign3A_224, %sign3A_227 : i32
    %ne3A_229 = arith.cmpi ne, %sign3A_221, %sign3A_228 : i32
    %rem3A_230 = arith.remsi %sub3A_212, %jit3A_213 : i32
    %ne3A_231 = arith.constant 0 : i32
    %ne3A_232 = arith.cmpi ne, %rem3A_230, %ne3A_231 : i32
    %and3A_233 = arith.andi %ne3A_229, %ne3A_232 : i1
    %sub3A_234 = arith.constant 1 : i32
    %sub3A_235 = arith.subi %div3A_214, %sub3A_234 : i32
    %select_n3A_236 = arith.select %and3A_233, %sub3A_235, %div3A_214 : i32
    %mul3A_237 = arith.constant 256 : i32
    %mul3A_238 = arith.muli %select_n3A_236, %mul3A_237 : i32
    %add3A_239 = arith.addi %add3A_152, %mul3A_238 : i32
    %eq3A_240 = arith.constant 3 : i32
    %eq3A_241 = vector.broadcast %eq3A_240 : i32 to vector<32x128xi32>
    %eq3A_242 = arith.cmpi eq, %get3A_1, %eq3A_241 : vector<32x128xi32>
    %convert_element_type3A_243 = arith.extui %eq3A_242 : vector<32x128xi1> to vector<32x128xi32>
    %convert_element_type3A_244 = arith.sitofp %convert_element_type3A_243 : vector<32x128xi32> to vector<32x128xf32>
    %dot_general3A_245 = arith.constant dense<0.000000e+00> : vector<32x128xf32>
    %dot_general3A_246 = tpu.matmul %convert_element_type3A_244, %convert_element_type3A_3, %dot_general3A_245 {dimension_numbers = #tpu.dot_dimension_numbers<[1], [0], [0], [1], [0, 0, 1, 1], [], []>, transpose_lhs_hint = false} : vector<32x128xf32>, vector<128x128xf32>, vector<32x128xf32> -> vector<32x128xf32>
    %reduce_sum3A_247 = arith.constant dense<0.000000e+00> : vector<32xf32>
    %reduce_sum3A_248 = vector.multi_reduction <add>, %convert_element_type3A_244, %reduce_sum3A_247 [1] : vector<32x128xf32> to vector<32xf32>
    %broadcast_in_dim3A_249 = vector.shape_cast %reduce_sum3A_248 : vector<32xf32> to vector<32x1xf32>
    %dot_general3A_250 = arith.constant dense<0.000000e+00> : vector<32x1xf32>
    %dot_general3A_251 = tpu.matmul %convert_element_type3A_8, %broadcast_in_dim3A_249, %dot_general3A_250 {dimension_numbers = #tpu.dot_dimension_numbers<[1], [0], [0], [1], [0, 0, 1, 1], [], []>, transpose_lhs_hint = false} : vector<32x32xf32>, vector<32x1xf32>, vector<32x1xf32> -> vector<32x1xf32>
    %add3A_252 = vector.broadcast %dot_general3A_251 : vector<32x1xf32> to vector<32x128xf32>
    %add3A_253 = arith.addf %dot_general3A_246, %add3A_252 : vector<32x128xf32>
    %convert_element_type3A_254 = arith.fptosi %add3A_253 : vector<32x128xf32> to vector<32x128xi32>
    %reduce_sum3A_255 = vector.shape_cast %broadcast_in_dim3A_249 : vector<32x1xf32> to vector<1x32x1xf32>
    %reduce_sum3A_256 = arith.constant dense<0.000000e+00> : vector<1xf32>
    %reduce_sum3A_257 = vector.multi_reduction <add>, %reduce_sum3A_255, %reduce_sum3A_256 [1, 2] : vector<1x32x1xf32> to vector<1xf32>
    %reduce_sum3A_258 = vector.shape_cast %reduce_sum3A_257 : vector<1xf32> to vector<1x1x1xf32>
    %reduce_sum3A_259 = vector.extract %reduce_sum3A_258[0, 0, 0] : f32 from vector<1x1x1xf32>
    %convert_element_type3A_260 = arith.fptosi %reduce_sum3A_259 : f32 to i32
    %eq3A_261 = arith.constant 3 : i32
    %eq3A_262 = vector.broadcast %eq3A_261 : i32 to vector<32x128xi32>
    %eq3A_263 = arith.cmpi eq, %get3A_1, %eq3A_262 : vector<32x128xi32>
    %add3A_264 = vector.broadcast %add3A_239 : i32 to vector<32x128xi32>
    %add3A_265 = arith.addi %add3A_264, %convert_element_type3A_254 : vector<32x128xi32>
    %select_n3A_266 = arith.select %eq3A_263, %add3A_265, %select_n3A_179 : vector<32x128xi1>, vector<32x128xi32>
    %eq3A_267 = arith.constant 3 : i32
    %eq3A_268 = vector.broadcast %eq3A_267 : i32 to vector<128xi32>
    %eq3A_269 = arith.cmpi eq, %iota3A_10, %eq3A_268 : vector<128xi32>
    %broadcast_in_dim3A_270 = vector.broadcast %convert_element_type3A_260 : i32 to vector<128xi32>
    %select_n3A_271 = arith.select %eq3A_269, %broadcast_in_dim3A_270, %select_n3A_184 : vector<128xi1>, vector<128xi32>
    %jit3A_272 = arith.constant 256 : i32
    %div3A_273 = arith.divsi %add3A_239, %jit3A_272 : i32
    %sign3A_274 = arith.constant 0 : i32
    %sign3A_275 = arith.cmpi sgt, %add3A_239, %sign3A_274 : i32
    %sign3A_276 = arith.extui %sign3A_275 : i1 to i32
    %sign3A_277 = arith.constant 0 : i32
    %sign3A_278 = arith.cmpi slt, %add3A_239, %sign3A_277 : i32
    %sign3A_279 = arith.extui %sign3A_278 : i1 to i32
    %sign3A_280 = arith.subi %sign3A_276, %sign3A_279 : i32
    %sign3A_281 = arith.constant 0 : i32
    %sign3A_282 = arith.cmpi sgt, %jit3A_272, %sign3A_281 : i32
    %sign3A_283 = arith.extui %sign3A_282 : i1 to i32
    %sign3A_284 = arith.constant 0 : i32
    %sign3A_285 = arith.cmpi slt, %jit3A_272, %sign3A_284 : i32
    %sign3A_286 = arith.extui %sign3A_285 : i1 to i32
    %sign3A_287 = arith.subi %sign3A_283, %sign3A_286 : i32
    %ne3A_288 = arith.cmpi ne, %sign3A_280, %sign3A_287 : i32
    %rem3A_289 = arith.remsi %add3A_239, %jit3A_272 : i32
    %ne3A_290 = arith.constant 0 : i32
    %ne3A_291 = arith.cmpi ne, %rem3A_289, %ne3A_290 : i32
    %and3A_292 = arith.andi %ne3A_288, %ne3A_291 : i1
    %sub3A_293 = arith.constant 1 : i32
    %sub3A_294 = arith.subi %div3A_273, %sub3A_293 : i32
    %select_n3A_295 = arith.select %and3A_292, %sub3A_294, %div3A_273 : i32
    %add3A_296 = arith.constant 256 : i32
    %add3A_297 = arith.addi %convert_element_type3A_260, %add3A_296 : i32
    %sub3A_298 = arith.constant 1 : i32
    %sub3A_299 = arith.subi %add3A_297, %sub3A_298 : i32
    %jit3A_300 = arith.constant 256 : i32
    %div3A_301 = arith.divsi %sub3A_299, %jit3A_300 : i32
    %sign3A_302 = arith.constant 0 : i32
    %sign3A_303 = arith.cmpi sgt, %sub3A_299, %sign3A_302 : i32
    %sign3A_304 = arith.extui %sign3A_303 : i1 to i32
    %sign3A_305 = arith.constant 0 : i32
    %sign3A_306 = arith.cmpi slt, %sub3A_299, %sign3A_305 : i32
    %sign3A_307 = arith.extui %sign3A_306 : i1 to i32
    %sign3A_308 = arith.subi %sign3A_304, %sign3A_307 : i32
    %sign3A_309 = arith.constant 0 : i32
    %sign3A_310 = arith.cmpi sgt, %jit3A_300, %sign3A_309 : i32
    %sign3A_311 = arith.extui %sign3A_310 : i1 to i32
    %sign3A_312 = arith.constant 0 : i32
    %sign3A_313 = arith.cmpi slt, %jit3A_300, %sign3A_312 : i32
    %sign3A_314 = arith.extui %sign3A_313 : i1 to i32
    %sign3A_315 = arith.subi %sign3A_311, %sign3A_314 : i32
    %ne3A_316 = arith.cmpi ne, %sign3A_308, %sign3A_315 : i32
    %rem3A_317 = arith.remsi %sub3A_299, %jit3A_300 : i32
    %ne3A_318 = arith.constant 0 : i32
    %ne3A_319 = arith.cmpi ne, %rem3A_317, %ne3A_318 : i32
    %and3A_320 = arith.andi %ne3A_316, %ne3A_319 : i1
    %sub3A_321 = arith.constant 1 : i32
    %sub3A_322 = arith.subi %div3A_301, %sub3A_321 : i32
    %select_n3A_323 = arith.select %and3A_320, %sub3A_322, %div3A_301 : i32
    %mul3A_324 = arith.constant 256 : i32
    %mul3A_325 = arith.muli %select_n3A_323, %mul3A_324 : i32
    %add3A_326 = arith.addi %add3A_239, %mul3A_325 : i32
    %eq3A_327 = arith.constant 4 : i32
    %eq3A_328 = vector.broadcast %eq3A_327 : i32 to vector<32x128xi32>
    %eq3A_329 = arith.cmpi eq, %get3A_1, %eq3A_328 : vector<32x128xi32>
    %convert_element_type3A_330 = arith.extui %eq3A_329 : vector<32x128xi1> to vector<32x128xi32>
    %convert_element_type3A_331 = arith.sitofp %convert_element_type3A_330 : vector<32x128xi32> to vector<32x128xf32>
    %dot_general3A_332 = arith.constant dense<0.000000e+00> : vector<32x128xf32>
    %dot_general3A_333 = tpu.matmul %convert_element_type3A_331, %convert_element_type3A_3, %dot_general3A_332 {dimension_numbers = #tpu.dot_dimension_numbers<[1], [0], [0], [1], [0, 0, 1, 1], [], []>, transpose_lhs_hint = false} : vector<32x128xf32>, vector<128x128xf32>, vector<32x128xf32> -> vector<32x128xf32>
    %reduce_sum3A_334 = arith.constant dense<0.000000e+00> : vector<32xf32>
    %reduce_sum3A_335 = vector.multi_reduction <add>, %convert_element_type3A_331, %reduce_sum3A_334 [1] : vector<32x128xf32> to vector<32xf32>
    %broadcast_in_dim3A_336 = vector.shape_cast %reduce_sum3A_335 : vector<32xf32> to vector<32x1xf32>
    %dot_general3A_337 = arith.constant dense<0.000000e+00> : vector<32x1xf32>
    %dot_general3A_338 = tpu.matmul %convert_element_type3A_8, %broadcast_in_dim3A_336, %dot_general3A_337 {dimension_numbers = #tpu.dot_dimension_numbers<[1], [0], [0], [1], [0, 0, 1, 1], [], []>, transpose_lhs_hint = false} : vector<32x32xf32>, vector<32x1xf32>, vector<32x1xf32> -> vector<32x1xf32>
    %add3A_339 = vector.broadcast %dot_general3A_338 : vector<32x1xf32> to vector<32x128xf32>
    %add3A_340 = arith.addf %dot_general3A_333, %add3A_339 : vector<32x128xf32>
    %convert_element_type3A_341 = arith.fptosi %add3A_340 : vector<32x128xf32> to vector<32x128xi32>
    %reduce_sum3A_342 = vector.shape_cast %broadcast_in_dim3A_336 : vector<32x1xf32> to vector<1x32x1xf32>
    %reduce_sum3A_343 = arith.constant dense<0.000000e+00> : vector<1xf32>
    %reduce_sum3A_344 = vector.multi_reduction <add>, %reduce_sum3A_342, %reduce_sum3A_343 [1, 2] : vector<1x32x1xf32> to vector<1xf32>
    %reduce_sum3A_345 = vector.shape_cast %reduce_sum3A_344 : vector<1xf32> to vector<1x1x1xf32>
    %reduce_sum3A_346 = vector.extract %reduce_sum3A_345[0, 0, 0] : f32 from vector<1x1x1xf32>
    %convert_element_type3A_347 = arith.fptosi %reduce_sum3A_346 : f32 to i32
    %eq3A_348 = arith.constant 4 : i32
    %eq3A_349 = vector.broadcast %eq3A_348 : i32 to vector<32x128xi32>
    %eq3A_350 = arith.cmpi eq, %get3A_1, %eq3A_349 : vector<32x128xi32>
    %add3A_351 = vector.broadcast %add3A_326 : i32 to vector<32x128xi32>
    %add3A_352 = arith.addi %add3A_351, %convert_element_type3A_341 : vector<32x128xi32>
    %select_n3A_353 = arith.select %eq3A_350, %add3A_352, %select_n3A_266 : vector<32x128xi1>, vector<32x128xi32>
    %eq3A_354 = arith.constant 4 : i32
    %eq3A_355 = vector.broadcast %eq3A_354 : i32 to vector<128xi32>
    %eq3A_356 = arith.cmpi eq, %iota3A_10, %eq3A_355 : vector<128xi32>
    %broadcast_in_dim3A_357 = vector.broadcast %convert_element_type3A_347 : i32 to vector<128xi32>
    %select_n3A_358 = arith.select %eq3A_356, %broadcast_in_dim3A_357, %select_n3A_271 : vector<128xi1>, vector<128xi32>
    %jit3A_359 = arith.constant 256 : i32
    %div3A_360 = arith.divsi %add3A_326, %jit3A_359 : i32
    %sign3A_361 = arith.constant 0 : i32
    %sign3A_362 = arith.cmpi sgt, %add3A_326, %sign3A_361 : i32
    %sign3A_363 = arith.extui %sign3A_362 : i1 to i32
    %sign3A_364 = arith.constant 0 : i32
    %sign3A_365 = arith.cmpi slt, %add3A_326, %sign3A_364 : i32
    %sign3A_366 = arith.extui %sign3A_365 : i1 to i32
    %sign3A_367 = arith.subi %sign3A_363, %sign3A_366 : i32
    %sign3A_368 = arith.constant 0 : i32
    %sign3A_369 = arith.cmpi sgt, %jit3A_359, %sign3A_368 : i32
    %sign3A_370 = arith.extui %sign3A_369 : i1 to i32
    %sign3A_371 = arith.constant 0 : i32
    %sign3A_372 = arith.cmpi slt, %jit3A_359, %sign3A_371 : i32
    %sign3A_373 = arith.extui %sign3A_372 : i1 to i32
    %sign3A_374 = arith.subi %sign3A_370, %sign3A_373 : i32
    %ne3A_375 = arith.cmpi ne, %sign3A_367, %sign3A_374 : i32
    %rem3A_376 = arith.remsi %add3A_326, %jit3A_359 : i32
    %ne3A_377 = arith.constant 0 : i32
    %ne3A_378 = arith.cmpi ne, %rem3A_376, %ne3A_377 : i32
    %and3A_379 = arith.andi %ne3A_375, %ne3A_378 : i1
    %sub3A_380 = arith.constant 1 : i32
    %sub3A_381 = arith.subi %div3A_360, %sub3A_380 : i32
    %select_n3A_382 = arith.select %and3A_379, %sub3A_381, %div3A_360 : i32
    %add3A_383 = arith.constant 256 : i32
    %add3A_384 = arith.addi %convert_element_type3A_347, %add3A_383 : i32
    %sub3A_385 = arith.constant 1 : i32
    %sub3A_386 = arith.subi %add3A_384, %sub3A_385 : i32
    %jit3A_387 = arith.constant 256 : i32
    %div3A_388 = arith.divsi %sub3A_386, %jit3A_387 : i32
    %sign3A_389 = arith.constant 0 : i32
    %sign3A_390 = arith.cmpi sgt, %sub3A_386, %sign3A_389 : i32
    %sign3A_391 = arith.extui %sign3A_390 : i1 to i32
    %sign3A_392 = arith.constant 0 : i32
    %sign3A_393 = arith.cmpi slt, %sub3A_386, %sign3A_392 : i32
    %sign3A_394 = arith.extui %sign3A_393 : i1 to i32
    %sign3A_395 = arith.subi %sign3A_391, %sign3A_394 : i32
    %sign3A_396 = arith.constant 0 : i32
    %sign3A_397 = arith.cmpi sgt, %jit3A_387, %sign3A_396 : i32
    %sign3A_398 = arith.extui %sign3A_397 : i1 to i32
    %sign3A_399 = arith.constant 0 : i32
    %sign3A_400 = arith.cmpi slt, %jit3A_387, %sign3A_399 : i32
    %sign3A_401 = arith.extui %sign3A_400 : i1 to i32
    %sign3A_402 = arith.subi %sign3A_398, %sign3A_401 : i32
    %ne3A_403 = arith.cmpi ne, %sign3A_395, %sign3A_402 : i32
    %rem3A_404 = arith.remsi %sub3A_386, %jit3A_387 : i32
    %ne3A_405 = arith.constant 0 : i32
    %ne3A_406 = arith.cmpi ne, %rem3A_404, %ne3A_405 : i32
    %and3A_407 = arith.andi %ne3A_403, %ne3A_406 : i1
    %sub3A_408 = arith.constant 1 : i32
    %sub3A_409 = arith.subi %div3A_388, %sub3A_408 : i32
    %select_n3A_410 = arith.select %and3A_407, %sub3A_409, %div3A_388 : i32
    %mul3A_411 = arith.constant 256 : i32
    %mul3A_412 = arith.muli %select_n3A_410, %mul3A_411 : i32
    %add3A_413 = arith.addi %add3A_326, %mul3A_412 : i32
    %eq3A_414 = arith.constant 5 : i32
    %eq3A_415 = vector.broadcast %eq3A_414 : i32 to vector<32x128xi32>
    %eq3A_416 = arith.cmpi eq, %get3A_1, %eq3A_415 : vector<32x128xi32>
    %convert_element_type3A_417 = arith.extui %eq3A_416 : vector<32x128xi1> to vector<32x128xi32>
    %convert_element_type3A_418 = arith.sitofp %convert_element_type3A_417 : vector<32x128xi32> to vector<32x128xf32>
    %dot_general3A_419 = arith.constant dense<0.000000e+00> : vector<32x128xf32>
    %dot_general3A_420 = tpu.matmul %convert_element_type3A_418, %convert_element_type3A_3, %dot_general3A_419 {dimension_numbers = #tpu.dot_dimension_numbers<[1], [0], [0], [1], [0, 0, 1, 1], [], []>, transpose_lhs_hint = false} : vector<32x128xf32>, vector<128x128xf32>, vector<32x128xf32> -> vector<32x128xf32>
    %reduce_sum3A_421 = arith.constant dense<0.000000e+00> : vector<32xf32>
    %reduce_sum3A_422 = vector.multi_reduction <add>, %convert_element_type3A_418, %reduce_sum3A_421 [1] : vector<32x128xf32> to vector<32xf32>
    %broadcast_in_dim3A_423 = vector.shape_cast %reduce_sum3A_422 : vector<32xf32> to vector<32x1xf32>
    %dot_general3A_424 = arith.constant dense<0.000000e+00> : vector<32x1xf32>
    %dot_general3A_425 = tpu.matmul %convert_element_type3A_8, %broadcast_in_dim3A_423, %dot_general3A_424 {dimension_numbers = #tpu.dot_dimension_numbers<[1], [0], [0], [1], [0, 0, 1, 1], [], []>, transpose_lhs_hint = false} : vector<32x32xf32>, vector<32x1xf32>, vector<32x1xf32> -> vector<32x1xf32>
    %add3A_426 = vector.broadcast %dot_general3A_425 : vector<32x1xf32> to vector<32x128xf32>
    %add3A_427 = arith.addf %dot_general3A_420, %add3A_426 : vector<32x128xf32>
    %convert_element_type3A_428 = arith.fptosi %add3A_427 : vector<32x128xf32> to vector<32x128xi32>
    %reduce_sum3A_429 = vector.shape_cast %broadcast_in_dim3A_423 : vector<32x1xf32> to vector<1x32x1xf32>
    %reduce_sum3A_430 = arith.constant dense<0.000000e+00> : vector<1xf32>
    %reduce_sum3A_431 = vector.multi_reduction <add>, %reduce_sum3A_429, %reduce_sum3A_430 [1, 2] : vector<1x32x1xf32> to vector<1xf32>
    %reduce_sum3A_432 = vector.shape_cast %reduce_sum3A_431 : vector<1xf32> to vector<1x1x1xf32>
    %reduce_sum3A_433 = vector.extract %reduce_sum3A_432[0, 0, 0] : f32 from vector<1x1x1xf32>
    %convert_element_type3A_434 = arith.fptosi %reduce_sum3A_433 : f32 to i32
    %eq3A_435 = arith.constant 5 : i32
    %eq3A_436 = vector.broadcast %eq3A_435 : i32 to vector<32x128xi32>
    %eq3A_437 = arith.cmpi eq, %get3A_1, %eq3A_436 : vector<32x128xi32>
    %add3A_438 = vector.broadcast %add3A_413 : i32 to vector<32x128xi32>
    %add3A_439 = arith.addi %add3A_438, %convert_element_type3A_428 : vector<32x128xi32>
    %select_n3A_440 = arith.select %eq3A_437, %add3A_439, %select_n3A_353 : vector<32x128xi1>, vector<32x128xi32>
    %eq3A_441 = arith.constant 5 : i32
    %eq3A_442 = vector.broadcast %eq3A_441 : i32 to vector<128xi32>
    %eq3A_443 = arith.cmpi eq, %iota3A_10, %eq3A_442 : vector<128xi32>
    %broadcast_in_dim3A_444 = vector.broadcast %convert_element_type3A_434 : i32 to vector<128xi32>
    %select_n3A_445 = arith.select %eq3A_443, %broadcast_in_dim3A_444, %select_n3A_358 : vector<128xi1>, vector<128xi32>
    %jit3A_446 = arith.constant 256 : i32
    %div3A_447 = arith.divsi %add3A_413, %jit3A_446 : i32
    %sign3A_448 = arith.constant 0 : i32
    %sign3A_449 = arith.cmpi sgt, %add3A_413, %sign3A_448 : i32
    %sign3A_450 = arith.extui %sign3A_449 : i1 to i32
    %sign3A_451 = arith.constant 0 : i32
    %sign3A_452 = arith.cmpi slt, %add3A_413, %sign3A_451 : i32
    %sign3A_453 = arith.extui %sign3A_452 : i1 to i32
    %sign3A_454 = arith.subi %sign3A_450, %sign3A_453 : i32
    %sign3A_455 = arith.constant 0 : i32
    %sign3A_456 = arith.cmpi sgt, %jit3A_446, %sign3A_455 : i32
    %sign3A_457 = arith.extui %sign3A_456 : i1 to i32
    %sign3A_458 = arith.constant 0 : i32
    %sign3A_459 = arith.cmpi slt, %jit3A_446, %sign3A_458 : i32
    %sign3A_460 = arith.extui %sign3A_459 : i1 to i32
    %sign3A_461 = arith.subi %sign3A_457, %sign3A_460 : i32
    %ne3A_462 = arith.cmpi ne, %sign3A_454, %sign3A_461 : i32
    %rem3A_463 = arith.remsi %add3A_413, %jit3A_446 : i32
    %ne3A_464 = arith.constant 0 : i32
    %ne3A_465 = arith.cmpi ne, %rem3A_463, %ne3A_464 : i32
    %and3A_466 = arith.andi %ne3A_462, %ne3A_465 : i1
    %sub3A_467 = arith.constant 1 : i32
    %sub3A_468 = arith.subi %div3A_447, %sub3A_467 : i32
    %select_n3A_469 = arith.select %and3A_466, %sub3A_468, %div3A_447 : i32
    %add3A_470 = arith.constant 256 : i32
    %add3A_471 = arith.addi %convert_element_type3A_434, %add3A_470 : i32
    %sub3A_472 = arith.constant 1 : i32
    %sub3A_473 = arith.subi %add3A_471, %sub3A_472 : i32
    %jit3A_474 = arith.constant 256 : i32
    %div3A_475 = arith.divsi %sub3A_473, %jit3A_474 : i32
    %sign3A_476 = arith.constant 0 : i32
    %sign3A_477 = arith.cmpi sgt, %sub3A_473, %sign3A_476 : i32
    %sign3A_478 = arith.extui %sign3A_477 : i1 to i32
    %sign3A_479 = arith.constant 0 : i32
    %sign3A_480 = arith.cmpi slt, %sub3A_473, %sign3A_479 : i32
    %sign3A_481 = arith.extui %sign3A_480 : i1 to i32
    %sign3A_482 = arith.subi %sign3A_478, %sign3A_481 : i32
    %sign3A_483 = arith.constant 0 : i32
    %sign3A_484 = arith.cmpi sgt, %jit3A_474, %sign3A_483 : i32
    %sign3A_485 = arith.extui %sign3A_484 : i1 to i32
    %sign3A_486 = arith.constant 0 : i32
    %sign3A_487 = arith.cmpi slt, %jit3A_474, %sign3A_486 : i32
    %sign3A_488 = arith.extui %sign3A_487 : i1 to i32
    %sign3A_489 = arith.subi %sign3A_485, %sign3A_488 : i32
    %ne3A_490 = arith.cmpi ne, %sign3A_482, %sign3A_489 : i32
    %rem3A_491 = arith.remsi %sub3A_473, %jit3A_474 : i32
    %ne3A_492 = arith.constant 0 : i32
    %ne3A_493 = arith.cmpi ne, %rem3A_491, %ne3A_492 : i32
    %and3A_494 = arith.andi %ne3A_490, %ne3A_493 : i1
    %sub3A_495 = arith.constant 1 : i32
    %sub3A_496 = arith.subi %div3A_475, %sub3A_495 : i32
    %select_n3A_497 = arith.select %and3A_494, %sub3A_496, %div3A_475 : i32
    %mul3A_498 = arith.constant 256 : i32
    %mul3A_499 = arith.muli %select_n3A_497, %mul3A_498 : i32
    %add3A_500 = arith.addi %add3A_413, %mul3A_499 : i32
    %eq3A_501 = arith.constant 6 : i32
    %eq3A_502 = vector.broadcast %eq3A_501 : i32 to vector<32x128xi32>
    %eq3A_503 = arith.cmpi eq, %get3A_1, %eq3A_502 : vector<32x128xi32>
    %convert_element_type3A_504 = arith.extui %eq3A_503 : vector<32x128xi1> to vector<32x128xi32>
    %convert_element_type3A_505 = arith.sitofp %convert_element_type3A_504 : vector<32x128xi32> to vector<32x128xf32>
    %dot_general3A_506 = arith.constant dense<0.000000e+00> : vector<32x128xf32>
    %dot_general3A_507 = tpu.matmul %convert_element_type3A_505, %convert_element_type3A_3, %dot_general3A_506 {dimension_numbers = #tpu.dot_dimension_numbers<[1], [0], [0], [1], [0, 0, 1, 1], [], []>, transpose_lhs_hint = false} : vector<32x128xf32>, vector<128x128xf32>, vector<32x128xf32> -> vector<32x128xf32>
    %reduce_sum3A_508 = arith.constant dense<0.000000e+00> : vector<32xf32>
    %reduce_sum3A_509 = vector.multi_reduction <add>, %convert_element_type3A_505, %reduce_sum3A_508 [1] : vector<32x128xf32> to vector<32xf32>
    %broadcast_in_dim3A_510 = vector.shape_cast %reduce_sum3A_509 : vector<32xf32> to vector<32x1xf32>
    %dot_general3A_511 = arith.constant dense<0.000000e+00> : vector<32x1xf32>
    %dot_general3A_512 = tpu.matmul %convert_element_type3A_8, %broadcast_in_dim3A_510, %dot_general3A_511 {dimension_numbers = #tpu.dot_dimension_numbers<[1], [0], [0], [1], [0, 0, 1, 1], [], []>, transpose_lhs_hint = false} : vector<32x32xf32>, vector<32x1xf32>, vector<32x1xf32> -> vector<32x1xf32>
    %add3A_513 = vector.broadcast %dot_general3A_512 : vector<32x1xf32> to vector<32x128xf32>
    %add3A_514 = arith.addf %dot_general3A_507, %add3A_513 : vector<32x128xf32>
    %convert_element_type3A_515 = arith.fptosi %add3A_514 : vector<32x128xf32> to vector<32x128xi32>
    %reduce_sum3A_516 = vector.shape_cast %broadcast_in_dim3A_510 : vector<32x1xf32> to vector<1x32x1xf32>
    %reduce_sum3A_517 = arith.constant dense<0.000000e+00> : vector<1xf32>
    %reduce_sum3A_518 = vector.multi_reduction <add>, %reduce_sum3A_516, %reduce_sum3A_517 [1, 2] : vector<1x32x1xf32> to vector<1xf32>
    %reduce_sum3A_519 = vector.shape_cast %reduce_sum3A_518 : vector<1xf32> to vector<1x1x1xf32>
    %reduce_sum3A_520 = vector.extract %reduce_sum3A_519[0, 0, 0] : f32 from vector<1x1x1xf32>
    %convert_element_type3A_521 = arith.fptosi %reduce_sum3A_520 : f32 to i32
    %eq3A_522 = arith.constant 6 : i32
    %eq3A_523 = vector.broadcast %eq3A_522 : i32 to vector<32x128xi32>
    %eq3A_524 = arith.cmpi eq, %get3A_1, %eq3A_523 : vector<32x128xi32>
    %add3A_525 = vector.broadcast %add3A_500 : i32 to vector<32x128xi32>
    %add3A_526 = arith.addi %add3A_525, %convert_element_type3A_515 : vector<32x128xi32>
    %select_n3A_527 = arith.select %eq3A_524, %add3A_526, %select_n3A_440 : vector<32x128xi1>, vector<32x128xi32>
    %eq3A_528 = arith.constant 6 : i32
    %eq3A_529 = vector.broadcast %eq3A_528 : i32 to vector<128xi32>
    %eq3A_530 = arith.cmpi eq, %iota3A_10, %eq3A_529 : vector<128xi32>
    %broadcast_in_dim3A_531 = vector.broadcast %convert_element_type3A_521 : i32 to vector<128xi32>
    %select_n3A_532 = arith.select %eq3A_530, %broadcast_in_dim3A_531, %select_n3A_445 : vector<128xi1>, vector<128xi32>
    %jit3A_533 = arith.constant 256 : i32
    %div3A_534 = arith.divsi %add3A_500, %jit3A_533 : i32
    %sign3A_535 = arith.constant 0 : i32
    %sign3A_536 = arith.cmpi sgt, %add3A_500, %sign3A_535 : i32
    %sign3A_537 = arith.extui %sign3A_536 : i1 to i32
    %sign3A_538 = arith.constant 0 : i32
    %sign3A_539 = arith.cmpi slt, %add3A_500, %sign3A_538 : i32
    %sign3A_540 = arith.extui %sign3A_539 : i1 to i32
    %sign3A_541 = arith.subi %sign3A_537, %sign3A_540 : i32
    %sign3A_542 = arith.constant 0 : i32
    %sign3A_543 = arith.cmpi sgt, %jit3A_533, %sign3A_542 : i32
    %sign3A_544 = arith.extui %sign3A_543 : i1 to i32
    %sign3A_545 = arith.constant 0 : i32
    %sign3A_546 = arith.cmpi slt, %jit3A_533, %sign3A_545 : i32
    %sign3A_547 = arith.extui %sign3A_546 : i1 to i32
    %sign3A_548 = arith.subi %sign3A_544, %sign3A_547 : i32
    %ne3A_549 = arith.cmpi ne, %sign3A_541, %sign3A_548 : i32
    %rem3A_550 = arith.remsi %add3A_500, %jit3A_533 : i32
    %ne3A_551 = arith.constant 0 : i32
    %ne3A_552 = arith.cmpi ne, %rem3A_550, %ne3A_551 : i32
    %and3A_553 = arith.andi %ne3A_549, %ne3A_552 : i1
    %sub3A_554 = arith.constant 1 : i32
    %sub3A_555 = arith.subi %div3A_534, %sub3A_554 : i32
    %select_n3A_556 = arith.select %and3A_553, %sub3A_555, %div3A_534 : i32
    %add3A_557 = arith.constant 256 : i32
    %add3A_558 = arith.addi %convert_element_type3A_521, %add3A_557 : i32
    %sub3A_559 = arith.constant 1 : i32
    %sub3A_560 = arith.subi %add3A_558, %sub3A_559 : i32
    %jit3A_561 = arith.constant 256 : i32
    %div3A_562 = arith.divsi %sub3A_560, %jit3A_561 : i32
    %sign3A_563 = arith.constant 0 : i32
    %sign3A_564 = arith.cmpi sgt, %sub3A_560, %sign3A_563 : i32
    %sign3A_565 = arith.extui %sign3A_564 : i1 to i32
    %sign3A_566 = arith.constant 0 : i32
    %sign3A_567 = arith.cmpi slt, %sub3A_560, %sign3A_566 : i32
    %sign3A_568 = arith.extui %sign3A_567 : i1 to i32
    %sign3A_569 = arith.subi %sign3A_565, %sign3A_568 : i32
    %sign3A_570 = arith.constant 0 : i32
    %sign3A_571 = arith.cmpi sgt, %jit3A_561, %sign3A_570 : i32
    %sign3A_572 = arith.extui %sign3A_571 : i1 to i32
    %sign3A_573 = arith.constant 0 : i32
    %sign3A_574 = arith.cmpi slt, %jit3A_561, %sign3A_573 : i32
    %sign3A_575 = arith.extui %sign3A_574 : i1 to i32
    %sign3A_576 = arith.subi %sign3A_572, %sign3A_575 : i32
    %ne3A_577 = arith.cmpi ne, %sign3A_569, %sign3A_576 : i32
    %rem3A_578 = arith.remsi %sub3A_560, %jit3A_561 : i32
    %ne3A_579 = arith.constant 0 : i32
    %ne3A_580 = arith.cmpi ne, %rem3A_578, %ne3A_579 : i32
    %and3A_581 = arith.andi %ne3A_577, %ne3A_580 : i1
    %sub3A_582 = arith.constant 1 : i32
    %sub3A_583 = arith.subi %div3A_562, %sub3A_582 : i32
    %select_n3A_584 = arith.select %and3A_581, %sub3A_583, %div3A_562 : i32
    %mul3A_585 = arith.constant 256 : i32
    %mul3A_586 = arith.muli %select_n3A_584, %mul3A_585 : i32
    %add3A_587 = arith.addi %add3A_500, %mul3A_586 : i32
    %eq3A_588 = arith.constant 7 : i32
    %eq3A_589 = vector.broadcast %eq3A_588 : i32 to vector<32x128xi32>
    %eq3A_590 = arith.cmpi eq, %get3A_1, %eq3A_589 : vector<32x128xi32>
    %convert_element_type3A_591 = arith.extui %eq3A_590 : vector<32x128xi1> to vector<32x128xi32>
    %convert_element_type3A_592 = arith.sitofp %convert_element_type3A_591 : vector<32x128xi32> to vector<32x128xf32>
    %dot_general3A_593 = arith.constant dense<0.000000e+00> : vector<32x128xf32>
    %dot_general3A_594 = tpu.matmul %convert_element_type3A_592, %convert_element_type3A_3, %dot_general3A_593 {dimension_numbers = #tpu.dot_dimension_numbers<[1], [0], [0], [1], [0, 0, 1, 1], [], []>, transpose_lhs_hint = false} : vector<32x128xf32>, vector<128x128xf32>, vector<32x128xf32> -> vector<32x128xf32>
    %reduce_sum3A_595 = arith.constant dense<0.000000e+00> : vector<32xf32>
    %reduce_sum3A_596 = vector.multi_reduction <add>, %convert_element_type3A_592, %reduce_sum3A_595 [1] : vector<32x128xf32> to vector<32xf32>
    %broadcast_in_dim3A_597 = vector.shape_cast %reduce_sum3A_596 : vector<32xf32> to vector<32x1xf32>
    %dot_general3A_598 = arith.constant dense<0.000000e+00> : vector<32x1xf32>
    %dot_general3A_599 = tpu.matmul %convert_element_type3A_8, %broadcast_in_dim3A_597, %dot_general3A_598 {dimension_numbers = #tpu.dot_dimension_numbers<[1], [0], [0], [1], [0, 0, 1, 1], [], []>, transpose_lhs_hint = false} : vector<32x32xf32>, vector<32x1xf32>, vector<32x1xf32> -> vector<32x1xf32>
    %add3A_600 = vector.broadcast %dot_general3A_599 : vector<32x1xf32> to vector<32x128xf32>
    %add3A_601 = arith.addf %dot_general3A_594, %add3A_600 : vector<32x128xf32>
    %convert_element_type3A_602 = arith.fptosi %add3A_601 : vector<32x128xf32> to vector<32x128xi32>
    %reduce_sum3A_603 = vector.shape_cast %broadcast_in_dim3A_597 : vector<32x1xf32> to vector<1x32x1xf32>
    %reduce_sum3A_604 = arith.constant dense<0.000000e+00> : vector<1xf32>
    %reduce_sum3A_605 = vector.multi_reduction <add>, %reduce_sum3A_603, %reduce_sum3A_604 [1, 2] : vector<1x32x1xf32> to vector<1xf32>
    %reduce_sum3A_606 = vector.shape_cast %reduce_sum3A_605 : vector<1xf32> to vector<1x1x1xf32>
    %reduce_sum3A_607 = vector.extract %reduce_sum3A_606[0, 0, 0] : f32 from vector<1x1x1xf32>
    %convert_element_type3A_608 = arith.fptosi %reduce_sum3A_607 : f32 to i32
    %eq3A_609 = arith.constant 7 : i32
    %eq3A_610 = vector.broadcast %eq3A_609 : i32 to vector<32x128xi32>
    %eq3A_611 = arith.cmpi eq, %get3A_1, %eq3A_610 : vector<32x128xi32>
    %add3A_612 = vector.broadcast %add3A_587 : i32 to vector<32x128xi32>
    %add3A_613 = arith.addi %add3A_612, %convert_element_type3A_602 : vector<32x128xi32>
    %select_n3A_614 = arith.select %eq3A_611, %add3A_613, %select_n3A_527 : vector<32x128xi1>, vector<32x128xi32>
    %eq3A_615 = arith.constant 7 : i32
    %eq3A_616 = vector.broadcast %eq3A_615 : i32 to vector<128xi32>
    %eq3A_617 = arith.cmpi eq, %iota3A_10, %eq3A_616 : vector<128xi32>
    %broadcast_in_dim3A_618 = vector.broadcast %convert_element_type3A_608 : i32 to vector<128xi32>
    %select_n3A_619 = arith.select %eq3A_617, %broadcast_in_dim3A_618, %select_n3A_532 : vector<128xi1>, vector<128xi32>
    %jit3A_620 = arith.constant 256 : i32
    %div3A_621 = arith.divsi %add3A_587, %jit3A_620 : i32
    %sign3A_622 = arith.constant 0 : i32
    %sign3A_623 = arith.cmpi sgt, %add3A_587, %sign3A_622 : i32
    %sign3A_624 = arith.extui %sign3A_623 : i1 to i32
    %sign3A_625 = arith.constant 0 : i32
    %sign3A_626 = arith.cmpi slt, %add3A_587, %sign3A_625 : i32
    %sign3A_627 = arith.extui %sign3A_626 : i1 to i32
    %sign3A_628 = arith.subi %sign3A_624, %sign3A_627 : i32
    %sign3A_629 = arith.constant 0 : i32
    %sign3A_630 = arith.cmpi sgt, %jit3A_620, %sign3A_629 : i32
    %sign3A_631 = arith.extui %sign3A_630 : i1 to i32
    %sign3A_632 = arith.constant 0 : i32
    %sign3A_633 = arith.cmpi slt, %jit3A_620, %sign3A_632 : i32
    %sign3A_634 = arith.extui %sign3A_633 : i1 to i32
    %sign3A_635 = arith.subi %sign3A_631, %sign3A_634 : i32
    %ne3A_636 = arith.cmpi ne, %sign3A_628, %sign3A_635 : i32
    %rem3A_637 = arith.remsi %add3A_587, %jit3A_620 : i32
    %ne3A_638 = arith.constant 0 : i32
    %ne3A_639 = arith.cmpi ne, %rem3A_637, %ne3A_638 : i32
    %and3A_640 = arith.andi %ne3A_636, %ne3A_639 : i1
    %sub3A_641 = arith.constant 1 : i32
    %sub3A_642 = arith.subi %div3A_621, %sub3A_641 : i32
    %select_n3A_643 = arith.select %and3A_640, %sub3A_642, %div3A_621 : i32
    %add3A_644 = arith.constant 256 : i32
    %add3A_645 = arith.addi %convert_element_type3A_608, %add3A_644 : i32
    %sub3A_646 = arith.constant 1 : i32
    %sub3A_647 = arith.subi %add3A_645, %sub3A_646 : i32
    %jit3A_648 = arith.constant 256 : i32
    %div3A_649 = arith.divsi %sub3A_647, %jit3A_648 : i32
    %sign3A_650 = arith.constant 0 : i32
    %sign3A_651 = arith.cmpi sgt, %sub3A_647, %sign3A_650 : i32
    %sign3A_652 = arith.extui %sign3A_651 : i1 to i32
    %sign3A_653 = arith.constant 0 : i32
    %sign3A_654 = arith.cmpi slt, %sub3A_647, %sign3A_653 : i32
    %sign3A_655 = arith.extui %sign3A_654 : i1 to i32
    %sign3A_656 = arith.subi %sign3A_652, %sign3A_655 : i32
    %sign3A_657 = arith.constant 0 : i32
    %sign3A_658 = arith.cmpi sgt, %jit3A_648, %sign3A_657 : i32
    %sign3A_659 = arith.extui %sign3A_658 : i1 to i32
    %sign3A_660 = arith.constant 0 : i32
    %sign3A_661 = arith.cmpi slt, %jit3A_648, %sign3A_660 : i32
    %sign3A_662 = arith.extui %sign3A_661 : i1 to i32
    %sign3A_663 = arith.subi %sign3A_659, %sign3A_662 : i32
    %ne3A_664 = arith.cmpi ne, %sign3A_656, %sign3A_663 : i32
    %rem3A_665 = arith.remsi %sub3A_647, %jit3A_648 : i32
    %ne3A_666 = arith.constant 0 : i32
    %ne3A_667 = arith.cmpi ne, %rem3A_665, %ne3A_666 : i32
    %and3A_668 = arith.andi %ne3A_664, %ne3A_667 : i1
    %sub3A_669 = arith.constant 1 : i32
    %sub3A_670 = arith.subi %div3A_649, %sub3A_669 : i32
    %select_n3A_671 = arith.select %and3A_668, %sub3A_670, %div3A_649 : i32
    %mul3A_672 = arith.constant 256 : i32
    %mul3A_673 = arith.muli %select_n3A_671, %mul3A_672 : i32
    %add3A_674 = arith.addi %add3A_587, %mul3A_673 : i32
    %jit3A_675 = arith.constant 256 : i32
    %div3A_676 = arith.divsi %add3A_674, %jit3A_675 : i32
    %sign3A_677 = arith.constant 0 : i32
    %sign3A_678 = arith.cmpi sgt, %add3A_674, %sign3A_677 : i32
    %sign3A_679 = arith.extui %sign3A_678 : i1 to i32
    %sign3A_680 = arith.constant 0 : i32
    %sign3A_681 = arith.cmpi slt, %add3A_674, %sign3A_680 : i32
    %sign3A_682 = arith.extui %sign3A_681 : i1 to i32
    %sign3A_683 = arith.subi %sign3A_679, %sign3A_682 : i32
    %sign3A_684 = arith.constant 0 : i32
    %sign3A_685 = arith.cmpi sgt, %jit3A_675, %sign3A_684 : i32
    %sign3A_686 = arith.extui %sign3A_685 : i1 to i32
    %sign3A_687 = arith.constant 0 : i32
    %sign3A_688 = arith.cmpi slt, %jit3A_675, %sign3A_687 : i32
    %sign3A_689 = arith.extui %sign3A_688 : i1 to i32
    %sign3A_690 = arith.subi %sign3A_686, %sign3A_689 : i32
    %ne3A_691 = arith.cmpi ne, %sign3A_683, %sign3A_690 : i32
    %rem3A_692 = arith.remsi %add3A_674, %jit3A_675 : i32
    %ne3A_693 = arith.constant 0 : i32
    %ne3A_694 = arith.cmpi ne, %rem3A_692, %ne3A_693 : i32
    %and3A_695 = arith.andi %ne3A_691, %ne3A_694 : i1
    %sub3A_696 = arith.constant 1 : i32
    %sub3A_697 = arith.subi %div3A_676, %sub3A_696 : i32
    %select_n3A_698 = arith.select %and3A_695, %sub3A_697, %div3A_676 : i32
    %broadcast_in_dim3A_699 = arith.constant 0 : i32
    %broadcast_in_dim3A_700 = vector.broadcast %broadcast_in_dim3A_699 : i32 to vector<128xi32>
    %ge3A = vector.broadcast %select_n3A_121 : i32 to vector<128xi32>
    %ge3A_701 = arith.cmpi sge, %iota3A_10, %ge3A : vector<128xi32>
    %lt3A_702 = arith.cmpi slt, %select_n3A_121, %select_n3A_698 : i32
    %and3A_703 = vector.broadcast %lt3A_702 : i1 to vector<128xi1>
    %and3A_704 = arith.andi %ge3A_701, %and3A_703 : vector<128xi1>
    %jit3A_705 = arith.constant 1 : i32
    %jit3A_706 = arith.constant 0 : i32
    %broadcast_in_dim3A_707 = vector.broadcast %jit3A_705 : i32 to vector<128xi32>
    %broadcast_in_dim3A_708 = vector.broadcast %jit3A_706 : i32 to vector<128xi32>
    %select_n3A_709 = arith.select %and3A_704, %broadcast_in_dim3A_707, %broadcast_in_dim3A_708 : vector<128xi1>, vector<128xi32>
    %add3A_710 = arith.addi %broadcast_in_dim3A_700, %select_n3A_709 : vector<128xi32>
    %ge3A_711 = vector.broadcast %select_n3A_208 : i32 to vector<128xi32>
    %ge3A_712 = arith.cmpi sge, %iota3A_10, %ge3A_711 : vector<128xi32>
    %lt3A_713 = arith.cmpi slt, %select_n3A_208, %select_n3A_698 : i32
    %and3A_714 = vector.broadcast %lt3A_713 : i1 to vector<128xi1>
    %and3A_715 = arith.andi %ge3A_712, %and3A_714 : vector<128xi1>
    %jit3A_716 = arith.constant 1 : i32
    %jit3A_717 = arith.constant 0 : i32
    %broadcast_in_dim3A_718 = vector.broadcast %jit3A_716 : i32 to vector<128xi32>
    %broadcast_in_dim3A_719 = vector.broadcast %jit3A_717 : i32 to vector<128xi32>
    %select_n3A_720 = arith.select %and3A_715, %broadcast_in_dim3A_718, %broadcast_in_dim3A_719 : vector<128xi1>, vector<128xi32>
    %add3A_721 = arith.addi %add3A_710, %select_n3A_720 : vector<128xi32>
    %ge3A_722 = vector.broadcast %select_n3A_295 : i32 to vector<128xi32>
    %ge3A_723 = arith.cmpi sge, %iota3A_10, %ge3A_722 : vector<128xi32>
    %lt3A_724 = arith.cmpi slt, %select_n3A_295, %select_n3A_698 : i32
    %and3A_725 = vector.broadcast %lt3A_724 : i1 to vector<128xi1>
    %and3A_726 = arith.andi %ge3A_723, %and3A_725 : vector<128xi1>
    %jit3A_727 = arith.constant 1 : i32
    %jit3A_728 = arith.constant 0 : i32
    %broadcast_in_dim3A_729 = vector.broadcast %jit3A_727 : i32 to vector<128xi32>
    %broadcast_in_dim3A_730 = vector.broadcast %jit3A_728 : i32 to vector<128xi32>
    %select_n3A_731 = arith.select %and3A_726, %broadcast_in_dim3A_729, %broadcast_in_dim3A_730 : vector<128xi1>, vector<128xi32>
    %add3A_732 = arith.addi %add3A_721, %select_n3A_731 : vector<128xi32>
    %ge3A_733 = vector.broadcast %select_n3A_382 : i32 to vector<128xi32>
    %ge3A_734 = arith.cmpi sge, %iota3A_10, %ge3A_733 : vector<128xi32>
    %lt3A_735 = arith.cmpi slt, %select_n3A_382, %select_n3A_698 : i32
    %and3A_736 = vector.broadcast %lt3A_735 : i1 to vector<128xi1>
    %and3A_737 = arith.andi %ge3A_734, %and3A_736 : vector<128xi1>
    %jit3A_738 = arith.constant 1 : i32
    %jit3A_739 = arith.constant 0 : i32
    %broadcast_in_dim3A_740 = vector.broadcast %jit3A_738 : i32 to vector<128xi32>
    %broadcast_in_dim3A_741 = vector.broadcast %jit3A_739 : i32 to vector<128xi32>
    %select_n3A_742 = arith.select %and3A_737, %broadcast_in_dim3A_740, %broadcast_in_dim3A_741 : vector<128xi1>, vector<128xi32>
    %add3A_743 = arith.addi %add3A_732, %select_n3A_742 : vector<128xi32>
    %ge3A_744 = vector.broadcast %select_n3A_469 : i32 to vector<128xi32>
    %ge3A_745 = arith.cmpi sge, %iota3A_10, %ge3A_744 : vector<128xi32>
    %lt3A_746 = arith.cmpi slt, %select_n3A_469, %select_n3A_698 : i32
    %and3A_747 = vector.broadcast %lt3A_746 : i1 to vector<128xi1>
    %and3A_748 = arith.andi %ge3A_745, %and3A_747 : vector<128xi1>
    %jit3A_749 = arith.constant 1 : i32
    %jit3A_750 = arith.constant 0 : i32
    %broadcast_in_dim3A_751 = vector.broadcast %jit3A_749 : i32 to vector<128xi32>
    %broadcast_in_dim3A_752 = vector.broadcast %jit3A_750 : i32 to vector<128xi32>
    %select_n3A_753 = arith.select %and3A_748, %broadcast_in_dim3A_751, %broadcast_in_dim3A_752 : vector<128xi1>, vector<128xi32>
    %add3A_754 = arith.addi %add3A_743, %select_n3A_753 : vector<128xi32>
    %ge3A_755 = vector.broadcast %select_n3A_556 : i32 to vector<128xi32>
    %ge3A_756 = arith.cmpi sge, %iota3A_10, %ge3A_755 : vector<128xi32>
    %lt3A_757 = arith.cmpi slt, %select_n3A_556, %select_n3A_698 : i32
    %and3A_758 = vector.broadcast %lt3A_757 : i1 to vector<128xi1>
    %and3A_759 = arith.andi %ge3A_756, %and3A_758 : vector<128xi1>
    %jit3A_760 = arith.constant 1 : i32
    %jit3A_761 = arith.constant 0 : i32
    %broadcast_in_dim3A_762 = vector.broadcast %jit3A_760 : i32 to vector<128xi32>
    %broadcast_in_dim3A_763 = vector.broadcast %jit3A_761 : i32 to vector<128xi32>
    %select_n3A_764 = arith.select %and3A_759, %broadcast_in_dim3A_762, %broadcast_in_dim3A_763 : vector<128xi1>, vector<128xi32>
    %add3A_765 = arith.addi %add3A_754, %select_n3A_764 : vector<128xi32>
    %ge3A_766 = vector.broadcast %select_n3A_643 : i32 to vector<128xi32>
    %ge3A_767 = arith.cmpi sge, %iota3A_10, %ge3A_766 : vector<128xi32>
    %lt3A_768 = arith.cmpi slt, %select_n3A_643, %select_n3A_698 : i32
    %and3A_769 = vector.broadcast %lt3A_768 : i1 to vector<128xi1>
    %and3A_770 = arith.andi %ge3A_767, %and3A_769 : vector<128xi1>
    %jit3A_771 = arith.constant 1 : i32
    %jit3A_772 = arith.constant 0 : i32
    %broadcast_in_dim3A_773 = vector.broadcast %jit3A_771 : i32 to vector<128xi32>
    %broadcast_in_dim3A_774 = vector.broadcast %jit3A_772 : i32 to vector<128xi32>
    %select_n3A_775 = arith.select %and3A_770, %broadcast_in_dim3A_773, %broadcast_in_dim3A_774 : vector<128xi1>, vector<128xi32>
    %add3A_776 = arith.addi %add3A_765, %select_n3A_775 : vector<128xi32>
    %swap3A = arith.constant 0 : index
    %swap3A_777 = arith.constant 0 : index
    %swap3A_778 = vector.load %arg2[%swap3A, %swap3A_777] : memref<32x128xi32, #tpu.memory_space<vmem>>, vector<32x128xi32>
    tpu.vector_store %arg2[%swap3A, %swap3A_777], %select_n3A_614 {strides = array<i32>} : memref<32x128xi32, #tpu.memory_space<vmem>>, vector<32x128xi32>,
    %swap3A_779 = arith.constant 0 : index
    %swap3A_780 = vector.load %arg3[%swap3A_779] : memref<128xi32, #tpu.memory_space<vmem>>, vector<128xi32>
    tpu.vector_store %arg3[%swap3A_779], %select_n3A_619 {strides = array<i32>} : memref<128xi32, #tpu.memory_space<vmem>>, vector<128xi32>,
    %swap3A_781 = arith.constant 0 : index
    %swap3A_782 = vector.load %arg4[%swap3A_781] : memref<128xi32, #tpu.memory_space<vmem>>, vector<128xi32>
    tpu.vector_store %arg4[%swap3A_781], %add3A_776 {strides = array<i32>} : memref<128xi32, #tpu.memory_space<vmem>>, vector<128xi32>,
    %broadcast_in_dim3A_783 = vector.broadcast %select_n3A_698 : i32 to vector<128xi32>
    %swap3A_784 = arith.constant 0 : index
    %swap3A_785 = vector.load %arg5[%swap3A_784] : memref<128xi32, #tpu.memory_space<vmem>>, vector<128xi32>
    tpu.vector_store %arg5[%swap3A_784], %broadcast_in_dim3A_783 {strides = array<i32>} : memref<128xi32, #tpu.memory_space<vmem>>, vector<128xi32>,
    return
  }
  func.func @transform_0(%arg0: i32) -> (i32, i32) {
    %c0_i32 = arith.constant 0 : i32
    %c0_i32_0 = arith.constant 0 : i32
    %c0_i32_1 = arith.constant 0 : i32
    return %c0_i32, %c0_i32_0 : i32, i32
  }
  func.func @transform_1(%arg0: i32) -> (i32, i32) {
    %c0_i32 = arith.constant 0 : i32
    %c0_i32_0 = arith.constant 0 : i32
    %c0_i32_1 = arith.constant 0 : i32
    return %c0_i32, %c0_i32_0 : i32, i32
  }
  func.func @transform_2(%arg0: i32) -> i32 {
    %c0_i32 = arith.constant 0 : i32
    %c0_i32_0 = arith.constant 0 : i32
    return %c0_i32 : i32
  }
  func.func @transform_3(%arg0: i32) -> i32 {
    %c0_i32 = arith.constant 0 : i32
    %c0_i32_0 = arith.constant 0 : i32
    return %c0_i32 : i32
  }
  func.func @transform_4(%arg0: i32) -> i32 {
    %c0_i32 = arith.constant 0 : i32
    %c0_i32_0 = arith.constant 0 : i32
    return %c0_i32 : i32
  }
}

</mosaic_0001>

<sc_bundles>
// kernel: kernel.10.cloned.1.call-start
scs
__scs_entry_jumppad:
0x0: {  	(pc) =	sbr.rel $0x88, $3  }
0x1: {  	(tag) =	ssettag $0x0;
	lr =	simm.s32 $0x1  }
0x2: {  	[smem:$0x3F9D] =	sst lr;
	_ =	strace $0xD0000000  }
0x3: {  	_ = 	snop  }
0x4: {  	_ = 	snop  }
0x5: {  	_ = 	snop  }
0x6: {  	_ = 	snop  }
0x7: {  	_ = 	snop  }
__scs_overlays_trampoline_lowered:
0x8: {  	[smem:$0x3FAC] =	sst s0  }
0x9: {  	[smem:$0x3FAD] =	sst s1  }
0xa: {  	[smem:$0x3FAE] =	sst s2  }
0xb: {  	[smem:$0x3FAF] =	sst s3  }
0xc: {  	[smem:$0x3FB0] =	sst s4  }
0xd: {  	[smem:$0x3FB1] =	sst s5  }
0xe: {  	[smem:$0x3FB2] =	sst s6  }
0xf: {  	[smem:$0x3FB3] =	sst s7  }
0x10: {  	[smem:$0x3FB4] =	sst s8  }
0x11: {  	[smem:$0x3FB5] =	sst s9;
	s0 =	simm.s32 @!p0 $0x0  }
0x12: {  	s1 =	sld [smem:$0x3F9B];
	s0 =	simm.s32 @p0 $0x1  }
0x13: {  	[smem:$0x3FB6] =	sst s0;
	s0 =	simm.s32 @!p1 $0x0  }
0x14: {  	s2 =	sld [smem:$0x3F9A];
	s0 =	simm.s32 @p1 $0x1  }
0x15: {  	[smem:$0x3FB7] =	sst s0;
	s0 =	simm.s32 @!p2 $0x0  }
0x16: {  	s3 =	sld [smem:$0x3FDB];
	s0 =	simm.s32 @p2 $0x1  }
0x17: {  	s4 =	simm.s32 $0x1BF5;
	[smem:$0x3FB9] =	sst s0  }
0x18: {  	s0 =	sld [smem:$0x3F9C];
	_ =	swait.ge [sflag:s4], $0x0  }
0x19: {  	s7 =	sld [smem:$0x3F9D]  }
0x1a: {  	s8 =	sadd.s32 $0xFFFFE003, lr  }
0x1b: {  	s9 =	sadd.s32 $0xFFFFFEF7, lr;
	s5 =	simm.s32 $0xFFFFFFFF;
	p2 =	slt.u32 s8, $0xFFFFF086  }
0x1c: {  	p1 =	slt.u32 s9, $0xF7A;
	s5 =	simm.s32 @!p2 $0x0  }
0x1d: {  	s5 =	simm.s32 @p1 $0x1;
	p0 =	seq.s32 s7, s2  }
0x1e: {  	s7 =	smul.u32 @!p0 $0xF7A, s2;
	p2 =	seq.s32 @!p0 s5, $0x0  }
0x1f: {  	s9 =	smul.u32 $0xF7A, s1;
	s8 =	simm.s32 @!p0 $0x1BF5;
	p2 =	por !p2, p0  }
0x20: {  	[sflag:s8] =	ssyncset.s32 @!p0 $0xFFFFF086;
	s6 =	sadd.s32 @!p0 s3, s7;
	s7 =	simm.s32 @!p0 $0x108  }
0x21: {  	s3 =	sadd.s32 s3, s9;
	s6 =	sadd.s32 @!p0 $0x88, s6;
	s7 =	simm.s32 @p2 $0x1082  }
0x22: {  	[simem:s7], [sflag:s8] =	dma.local @!p0 [hbm:s6], $0xF7A  }
0x23: {  	s9 =	sor.u32 $0xD0000000, s2;
	s6 =	simm.s32 $0x108;
	_ =	swait.ge @!p0 [sflag:s8], $0x0  }
0x24: {  	s3 =	sadd.s32 $0x88, s3;
	s6 =	simm.s32 @!p1 $0x1082;
	[sflag:s4] =	ssyncset.s32 $0xFFFFF086  }
0x25: {  	[simem:s6], [sflag:s4] =	dma.local [hbm:s3], $0xF7A  }
0x26: {  	[smem:$0x3F9D] =	sst s1;
	(tag) =	ssettag s2;
	_ =	strace s9  }
0x27: {  	s1 =	sld [smem:$0x3FAD]  }
0x28: {  	s2 =	sld [smem:$0x3FAE]  }
0x29: {  	s4 =	sld [smem:$0x3FB0]  }
0x2a: {  	p0 =	seq.s32 s5, $0x0;
	s5 =	sld [smem:$0x3FB1]  }
0x2b: {  	s6 =	sld [smem:$0x3FB2]  }
0x2c: {  	s7 =	sld [smem:$0x3FB3]  }
0x2d: {  	s3 =	simm.s32 $0x108;
	s8 =	sld [smem:$0x3FB4]  }
0x2e: {  	s3 =	simm.s32 @!p0 $0x1082;
	s9 =	sld [smem:$0x3FB5]  }
0x2f: {  	lr =	sadd.s32 s0, s3;
	s0 =	sld [smem:$0x3FAC]  }
0x30: {  	s3 =	sld [smem:$0x3FAF]  }
0x31: {  	[smem:$0x3FB8] =	sst s10  }
0x32: {  	s10 =	sld [smem:$0x3FB6];
	_ =	sdelay $0x3  }
0x33: {  	p0 =	seq.s32 s10, $0x1;
	s10 =	sld [smem:$0x3FB8];
	_ =	sdelay $0x3  }
0x34: {  	[smem:$0x3FB8] =	sst s10  }
0x35: {  	s10 =	sld [smem:$0x3FB7];
	_ =	sdelay $0x3  }
0x36: {  	p1 =	seq.s32 s10, $0x1;
	s10 =	sld [smem:$0x3FB8];
	_ =	sdelay $0x3  }
0x37: {  	[smem:$0x3FB8] =	sst s10  }
0x38: {  	s10 =	sld [smem:$0x3FB9]  }
0x39: {  	_ = 	snop;
	(pc) =	sbr.ind lr, $3  }
0x3a: {  	_ = 	snop  }
0x3b: {  	_ = 	snop  }
0x3c: {  	p2 =	seq.s32 s10, $0x1;
	s10 =	sld [smem:$0x3FB8]  }
0x3d: {  	_ =	shalt  }
0x3e: {  	_ =	shalt  }
0x3f: {  	_ =	shalt  }
0x40: {  	_ =	shalt  }
0x41: {  	_ =	shalt  }
0x42: {  	_ =	shalt  }
0x43: {  	_ =	shalt  }
0x44: {  	_ =	shalt  }
0x45: {  	_ =	shalt  }
0x46: {  	_ =	shalt  }
0x47: {  	_ =	shalt  }
0x48: {  	_ =	shalt  }
0x49: {  	_ =	shalt  }
0x4a: {  	_ =	shalt  }
0x4b: {  	_ =	shalt  }
0x4c: {  	_ =	shalt  }
0x4d: {  	_ =	shalt  }
0x4e: {  	_ =	shalt  }
0x4f: {  	_ =	shalt  }
0x50: {  	_ =	shalt  }
0x51: {  	_ =	shalt  }
0x52: {  	_ =	shalt  }
0x53: {  	_ =	shalt  }
0x54: {  	_ =	shalt  }
0x55: {  	_ =	shalt  }
0x56: {  	_ =	shalt  }
0x57: {  	_ =	shalt  }
0x58: {  	_ =	shalt  }
0x59: {  	_ =	shalt  }
0x5a: {  	_ =	shalt  }
0x5b: {  	_ =	shalt  }
0x5c: {  	_ =	shalt  }
0x5d: {  	_ =	shalt  }
0x5e: {  	_ =	shalt  }
0x5f: {  	_ =	shalt  }
0x60: {  	_ =	shalt  }
0x61: {  	_ =	shalt  }
0x62: {  	_ =	shalt  }
0x63: {  	_ =	shalt  }
0x64: {  	_ =	shalt  }
0x65: {  	_ =	shalt  }
0x66: {  	_ =	shalt  }
0x67: {  	_ =	shalt  }
0x68: {  	_ =	shalt  }
0x69: {  	_ =	shalt  }
0x6a: {  	_ =	shalt  }
0x6b: {  	_ =	shalt  }
0x6c: {  	_ =	shalt  }
0x6d: {  	_ =	shalt  }
0x6e: {  	_ =	shalt  }
0x6f: {  	_ =	shalt  }
0x70: {  	_ =	shalt  }
0x71: {  	_ =	shalt  }
0x72: {  	_ =	shalt  }
0x73: {  	_ =	shalt  }
0x74: {  	_ =	shalt  }
0x75: {  	_ =	shalt  }
0x76: {  	_ =	shalt  }
0x77: {  	_ =	shalt  }
0x78: {  	_ =	shalt  }
0x79: {  	_ =	shalt  }
0x7a: {  	_ =	shalt  }
0x7b: {  	_ =	shalt  }
0x7c: {  	_ =	shalt  }
0x7d: {  	_ =	shalt  }
0x7e: {  	_ =	shalt  }
0x7f: {  	_ =	shalt  }
0x80: {  	_ =	shalt  }
0x81: {  	_ =	shalt  }
0x82: {  	_ =	shalt  }
0x83: {  	_ =	shalt  }
0x84: {  	_ =	shalt  }
0x85: {  	_ =	shalt  }
0x86: {  	_ =	shalt  }
0x87: {  	_ =	shalt  }
.Lfunc_end0:
.L_simem_size_0:
called_computation.1_lowered:
.L_overlay_start_0:
0x88: {  	s2 =	sld [smem:$0x3FD9]  }
0x89: {  	s3 =	sld [smem:$0x3FFE];
	_ =	sdelay $0x1  }
0x8a: {  	s1 =	srdreg.scid  }
0x8b: {  	s0 =	sand.u32 $0x1, s1  }
0x8c: {  	s14 =	sshll.u32 s0, $0xA;
	s2 =	sadd.s32 s3, s2  }
0x8d: {  	s2 =	sadd.s32 s2, s14  }
0x8e: {  	[smem:$0x3FC4] =	sst s2  }
0x8f: {  	_ = 	snop  }
0x90: {  	s2 =	sld [smem:$0x3FD0];
	_ =	sdelay $0x2  }
0x91: {  	s15 =	simm.s32 $0xA;
	s4 =	simm.s32 $0x10  }
0x92: {  	[smem:s4], [sflag:s15] =	dma.local [hbm:s2], $0x1  }
0x93: {  	_ =	swait.eq [sflag:s15], $0x1  }
0x94: {  	[sflag:s15] =	ssyncset.done $0x0  }
0x95: {  	[sflag:s15] =	ssyncadd.s32 $0xFFFFFFFF  }
0x96: {  	s16 =	sld [smem:$0x10];
	(tm) =	ssettm $0x1  }
0x97: {  	s17 =	sld [smem:$0x3FFB];
	_ =	sdelay $0x3  }
0x98: {  	_ =	strace s17  }
0x99: {  	s3 =	sld [smem:$0x3FFC];
	_ =	sdelay $0x3  }
0x9a: {  	_ =	strace s3  }
0x9b: {  	s3 =	sld [smem:$0x3FFD];
	_ =	sdelay $0x3  }
0x9c: {  	_ =	strace s3  }
0x9d: {  	_ =	strace $0x8FFFFFFF  }
0x9e: {  	s18 =	sld [smem:$0x3FDB];
	_ =	sdelay $0x1  }
0x9f: {  	s19 =	simm.s32 $_scs_section_size  }
0xa0: {  	s5 =	simm.s32 $_size__tile_overlayer_lowered;
	s6 =	simm.s32 $_tile_overlayer_lowered  }
0xa1: {  	s22 =	simm.s32 $0x1BFF;
	s21 =	sshll.u32 s6, $0x1;
	s3 =	sadd.s32 s19, s18  }
0xa2: {  	s7 =	simm.s32 $0x0;
	s20 =	sshll.u32 s5, $0x1;
	s5 =	sadd.s32 s21, s3  }
0xa3: {  	[timem:s7], [sflag:s22] =	dma.local [hbm:s5], s20  }
0xa4: {  	_ =	swait.ge [sflag:s22], s20  }
0xa5: {  	s4 =	ssub.s32 $0x0, s20;
	[sflag:s22] =	ssyncset.done $0x0  }
0xa6: {  	[sflag:s22] =	ssyncadd.s32 s4;
	_ =	sdelay $0x1  }
0xa7: {  	s23 =	simm.s32 $0x1B8B  }
0xa8: {  	_ =	swait.ge [sflag:s23], $0x1  }
0xa9: {  	[sflag:s23] =	ssyncset.done $0x0  }
0xaa: {  	s25 =	simm.s32 $0x1B8E;
	s24 =	sld [smem:$0x3FFE];
	[sflag:s23] =	ssyncadd.s32 $0xFFFFFFFF  }
0xab: {  	s26 =	simm.s32 $execute0_lowered;
	[smem:$0x3FD2] =	sst s25  }
0xac: {  	s5 =	sshll.u32 s26, $0x1;
	_ =	strace $0x80000049;
	[dreg:$0x1] =	wrdreg $0xFFFFFFFF  }
0xad: {  	s28 =	simm.s32 $_size_execute0_lowered;
	s3 =	sadd.s32 s3, s5;
	[dreg:$0x0] =	wrdreg $0x0  }
0xae: {  	s5 =	sshll.u32 s28, $0x1;
	[dreg:$0x2] =	wrdreg s3  }
0xaf: {  	[dreg:$0x3] =	wrdreg s5  }
0xb0: {  	[dreg:$0x4] =	wrdreg $0xC0  }
0xb1: {  	_ =	task [dreg:s7], $0x5FFFF  }
0xb2: {  	[dreg:$0x1] =	wrdreg $0xFFFFFFFF  }
0xb3: {  	[dreg:$0x0] =	wrdreg $0x60  }
0xb4: {  	[dreg:$0x2] =	wrdreg s24  }
0xb5: {  	[dreg:$0x3] =	wrdreg s16  }
0xb6: {  	[dreg:$0x4] =	wrdreg $0x9  }
0xb7: {  	_ =	task.clear_ibuf [dreg:s7], $0x5FFFF;
	_ =	strace $0x90000049  }
0xb8: {  	s29 =	simm.s32 $0x9;
	_ =	strace $0x8000004B  }
0xb9: {  	_ =	swait.ge [sflag:s29], $0x1  }
0xba: {  	[sflag:s29] =	ssyncadd.s32 $0xFFFFFFFF  }
0xbb: {  	_ =	strace $0x9000004B  }
0xbc: {  	_ =	sfence  }
0xbd: {  	s30 =	sld [smem:$0x0];
	_ =	sdelay $0x2  }
0xbe: {  	s31 =	sshll.u32 s1, $0xD;
	s1 =	sshrl.u32 s1, $0x2  }
0xbf: {  	s3 =	sand.u32 $0x4000, s31;
	s1 =	sadd.s32 s1, s30  }
0xc0: {  	s0 =	sor.u32 s3, s0;
	s1 =	sshll.u32 s1, $0x11  }
0xc1: {  	s0 =	sor.u32 s1, s0  }
0xc2: {  	s0 =	sadd.s32 $0x8F2B, s0  }
0xc3: {  	[sflag:s0] =	ssyncadd.remote.s32 $0x1  }
0xc4: {  	_ =	sfence.sel $0xFFFF  }
0xc5: {  	[dreg:$0x0] =	wrdreg $0xFFFFFFFF;
	(pc) =	sbr.abs _section_cstart, $3  }
0xc6: {  	[dreg:$0x1] =	wrdreg $0xFFFFFFFF  }
0xc7: {  	_ =	task.clear_ibuf [dreg:s7], $0x2FFFF;
	_ =	strace $0x9FFFFFFF  }
0xc8: {  	(tm) =	ssettm $0x7FFFFFFF  }
0xc9: {  	_ =	shalt  }
tec
execute0_lowered:
.L_overlay_start_1:
0x0: {  	(tag) =	ssettag $0x1  }
0x1: {  	s0 =	rddreg [dreg:$0x0]  }
0x2: {  	s1 =	rddreg [dreg:$0x1]  }
0x3: {  	s2 =	simm.s32 $0x0;
	s3 =	srdreg.scid;
	s5 =	stileid.u32  }
0x4: {  	s9 =	simm.s32 $0x1;
	s21 =	simm.s32 $0x3;
	s22 =	simm.s32 $0x4  }
0x5: {  	s28 =	simm.s32 $0x1A00;
	s29 =	simm.s32 $0x2200;
	s30 =	simm.s32 $0x2A00  }
0x6: {  	s31 =	simm.s32 $0x3200;
	s11 =	simm.s32 $0x4A00;
	s12 =	simm.s32 $0x5200  }
0x7: {  	s13 =	simm.s32 $0x5A00;
	s14 =	simm.s32 $0x6200;
	s15 =	simm.s32 $0x6A00  }
0x8: {  	s16 =	simm.s32 $0x7200;
	s17 =	simm.s32 $0x7A00;
	s20 =	simm.s32 $0x8200  }
0x9: {  	s18 =	simm.s32 $0x8A00;
	s19 =	simm.s32 $0x9200;
	[smem:$0x7FF] =	sst s2  }
0xa: {  	s4 =	sand.u32 $0x1, s3;
	s24 =	sshll.u32 s5, $0x1;
	s3 =	sadd.s32 $0xC1A00, s0  }
0xb: {  	_ =	strace $0x8000004A;
	s5 =	sor.u32 s4, s24;
	s4 =	ssub.s32 $0x2, s4  }
0xc: {  	s24 =	simm.s32 $0xA00;
	s6 =	sshll.u32 s5, $0x6;
	s5 =	sshll.u32 s5, $0xE  }
0xd: {  	s7 =	sshrl.u32 s4, $0x1;
	s6 =	sadd.s32 s6, s0;
	s8 =	sadd.s32 s1, s5  }
0xe: {  	s4 =	ssub.s32 s4, s7;
	s6 =	sadd.s32 $0x1200, s6;
	[dreg:$0x7] =	wrdreg s8  }
0xf: {  	s5 =	sadd.s32 $0xC1B00, s0;
	s1 =	sadd.s32 $0x1000, s8;
	[dreg:$0x3] =	wrdreg s6  }
0x10: {  	s7 =	sadd.s32 $0xC1D00, s0;
	s25 =	sadd.s32 $0x2000, s8;
	[dreg:$0x4] =	wrdreg s1  }
0x11: {  	v2 =	vlaneseq.u32;
	s26 =	sadd.s32 $0x3000, s8;
	s8 =	smax.u32 s4, $0x1;
	[dreg:$0x5] =	wrdreg s25  }
0x12: {  	vm0 =	vmmov $0xffff;
	v1 =	vshrl.u32 v2, $0x3;
	s4 =	simm.s32 $0x2;
	s6 =	sadd.s32 $0xC1C00, s0;
	[dreg:$0x6] =	wrdreg s26  }
0x13: {  	v0 =	vand.u32 $0x7, v2;
	v2 =	vor.u32 $0x8, v2;
	v1 =	vmul.u32 $0x8, v1;
	s26 =	simm.s32 $0x200;
	s25 =	simm.s32 $0x1200;
	s1 =	simm.s32 $0x4200  }
.LBB2_1:
0x14: {  	s23 =	rddreg [dreg:$0x3];
	s0 =	simm.s32 $0x5  }
0x15: {  	[tilespmem:s2], [sflag:$0x5] =	stream.linear.gather [hbm4b:s23+s2], $0x200, $0x38;
	[tilespmem:$0x10200] =	vst v63  }
0x16: {  	_ =	swait.ge [sflag:s0], $0x200  }
0x17: {  	[sflag:s0] =	ssyncset.done $0x0  }
0x18: {  	[sflag:s0] =	ssyncadd.s32 $0xFFFFFE00  }
0x19: {  	v3 =	vld [tilespmem:$0x0];
	_ =	sdelay $0x4  }
0x1a: {  	v4 =	vshll.u32 v3, $0x3  }
0x1b: {  	v3 =	vand.u32 $0x7, v3;
	v4 =	vand.u32 $0xFFFFFFC0, v4  }
0x1c: {  	v3 =	vor.u32 v3, v4  }
0x1d: {  	v4 =	vperm.xlane v3, v0;
	_ =	sdelay $0x1  }
0x1e: {  	v4 =	vadd.s32 v1, v4;
	_ =	sdelay $0x4  }
0x1f: {  	[tilespmem:s26], [sflag:$0x1] =	stream.indirect_vreg.gather [hbm4b:s3+s2], $0x80, v4, vm0, $0xb8;
	[tilespmem:$0x10200] =	vst v63  }
0x20: {  	v3 =	vperm.xlane v3, v2  }
0x21: {  	[tilespmem:s24], [sflag:$0x1] =	stream.indirect_vreg.gather [hbm4b:s5+s2], $0x80, v4, vm0, $0xb8;
	[tilespmem:$0x10200] =	vst v63  }
0x22: {  	v3 =	vadd.s32 v1, v3  }
0x23: {  	[tilespmem:s25], [sflag:$0x1] =	stream.indirect_vreg.gather [hbm4b:s6+s2], $0x80, v4, vm0, $0xb8;
	[tilespmem:$0x10200] =	vst v63  }
0x24: {  	_ = 	snop  }
0x25: {  	[tilespmem:s28], [sflag:$0x1] =	stream.indirect_vreg.gather [hbm4b:s7+s2], $0x80, v4, vm0, $0xb8;
	[tilespmem:$0x10200] =	vst v63  }
0x26: {  	_ = 	snop  }
0x27: {  	[tilespmem:s29], [sflag:$0x1] =	stream.indirect_vreg.gather [hbm4b:s3+s2], $0x80, v3, vm0, $0xb8;
	[tilespmem:$0x10200] =	vst v63  }
0x28: {  	_ = 	snop  }
0x29: {  	[tilespmem:s30], [sflag:$0x1] =	stream.indirect_vreg.gather [hbm4b:s5+s2], $0x80, v3, vm0, $0xb8;
	[tilespmem:$0x10200] =	vst v63  }
0x2a: {  	_ = 	snop  }
0x2b: {  	[tilespmem:s31], [sflag:$0x1] =	stream.indirect_vreg.gather [hbm4b:s6+s2], $0x80, v3, vm0, $0xb8;
	[tilespmem:$0x10200] =	vst v63  }
0x2c: {  	s0 =	simm.s32 $0x3A00  }
0x2d: {  	[tilespmem:s0], [sflag:$0x1] =	stream.indirect_vreg.gather [hbm4b:s7+s2], $0x80, v3, vm0, $0xb8;
	[tilespmem:$0x10200] =	vst v63  }
0x2e: {  	v3 =	vld [tilespmem:$0x10];
	_ =	sdelay $0x4  }
0x2f: {  	v57 =	vshll.u32 v3, $0x3  }
0x30: {  	v3 =	vand.u32 $0x7, v3;
	v4 =	vand.u32 $0xFFFFFFC0, v57  }
0x31: {  	v3 =	vor.u32 v3, v4  }
0x32: {  	v4 =	vperm.xlane v3, v0;
	_ =	sdelay $0x1  }
0x33: {  	v4 =	vadd.s32 v1, v4;
	_ =	sdelay $0x4  }
0x34: {  	[tilespmem:s1], [sflag:$0x1] =	stream.indirect_vreg.gather [hbm4b:s3+s2], $0x80, v4, vm0, $0xb8;
	[tilespmem:$0x10200] =	vst v63  }
0x35: {  	v3 =	vperm.xlane v3, v2  }
0x36: {  	[tilespmem:s11], [sflag:$0x1] =	stream.indirect_vreg.gather [hbm4b:s5+s2], $0x80, v4, vm0, $0xb8;
	[tilespmem:$0x10200] =	vst v63  }
0x37: {  	v3 =	vadd.s32 v1, v3  }
0x38: {  	[tilespmem:s12], [sflag:$0x1] =	stream.indirect_vreg.gather [hbm4b:s6+s2], $0x80, v4, vm0, $0xb8;
	[tilespmem:$0x10200] =	vst v63  }
0x39: {  	_ = 	snop  }
0x3a: {  	[tilespmem:s13], [sflag:$0x1] =	stream.indirect_vreg.gather [hbm4b:s7+s2], $0x80, v4, vm0, $0xb8;
	[tilespmem:$0x10200] =	vst v63  }
0x3b: {  	_ = 	snop  }
0x3c: {  	[tilespmem:s14], [sflag:$0x1] =	stream.indirect_vreg.gather [hbm4b:s3+s2], $0x80, v3, vm0, $0xb8;
	[tilespmem:$0x10200] =	vst v63  }
0x3d: {  	_ = 	snop  }
0x3e: {  	[tilespmem:s15], [sflag:$0x1] =	stream.indirect_vreg.gather [hbm4b:s5+s2], $0x80, v3, vm0, $0xb8;
	[tilespmem:$0x10200] =	vst v63  }
0x3f: {  	_ = 	snop  }
0x40: {  	[tilespmem:s16], [sflag:$0x1] =	stream.indirect_vreg.gather [hbm4b:s6+s2], $0x80, v3, vm0, $0xb8;
	[tilespmem:$0x10200] =	vst v63  }
0x41: {  	_ = 	snop  }
0x42: {  	[tilespmem:s17], [sflag:$0x1] =	stream.indirect_vreg.gather [hbm4b:s7+s2], $0x80, v3, vm0, $0xb8;
	[tilespmem:$0x10200] =	vst v63  }
0x43: {  	v3 =	vld [tilespmem:$0x80];
	_ =	sdelay $0x4  }
0x44: {  	v58 =	vshll.u32 v3, $0x3  }
0x45: {  	v3 =	vand.u32 $0x7, v3;
	v4 =	vand.u32 $0xFFFFFFC0, v58  }
0x46: {  	v3 =	vor.u32 v3, v4  }
0x47: {  	v4 =	vperm.xlane v3, v0;
	_ =	sdelay $0x1  }
0x48: {  	v4 =	vadd.s32 v1, v4;
	_ =	sdelay $0x4  }
0x49: {  	[tilespmem:s20], [sflag:$0x2] =	stream.indirect_vreg.gather [hbm4b:s3+s2], $0x80, v4, vm0, $0xb8;
	[tilespmem:$0x10200] =	vst v63  }
0x4a: {  	v3 =	vperm.xlane v3, v2  }
0x4b: {  	[tilespmem:s18], [sflag:$0x2] =	stream.indirect_vreg.gather [hbm4b:s5+s2], $0x80, v4, vm0, $0xb8;
	[tilespmem:$0x10200] =	vst v63  }
0x4c: {  	v3 =	vadd.s32 v1, v3  }
0x4d: {  	[tilespmem:s19], [sflag:$0x2] =	stream.indirect_vreg.gather [hbm4b:s6+s2], $0x80, v4, vm0, $0xb8;
	[tilespmem:$0x10200] =	vst v63  }
0x4e: {  	s10 =	simm.s32 $0x9A00  }
0x4f: {  	[tilespmem:s10], [sflag:$0x2] =	stream.indirect_vreg.gather [hbm4b:s7+s2], $0x80, v4, vm0, $0xb8;
	[tilespmem:$0x10200] =	vst v63  }
0x50: {  	s10 =	simm.s32 $0xA200  }
0x51: {  	[tilespmem:s10], [sflag:$0x2] =	stream.indirect_vreg.gather [hbm4b:s3+s2], $0x80, v3, vm0, $0xb8;
	[tilespmem:$0x10200] =	vst v63  }
0x52: {  	s23 =	simm.s32 $0xAA00  }
0x53: {  	[tilespmem:s23], [sflag:$0x2] =	stream.indirect_vreg.gather [hbm4b:s5+s2], $0x80, v3, vm0, $0xb8;
	[tilespmem:$0x10200] =	vst v63  }
0x54: {  	s23 =	simm.s32 $0xB200  }
0x55: {  	[tilespmem:s23], [sflag:$0x2] =	stream.indirect_vreg.gather [hbm4b:s6+s2], $0x80, v3, vm0, $0xb8;
	[tilespmem:$0x10200] =	vst v63  }
0x56: {  	s23 =	simm.s32 $0xBA00  }
0x57: {  	[tilespmem:s23], [sflag:$0x2] =	stream.indirect_vreg.gather [hbm4b:s7+s2], $0x80, v3, vm0, $0xb8;
	[tilespmem:$0x10200] =	vst v63  }
0x58: {  	v3 =	vld [tilespmem:$0x90];
	_ =	sdelay $0x4  }
0x59: {  	v59 =	vshll.u32 v3, $0x3  }
0x5a: {  	v3 =	vand.u32 $0x7, v3;
	v4 =	vand.u32 $0xFFFFFFC0, v59  }
0x5b: {  	v3 =	vor.u32 v3, v4  }
0x5c: {  	v4 =	vperm.xlane v3, v0;
	_ =	sdelay $0x1  }
0x5d: {  	v4 =	vadd.s32 v1, v4;
	_ =	sdelay $0x3  }
0x5e: {  	s23 =	simm.s32 $0xC200  }
0x5f: {  	[tilespmem:s23], [sflag:$0x2] =	stream.indirect_vreg.gather [hbm4b:s3+s2], $0x80, v4, vm0, $0xb8;
	[tilespmem:$0x10200] =	vst v63  }
0x60: {  	v3 =	vperm.xlane v3, v2;
	s23 =	simm.s32 $0xCA00  }
0x61: {  	[tilespmem:s23], [sflag:$0x2] =	stream.indirect_vreg.gather [hbm4b:s5+s2], $0x80, v4, vm0, $0xb8;
	[tilespmem:$0x10200] =	vst v63  }
0x62: {  	v3 =	vadd.s32 v1, v3;
	s23 =	simm.s32 $0xD200  }
0x63: {  	[tilespmem:s23], [sflag:$0x2] =	stream.indirect_vreg.gather [hbm4b:s6+s2], $0x80, v4, vm0, $0xb8;
	[tilespmem:$0x10200] =	vst v63  }
0x64: {  	s23 =	simm.s32 $0xDA00  }
0x65: {  	[tilespmem:s23], [sflag:$0x2] =	stream.indirect_vreg.gather [hbm4b:s7+s2], $0x80, v4, vm0, $0xb8;
	[tilespmem:$0x10200] =	vst v63  }
0x66: {  	s23 =	simm.s32 $0xE200  }
0x67: {  	[tilespmem:s23], [sflag:$0x2] =	stream.indirect_vreg.gather [hbm4b:s3+s2], $0x80, v3, vm0, $0xb8;
	[tilespmem:$0x10200] =	vst v63  }
0x68: {  	s23 =	simm.s32 $0xEA00  }
0x69: {  	[tilespmem:s23], [sflag:$0x2] =	stream.indirect_vreg.gather [hbm4b:s5+s2], $0x80, v3, vm0, $0xb8;
	[tilespmem:$0x10200] =	vst v63  }
0x6a: {  	s23 =	simm.s32 $0xF200  }
0x6b: {  	[tilespmem:s23], [sflag:$0x2] =	stream.indirect_vreg.gather [hbm4b:s6+s2], $0x80, v3, vm0, $0xb8;
	[tilespmem:$0x10200] =	vst v63  }
0x6c: {  	s23 =	simm.s32 $0xFA00  }
0x6d: {  	[tilespmem:s23], [sflag:$0x2] =	stream.indirect_vreg.gather [hbm4b:s7+s2], $0x80, v3, vm0, $0xb8;
	[tilespmem:$0x10200] =	vst v63  }
0x6e: {  	_ =	swait.ge [sflag:s9], $0x8000  }
0x6f: {  	[sflag:s9] =	ssyncset.done $0x0  }
0x70: {  	s23 =	rddreg [dreg:$0x7];
	[sflag:s9] =	ssyncadd.s32 $0xFFFF8000  }
0x71: {  	[hbm4b:s23+s2] =	stream.linear.scatter [tilespmem:s26], [sflag:$0x3], $0x8000, $0x38;
	[tilespmem:$0x10200] =	vst v63  }
0x72: {  	_ =	swait.ge [sflag:s21], $0x8000  }
0x73: {  	[sflag:s21] =	ssyncset.done $0x0  }
0x74: {  	[sflag:s21] =	ssyncadd.s32 $0xFFFF8000  }
0x75: {  	v3 =	vld [tilespmem:$0x100];
	_ =	sdelay $0x4  }
0x76: {  	v60 =	vshll.u32 v3, $0x3  }
0x77: {  	v3 =	vand.u32 $0x7, v3;
	v4 =	vand.u32 $0xFFFFFFC0, v60  }
0x78: {  	v3 =	vor.u32 v3, v4  }
0x79: {  	v4 =	vperm.xlane v3, v0;
	_ =	sdelay $0x1  }
0x7a: {  	v4 =	vadd.s32 v1, v4;
	_ =	sdelay $0x4  }
0x7b: {  	[tilespmem:s26], [sflag:$0x1] =	stream.indirect_vreg.gather [hbm4b:s3+s2], $0x80, v4, vm0, $0xb8;
	[tilespmem:$0x10200] =	vst v63  }
0x7c: {  	v3 =	vperm.xlane v3, v2  }
0x7d: {  	[tilespmem:s24], [sflag:$0x1] =	stream.indirect_vreg.gather [hbm4b:s5+s2], $0x80, v4, vm0, $0xb8;
	[tilespmem:$0x10200] =	vst v63  }
0x7e: {  	v3 =	vadd.s32 v1, v3  }
0x7f: {  	[tilespmem:s25], [sflag:$0x1] =	stream.indirect_vreg.gather [hbm4b:s6+s2], $0x80, v4, vm0, $0xb8;
	[tilespmem:$0x10200] =	vst v63  }
0x80: {  	_ = 	snop  }
0x81: {  	[tilespmem:s28], [sflag:$0x1] =	stream.indirect_vreg.gather [hbm4b:s7+s2], $0x80, v4, vm0, $0xb8;
	[tilespmem:$0x10200] =	vst v63  }
0x82: {  	_ = 	snop  }
0x83: {  	[tilespmem:s29], [sflag:$0x1] =	stream.indirect_vreg.gather [hbm4b:s3+s2], $0x80, v3, vm0, $0xb8;
	[tilespmem:$0x10200] =	vst v63  }
0x84: {  	_ = 	snop  }
0x85: {  	[tilespmem:s30], [sflag:$0x1] =	stream.indirect_vreg.gather [hbm4b:s5+s2], $0x80, v3, vm0, $0xb8;
	[tilespmem:$0x10200] =	vst v63  }
0x86: {  	_ = 	snop  }
0x87: {  	[tilespmem:s31], [sflag:$0x1] =	stream.indirect_vreg.gather [hbm4b:s6+s2], $0x80, v3, vm0, $0xb8;
	[tilespmem:$0x10200] =	vst v63  }
0x88: {  	_ = 	snop  }
0x89: {  	[tilespmem:s0], [sflag:$0x1] =	stream.indirect_vreg.gather [hbm4b:s7+s2], $0x80, v3, vm0, $0xb8;
	[tilespmem:$0x10200] =	vst v63  }
0x8a: {  	v3 =	vld [tilespmem:$0x110];
	_ =	sdelay $0x4  }
0x8b: {  	v61 =	vshll.u32 v3, $0x3  }
0x8c: {  	v3 =	vand.u32 $0x7, v3;
	v4 =	vand.u32 $0xFFFFFFC0, v61  }
0x8d: {  	v3 =	vor.u32 v3, v4  }
0x8e: {  	v4 =	vperm.xlane v3, v0;
	_ =	sdelay $0x1  }
0x8f: {  	v4 =	vadd.s32 v1, v4;
	_ =	sdelay $0x4  }
0x90: {  	[tilespmem:s1], [sflag:$0x1] =	stream.indirect_vreg.gather [hbm4b:s3+s2], $0x80, v4, vm0, $0xb8;
	[tilespmem:$0x10200] =	vst v63  }
0x91: {  	v3 =	vperm.xlane v3, v2  }
0x92: {  	[tilespmem:s11], [sflag:$0x1] =	stream.indirect_vreg.gather [hbm4b:s5+s2], $0x80, v4, vm0, $0xb8;
	[tilespmem:$0x10200] =	vst v63  }
0x93: {  	v3 =	vadd.s32 v1, v3  }
0x94: {  	[tilespmem:s12], [sflag:$0x1] =	stream.indirect_vreg.gather [hbm4b:s6+s2], $0x80, v4, vm0, $0xb8;
	[tilespmem:$0x10200] =	vst v63  }
0x95: {  	_ = 	snop  }
0x96: {  	[tilespmem:s13], [sflag:$0x1] =	stream.indirect_vreg.gather [hbm4b:s7+s2], $0x80, v4, vm0, $0xb8;
	[tilespmem:$0x10200] =	vst v63  }
0x97: {  	_ = 	snop  }
0x98: {  	[tilespmem:s14], [sflag:$0x1] =	stream.indirect_vreg.gather [hbm4b:s3+s2], $0x80, v3, vm0, $0xb8;
	[tilespmem:$0x10200] =	vst v63  }
0x99: {  	_ = 	snop  }
0x9a: {  	[tilespmem:s15], [sflag:$0x1] =	stream.indirect_vreg.gather [hbm4b:s5+s2], $0x80, v3, vm0, $0xb8;
	[tilespmem:$0x10200] =	vst v63  }
0x9b: {  	_ = 	snop  }
0x9c: {  	[tilespmem:s16], [sflag:$0x1] =	stream.indirect_vreg.gather [hbm4b:s6+s2], $0x80, v3, vm0, $0xb8;
	[tilespmem:$0x10200] =	vst v63  }
0x9d: {  	_ = 	snop  }
0x9e: {  	[tilespmem:s17], [sflag:$0x1] =	stream.indirect_vreg.gather [hbm4b:s7+s2], $0x80, v3, vm0, $0xb8;
	[tilespmem:$0x10200] =	vst v63  }
0x9f: {  	_ =	swait.ge [sflag:s4], $0x8000  }
0xa0: {  	[sflag:s4] =	ssyncset.done $0x0  }
0xa1: {  	s0 =	rddreg [dreg:$0x4];
	[sflag:s4] =	ssyncadd.s32 $0xFFFF8000  }
0xa2: {  	[hbm4b:s0+s2] =	stream.linear.scatter [tilespmem:s20], [sflag:$0x4], $0x8000, $0x38;
	[tilespmem:$0x10200] =	vst v63  }
0xa3: {  	_ =	swait.ge [sflag:s22], $0x8000  }
0xa4: {  	[sflag:s22] =	ssyncset.done $0x0  }
0xa5: {  	[sflag:s22] =	ssyncadd.s32 $0xFFFF8000  }
0xa6: {  	v3 =	vld [tilespmem:$0x180];
	_ =	sdelay $0x4  }
0xa7: {  	v62 =	vshll.u32 v3, $0x3  }
0xa8: {  	v3 =	vand.u32 $0x7, v3;
	v4 =	vand.u32 $0xFFFFFFC0, v62  }
0xa9: {  	v3 =	vor.u32 v3, v4  }
0xaa: {  	v4 =	vperm.xlane v3, v0;
	_ =	sdelay $0x1  }
0xab: {  	v4 =	vadd.s32 v1, v4;
	_ =	sdelay $0x4  }
0xac: {  	[tilespmem:s20], [sflag:$0x2] =	stream.indirect_vreg.gather [hbm4b:s3+s2], $0x80, v4, vm0, $0xb8;
	[tilespmem:$0x10200] =	vst v63  }
0xad: {  	v3 =	vperm.xlane v3, v2  }
0xae: {  	[tilespmem:s18], [sflag:$0x2] =	stream.indirect_vreg.gather [hbm4b:s5+s2], $0x80, v4, vm0, $0xb8;
	[tilespmem:$0x10200] =	vst v63  }
0xaf: {  	v3 =	vadd.s32 v1, v3  }
0xb0: {  	[tilespmem:s19], [sflag:$0x2] =	stream.indirect_vreg.gather [hbm4b:s6+s2], $0x80, v4, vm0, $0xb8;
	[tilespmem:$0x10200] =	vst v63  }
0xb1: {  	s23 =	simm.s32 $0x9A00  }
0xb2: {  	[tilespmem:s23], [sflag:$0x2] =	stream.indirect_vreg.gather [hbm4b:s7+s2], $0x80, v4, vm0, $0xb8;
	[tilespmem:$0x10200] =	vst v63  }
0xb3: {  	_ = 	snop  }
0xb4: {  	[tilespmem:s10], [sflag:$0x2] =	stream.indirect_vreg.gather [hbm4b:s3+s2], $0x80, v3, vm0, $0xb8;
	[tilespmem:$0x10200] =	vst v63  }
0xb5: {  	s23 =	simm.s32 $0xAA00  }
0xb6: {  	[tilespmem:s23], [sflag:$0x2] =	stream.indirect_vreg.gather [hbm4b:s5+s2], $0x80, v3, vm0, $0xb8;
	[tilespmem:$0x10200] =	vst v63  }
0xb7: {  	s10 =	simm.s32 $0xB200  }
0xb8: {  	[tilespmem:s10], [sflag:$0x2] =	stream.indirect_vreg.gather [hbm4b:s6+s2], $0x80, v3, vm0, $0xb8;
	[tilespmem:$0x10200] =	vst v63  }
0xb9: {  	s23 =	simm.s32 $0xBA00  }
0xba: {  	[tilespmem:s23], [sflag:$0x2] =	stream.indirect_vreg.gather [hbm4b:s7+s2], $0x80, v3, vm0, $0xb8;
	[tilespmem:$0x10200] =	vst v63  }
0xbb: {  	v3 =	vld [tilespmem:$0x190];
	_ =	sdelay $0x4  }
0xbc: {  	v63 =	vshll.u32 v3, $0x3  }
0xbd: {  	v3 =	vand.u32 $0x7, v3;
	v4 =	vand.u32 $0xFFFFFFC0, v63  }
0xbe: {  	v3 =	vor.u32 v3, v4  }
0xbf: {  	v4 =	vperm.xlane v3, v0;
	_ =	sdelay $0x1  }
0xc0: {  	v4 =	vadd.s32 v1, v4;
	_ =	sdelay $0x3  }
0xc1: {  	s10 =	simm.s32 $0xC200  }
0xc2: {  	[tilespmem:s10], [sflag:$0x2] =	stream.indirect_vreg.gather [hbm4b:s3+s2], $0x80, v4, vm0, $0xb8;
	[tilespmem:$0x10200] =	vst v63  }
0xc3: {  	s23 =	simm.s32 $0xCA00;
	v3 =	vperm.xlane v3, v2  }
0xc4: {  	[tilespmem:s23], [sflag:$0x2] =	stream.indirect_vreg.gather [hbm4b:s5+s2], $0x80, v4, vm0, $0xb8;
	[tilespmem:$0x10200] =	vst v63  }
0xc5: {  	v3 =	vadd.s32 v1, v3;
	s10 =	simm.s32 $0xD200  }
0xc6: {  	[tilespmem:s10], [sflag:$0x2] =	stream.indirect_vreg.gather [hbm4b:s6+s2], $0x80, v4, vm0, $0xb8;
	[tilespmem:$0x10200] =	vst v63  }
0xc7: {  	s23 =	simm.s32 $0xDA00  }
0xc8: {  	[tilespmem:s23], [sflag:$0x2] =	stream.indirect_vreg.gather [hbm4b:s7+s2], $0x80, v4, vm0, $0xb8;
	[tilespmem:$0x10200] =	vst v63  }
0xc9: {  	s10 =	simm.s32 $0xE200  }
0xca: {  	[tilespmem:s10], [sflag:$0x2] =	stream.indirect_vreg.gather [hbm4b:s3+s2], $0x80, v3, vm0, $0xb8;
	[tilespmem:$0x10200] =	vst v63  }
0xcb: {  	s23 =	simm.s32 $0xEA00  }
0xcc: {  	[tilespmem:s23], [sflag:$0x2] =	stream.indirect_vreg.gather [hbm4b:s5+s2], $0x80, v3, vm0, $0xb8;
	[tilespmem:$0x10200] =	vst v63  }
0xcd: {  	s10 =	simm.s32 $0xF200  }
0xce: {  	[tilespmem:s10], [sflag:$0x2] =	stream.indirect_vreg.gather [hbm4b:s6+s2], $0x80, v3, vm0, $0xb8;
	[tilespmem:$0x10200] =	vst v63  }
0xcf: {  	s23 =	simm.s32 $0xFA00  }
0xd0: {  	[tilespmem:s23], [sflag:$0x2] =	stream.indirect_vreg.gather [hbm4b:s7+s2], $0x80, v3, vm0, $0xb8;
	[tilespmem:$0x10200] =	vst v63  }
0xd1: {  	_ =	swait.ge [sflag:s9], $0x8000  }
0xd2: {  	[sflag:s9] =	ssyncset.done $0x0  }
0xd3: {  	s0 =	rddreg [dreg:$0x5];
	[sflag:s9] =	ssyncadd.s32 $0xFFFF8000  }
0xd4: {  	[hbm4b:s0+s2] =	stream.linear.scatter [tilespmem:s26], [sflag:$0x3], $0x8000, $0x38;
	[tilespmem:$0x10200] =	vst v63  }
0xd5: {  	_ =	swait.ge [sflag:s4], $0x8000  }
0xd6: {  	[sflag:s4] =	ssyncset.done $0x0  }
0xd7: {  	s10 =	rddreg [dreg:$0x6];
	[sflag:s4] =	ssyncadd.s32 $0xFFFF8000  }
0xd8: {  	[hbm4b:s10+s2] =	stream.linear.scatter [tilespmem:s20], [sflag:$0x4], $0x8000, $0x38;
	[tilespmem:$0x10200] =	vst v63  }
0xd9: {  	p0 =	sne.s32 s8, $0x1;
	_ =	swait.ge [sflag:s21], $0x8000  }
.Ltmp0:
0xda: {  	[sflag:s21] =	ssyncset.done $0x0;
	(pc) =	sbr.rel @p0 .LBB2_1-.Ltmp0, $4  }
0xdb: {  	[sflag:s21] =	ssyncadd.s32 $0xFFFF8000  }
0xdc: {  	_ =	swait.ge [sflag:s22], $0x8000  }
0xdd: {  	[sflag:s22] =	ssyncset.done $0x0  }
0xde: {  	s8 =	sadd.s32 $0xFFFFFFFF, s8;
	[sflag:s22] =	ssyncadd.s32 $0xFFFF8000  }
0xdf: {  	_ =	sfence.sel $0x180000  }
0xe0: {  	[bflag:$0x0] =	sbarrier.arrive $0xFFFF  }
0xe1: {  	_ =	strace $0x9000004A  }
0xe2: {  	s0 =	stileid.u32;
	[bflag:$0x2] =	sbarrier.arrive $0xFFFF  }
0xe3: {  	p0 =	sne.s32 s0, $0x0;
	s0 =	rddreg [dreg:$0x2]  }
0xe4: {  	s0 =	sadd.s32 @!p0 $0x100000, s0  }
0xe5: {  	[sflag:s0] =	ssyncadd.tile.s32 @!p0 $0x1;
	_ =	shalt  }
.Lfunc_end2:
_tile_overlayer_lowered:
.L_overlay_start_2:
0xe6: {  	(tag) =	ssettag $0x2  }
0xe7: {  	s0 =	rddreg [dreg:$0x0];
	s2 =	stileid.u32  }
0xe8: {  	s1 =	rddreg [dreg:$0x1];
	p0 =	sne.s32 s2, $0x0  }
0xe9: {  	s3 =	rddreg [dreg:$0x2];
	[bflag:$0x3] =	sbarrier.arrive $0xFFFF;
	s2 =	simm.s32 @!p0 $0x1C05  }
0xea: {  	[timem:s3], [sflag:s2] =	dma.local @!p0 [hbm:s0], s1  }
0xeb: {  	s0 =	simm.s32 @!p0 $0x5  }
0xec: {  	_ =	swait.ge @!p0 [sflag:s0], s1  }
0xed: {  	s1 =	ssub.s32 @!p0 $0x0, s1;
	[sflag:s0] =	ssyncset.done @!p0 $0x0  }
0xee: {  	[sflag:s0] =	ssyncadd.s32 @!p0 s1  }
0xef: {  	[bflag:$0x3] =	sbarrier.arrive $0xFFFF  }
0xf0: {  	_ =	shalt  }

// kernel: kernel.7.cloned.1.call-start
scs
__scs_entry_jumppad:
0x0: {  	(pc) =	sbr.rel $0x88, $3  }
0x1: {  	(tag) =	ssettag $0x0;
	lr =	simm.s32 $0x1  }
0x2: {  	[smem:$0x3F9D] =	sst lr;
	_ =	strace $0xD0000000  }
0x3: {  	_ = 	snop  }
0x4: {  	_ = 	snop  }
0x5: {  	_ = 	snop  }
0x6: {  	_ = 	snop  }
0x7: {  	_ = 	snop  }
__scs_overlays_trampoline_lowered:
0x8: {  	[smem:$0x3FAC] =	sst s0  }
0x9: {  	[smem:$0x3FAD] =	sst s1  }
0xa: {  	[smem:$0x3FAE] =	sst s2  }
0xb: {  	[smem:$0x3FAF] =	sst s3  }
0xc: {  	[smem:$0x3FB0] =	sst s4  }
0xd: {  	[smem:$0x3FB1] =	sst s5  }
0xe: {  	[smem:$0x3FB2] =	sst s6  }
0xf: {  	[smem:$0x3FB3] =	sst s7  }
0x10: {  	[smem:$0x3FB4] =	sst s8  }
0x11: {  	[smem:$0x3FB5] =	sst s9;
	s0 =	simm.s32 @!p0 $0x0  }
0x12: {  	s1 =	sld [smem:$0x3F9B];
	s0 =	simm.s32 @p0 $0x1  }
0x13: {  	[smem:$0x3FB6] =	sst s0;
	s0 =	simm.s32 @!p1 $0x0  }
0x14: {  	s2 =	sld [smem:$0x3F9A];
	s0 =	simm.s32 @p1 $0x1  }
0x15: {  	[smem:$0x3FB7] =	sst s0;
	s0 =	simm.s32 @!p2 $0x0  }
0x16: {  	s3 =	sld [smem:$0x3FDB];
	s0 =	simm.s32 @p2 $0x1  }
0x17: {  	s4 =	simm.s32 $0x1BF5;
	[smem:$0x3FB9] =	sst s0  }
0x18: {  	s0 =	sld [smem:$0x3F9C];
	_ =	swait.ge [sflag:s4], $0x0  }
0x19: {  	s7 =	sld [smem:$0x3F9D]  }
0x1a: {  	s8 =	sadd.s32 $0xFFFFE003, lr  }
0x1b: {  	s9 =	sadd.s32 $0xFFFFFEF7, lr;
	s5 =	simm.s32 $0xFFFFFFFF;
	p2 =	slt.u32 s8, $0xFFFFF086  }
0x1c: {  	p1 =	slt.u32 s9, $0xF7A;
	s5 =	simm.s32 @!p2 $0x0  }
0x1d: {  	s5 =	simm.s32 @p1 $0x1;
	p0 =	seq.s32 s7, s2  }
0x1e: {  	s7 =	smul.u32 @!p0 $0xF7A, s2;
	p2 =	seq.s32 @!p0 s5, $0x0  }
0x1f: {  	s9 =	smul.u32 $0xF7A, s1;
	s8 =	simm.s32 @!p0 $0x1BF5;
	p2 =	por !p2, p0  }
0x20: {  	[sflag:s8] =	ssyncset.s32 @!p0 $0xFFFFF086;
	s6 =	sadd.s32 @!p0 s3, s7;
	s7 =	simm.s32 @!p0 $0x108  }
0x21: {  	s3 =	sadd.s32 s3, s9;
	s6 =	sadd.s32 @!p0 $0x88, s6;
	s7 =	simm.s32 @p2 $0x1082  }
0x22: {  	[simem:s7], [sflag:s8] =	dma.local @!p0 [hbm:s6], $0xF7A  }
0x23: {  	s9 =	sor.u32 $0xD0000000, s2;
	s6 =	simm.s32 $0x108;
	_ =	swait.ge @!p0 [sflag:s8], $0x0  }
0x24: {  	s3 =	sadd.s32 $0x88, s3;
	s6 =	simm.s32 @!p1 $0x1082;
	[sflag:s4] =	ssyncset.s32 $0xFFFFF086  }
0x25: {  	[simem:s6], [sflag:s4] =	dma.local [hbm:s3], $0xF7A  }
0x26: {  	[smem:$0x3F9D] =	sst s1;
	(tag) =	ssettag s2;
	_ =	strace s9  }
0x27: {  	s1 =	sld [smem:$0x3FAD]  }
0x28: {  	s2 =	sld [smem:$0x3FAE]  }
0x29: {  	s4 =	sld [smem:$0x3FB0]  }
0x2a: {  	p0 =	seq.s32 s5, $0x0;
	s5 =	sld [smem:$0x3FB1]  }
0x2b: {  	s6 =	sld [smem:$0x3FB2]  }
0x2c: {  	s7 =	sld [smem:$0x3FB3]  }
0x2d: {  	s3 =	simm.s32 $0x108;
	s8 =	sld [smem:$0x3FB4]  }
0x2e: {  	s3 =	simm.s32 @!p0 $0x1082;
	s9 =	sld [smem:$0x3FB5]  }
0x2f: {  	lr =	sadd.s32 s0, s3;
	s0 =	sld [smem:$0x3FAC]  }
0x30: {  	s3 =	sld [smem:$0x3FAF]  }
0x31: {  	[smem:$0x3FB8] =	sst s10  }
0x32: {  	s10 =	sld [smem:$0x3FB6];
	_ =	sdelay $0x3  }
0x33: {  	p0 =	seq.s32 s10, $0x1;
	s10 =	sld [smem:$0x3FB8];
	_ =	sdelay $0x3  }
0x34: {  	[smem:$0x3FB8] =	sst s10  }
0x35: {  	s10 =	sld [smem:$0x3FB7];
	_ =	sdelay $0x3  }
0x36: {  	p1 =	seq.s32 s10, $0x1;
	s10 =	sld [smem:$0x3FB8];
	_ =	sdelay $0x3  }
0x37: {  	[smem:$0x3FB8] =	sst s10  }
0x38: {  	s10 =	sld [smem:$0x3FB9]  }
0x39: {  	_ = 	snop;
	(pc) =	sbr.ind lr, $3  }
0x3a: {  	_ = 	snop  }
0x3b: {  	_ = 	snop  }
0x3c: {  	p2 =	seq.s32 s10, $0x1;
	s10 =	sld [smem:$0x3FB8]  }
0x3d: {  	_ =	shalt  }
0x3e: {  	_ =	shalt  }
0x3f: {  	_ =	shalt  }
0x40: {  	_ =	shalt  }
0x41: {  	_ =	shalt  }
0x42: {  	_ =	shalt  }
0x43: {  	_ =	shalt  }
0x44: {  	_ =	shalt  }
0x45: {  	_ =	shalt  }
0x46: {  	_ =	shalt  }
0x47: {  	_ =	shalt  }
0x48: {  	_ =	shalt  }
0x49: {  	_ =	shalt  }
0x4a: {  	_ =	shalt  }
0x4b: {  	_ =	shalt  }
0x4c: {  	_ =	shalt  }
0x4d: {  	_ =	shalt  }
0x4e: {  	_ =	shalt  }
0x4f: {  	_ =	shalt  }
0x50: {  	_ =	shalt  }
0x51: {  	_ =	shalt  }
0x52: {  	_ =	shalt  }
0x53: {  	_ =	shalt  }
0x54: {  	_ =	shalt  }
0x55: {  	_ =	shalt  }
0x56: {  	_ =	shalt  }
0x57: {  	_ =	shalt  }
0x58: {  	_ =	shalt  }
0x59: {  	_ =	shalt  }
0x5a: {  	_ =	shalt  }
0x5b: {  	_ =	shalt  }
0x5c: {  	_ =	shalt  }
0x5d: {  	_ =	shalt  }
0x5e: {  	_ =	shalt  }
0x5f: {  	_ =	shalt  }
0x60: {  	_ =	shalt  }
0x61: {  	_ =	shalt  }
0x62: {  	_ =	shalt  }
0x63: {  	_ =	shalt  }
0x64: {  	_ =	shalt  }
0x65: {  	_ =	shalt  }
0x66: {  	_ =	shalt  }
0x67: {  	_ =	shalt  }
0x68: {  	_ =	shalt  }
0x69: {  	_ =	shalt  }
0x6a: {  	_ =	shalt  }
0x6b: {  	_ =	shalt  }
0x6c: {  	_ =	shalt  }
0x6d: {  	_ =	shalt  }
0x6e: {  	_ =	shalt  }
0x6f: {  	_ =	shalt  }
0x70: {  	_ =	shalt  }
0x71: {  	_ =	shalt  }
0x72: {  	_ =	shalt  }
0x73: {  	_ =	shalt  }
0x74: {  	_ =	shalt  }
0x75: {  	_ =	shalt  }
0x76: {  	_ =	shalt  }
0x77: {  	_ =	shalt  }
0x78: {  	_ =	shalt  }
0x79: {  	_ =	shalt  }
0x7a: {  	_ =	shalt  }
0x7b: {  	_ =	shalt  }
0x7c: {  	_ =	shalt  }
0x7d: {  	_ =	shalt  }
0x7e: {  	_ =	shalt  }
0x7f: {  	_ =	shalt  }
0x80: {  	_ =	shalt  }
0x81: {  	_ =	shalt  }
0x82: {  	_ =	shalt  }
0x83: {  	_ =	shalt  }
0x84: {  	_ =	shalt  }
0x85: {  	_ =	shalt  }
0x86: {  	_ =	shalt  }
0x87: {  	_ =	shalt  }
.Lfunc_end0:
.L_simem_size_0:
called_computation_lowered:
.L_overlay_start_0:
0x88: {  	s2 =	sld [smem:$0x3FD9]  }
0x89: {  	s3 =	sld [smem:$0x3FFE];
	_ =	sdelay $0x1  }
0x8a: {  	s1 =	srdreg.scid  }
0x8b: {  	s0 =	sand.u32 $0x1, s1  }
0x8c: {  	s17 =	sshll.u32 s0, $0xA;
	s2 =	sadd.s32 s3, s2  }
0x8d: {  	s2 =	sadd.s32 s2, s17  }
0x8e: {  	[smem:$0x3FC4] =	sst s2  }
0x8f: {  	_ = 	snop  }
0x90: {  	s2 =	sld [smem:$0x3FC9];
	(tm) =	ssettm $0x1  }
0x91: {  	s18 =	sld [smem:$0x3FFB];
	_ =	sdelay $0x3  }
0x92: {  	_ =	strace s18  }
0x93: {  	s3 =	sld [smem:$0x3FFC];
	_ =	sdelay $0x3  }
0x94: {  	_ =	strace s3  }
0x95: {  	s3 =	sld [smem:$0x3FFD];
	_ =	sdelay $0x3  }
0x96: {  	_ =	strace s3  }
0x97: {  	_ =	strace $0x8FFFFFFF  }
0x98: {  	s19 =	sld [smem:$0x3FDB];
	_ =	sdelay $0x1  }
0x99: {  	s4 =	simm.s32 $_scs_section_size  }
0x9a: {  	s5 =	simm.s32 $_size__tile_overlayer_lowered;
	s6 =	simm.s32 $_tile_overlayer_lowered  }
0x9b: {  	s22 =	simm.s32 $0x1BFF;
	s21 =	sshll.u32 s6, $0x1;
	s3 =	sadd.s32 s4, s19  }
0x9c: {  	s7 =	simm.s32 $0x0;
	s20 =	sshll.u32 s5, $0x1;
	s5 =	sadd.s32 s21, s3  }
0x9d: {  	[timem:s7], [sflag:s22] =	dma.local [hbm:s5], s20  }
0x9e: {  	_ =	swait.ge [sflag:s22], s20  }
0x9f: {  	s4 =	ssub.s32 $0x0, s20;
	[sflag:s22] =	ssyncset.done $0x0  }
0xa0: {  	[sflag:s22] =	ssyncadd.s32 s4;
	_ =	sdelay $0x1  }
0xa1: {  	s23 =	simm.s32 $0x1B8B  }
0xa2: {  	_ =	swait.ge [sflag:s23], $0x1  }
0xa3: {  	[sflag:s23] =	ssyncset.done $0x0  }
0xa4: {  	s25 =	simm.s32 $0x1B8E;
	s24 =	sld [smem:$0x3FFE];
	[sflag:s23] =	ssyncadd.s32 $0xFFFFFFFF  }
0xa5: {  	s26 =	simm.s32 $execute0_lowered;
	[smem:$0x3FD2] =	sst s25  }
0xa6: {  	s5 =	sshll.u32 s26, $0x1;
	_ =	strace $0x80000046;
	[dreg:$0x1] =	wrdreg $0xFFFFFFFF  }
0xa7: {  	s28 =	simm.s32 $_size_execute0_lowered;
	s3 =	sadd.s32 s3, s5;
	[dreg:$0x0] =	wrdreg $0x0  }
0xa8: {  	s5 =	sshll.u32 s28, $0x1;
	[dreg:$0x2] =	wrdreg s3  }
0xa9: {  	[dreg:$0x3] =	wrdreg s5  }
0xaa: {  	[dreg:$0x4] =	wrdreg $0xC0  }
0xab: {  	_ =	task [dreg:s7], $0x5FFFF  }
0xac: {  	[dreg:$0x1] =	wrdreg $0xFFFFFFFF  }
0xad: {  	[dreg:$0x0] =	wrdreg $0x60  }
0xae: {  	[dreg:$0x2] =	wrdreg s2  }
0xaf: {  	[dreg:$0x3] =	wrdreg s24  }
0xb0: {  	[dreg:$0x4] =	wrdreg $0x9  }
0xb1: {  	_ =	task.clear_ibuf [dreg:s7], $0x5FFFF;
	_ =	strace $0x90000046  }
0xb2: {  	s29 =	simm.s32 $0x9;
	_ =	strace $0x80000048  }
0xb3: {  	_ =	swait.ge [sflag:s29], $0x1  }
0xb4: {  	[sflag:s29] =	ssyncadd.s32 $0xFFFFFFFF  }
0xb5: {  	_ =	strace $0x90000048  }
0xb6: {  	_ =	sfence  }
0xb7: {  	s30 =	sld [smem:$0x0];
	_ =	sdelay $0x2  }
0xb8: {  	s31 =	sshll.u32 s1, $0xD;
	s1 =	sshrl.u32 s1, $0x2  }
0xb9: {  	s3 =	sand.u32 $0x4000, s31;
	s1 =	sadd.s32 s1, s30  }
0xba: {  	s0 =	sor.u32 s3, s0;
	s1 =	sshll.u32 s1, $0x11  }
0xbb: {  	s0 =	sor.u32 s1, s0  }
0xbc: {  	s0 =	sadd.s32 $0x8F2B, s0  }
0xbd: {  	[sflag:s0] =	ssyncadd.remote.s32 $0x1  }
0xbe: {  	_ =	sfence.sel $0xFFFF  }
0xbf: {  	[dreg:$0x0] =	wrdreg $0xFFFFFFFF;
	(pc) =	sbr.abs _section_cstart, $3  }
0xc0: {  	[dreg:$0x1] =	wrdreg $0xFFFFFFFF  }
0xc1: {  	_ =	task.clear_ibuf [dreg:s7], $0x2FFFF;
	_ =	strace $0x9FFFFFFF  }
0xc2: {  	(tm) =	ssettm $0x7FFFFFFF  }
0xc3: {  	_ =	shalt  }
tec
execute0_lowered:
.L_overlay_start_1:
0x0: {  	(tag) =	ssettag $0x1  }
0x1: {  	s0 =	rddreg [dreg:$0x0];
	s1 =	srdreg.scid  }
0x2: {  	s2 =	stileid.u32;
	s3 =	rddreg [dreg:$0x1]  }
0x3: {  	s12 =	simm.s32 $0x8200;
	s29 =	simm.s32 $0x1;
	s28 =	simm.s32 $0x1200  }
0x4: {  	s31 =	simm.s32 $0x1A00;
	s30 =	simm.s32 $0x3;
	s22 =	simm.s32 $0x8A00  }
0x5: {  	s9 =	simm.s32 $0x9A00;
	s10 =	simm.s32 $0xA200;
	s13 =	simm.s32 $0xBA00  }
0x6: {  	s14 =	simm.s32 $0xC200;
	s15 =	simm.s32 $0xCA00;
	s16 =	simm.s32 $0xD200  }
0x7: {  	s17 =	simm.s32 $0xDA00;
	s18 =	simm.s32 $0xE200;
	s19 =	simm.s32 $0xEA00  }
0x8: {  	s20 =	simm.s32 $0xF200;
	s21 =	simm.s32 $0xFA00;
	s1 =	sand.u32 $0x1, s1  }
0x9: {  	s4 =	sshll.u32 s2, $0x1;
	s2 =	simm.s32 $0x0;
	s6 =	sadd.s32 $0x1C00, s3  }
0xa: {  	s7 =	sadd.s32 $0x1D00, s3;
	s4 =	sor.u32 s1, s4;
	[smem:$0x7FF] =	sst s2  }
0xb: {  	s1 =	ssub.s32 $0x2, s1;
	s5 =	sshll.u32 s4, $0x6;
	_ =	strace $0x80000047  }
0xc: {  	s4 =	sshll.u32 s4, $0xE;
	s23 =	sshrl.u32 s1, $0x1;
	s5 =	sadd.s32 s5, s3  }
0xd: {  	s8 =	sadd.s32 s0, s4;
	s4 =	sadd.s32 $0x1A00, s3;
	s0 =	ssub.s32 s1, s23  }
0xe: {  	s23 =	simm.s32 $0x9200;
	s5 =	sadd.s32 $0x1200, s5;
	[dreg:$0x7] =	wrdreg s8  }
0xf: {  	s1 =	simm.s32 $0xAA00;
	s24 =	sadd.s32 $0x1000, s8;
	[dreg:$0x3] =	wrdreg s5  }
0x10: {  	v2 =	vlaneseq.u32;
	s25 =	sadd.s32 $0x2000, s8;
	s26 =	sadd.s32 $0x3000, s8;
	[dreg:$0x4] =	wrdreg s24  }
0x11: {  	vm0 =	vmmov $0xffff;
	v1 =	vshrl.u32 v2, $0x3;
	s8 =	smax.u32 s0, $0x1;
	s5 =	sadd.s32 $0x1B00, s3;
	[dreg:$0x5] =	wrdreg s25  }
0x12: {  	v0 =	vand.u32 $0x7, v2;
	v2 =	vor.u32 $0x8, v2;
	v1 =	vmul.u32 $0x8, v1;
	[dreg:$0x6] =	wrdreg s26;
	s24 =	simm.s32 $0x4;
	s3 =	simm.s32 $0xB200  }
.LBB2_1:
0x13: {  	s25 =	rddreg [dreg:$0x3];
	s0 =	simm.s32 $0x5  }
0x14: {  	[tilespmem:s2], [sflag:$0x5] =	stream.linear.gather [hbm4b:s25+s2], $0x200, $0x38;
	[tilespmem:$0x10200] =	vst v63  }
0x15: {  	_ =	swait.ge [sflag:s0], $0x200  }
0x16: {  	[sflag:s0] =	ssyncset.done $0x0  }
0x17: {  	s11 =	simm.s32 $0x200;
	s26 =	rddreg [dreg:$0x7];
	[sflag:s0] =	ssyncadd.s32 $0xFFFFFE00  }
0x18: {  	[tilespmem:s11], [sflag:$0x1] =	stream.linear.gather [hbm4b:s26+s2], $0x8000, $0x38;
	[tilespmem:$0x10200] =	vst v63  }
0x19: {  	s0 =	rddreg [dreg:$0x4]  }
0x1a: {  	[tilespmem:s12], [sflag:$0x2] =	stream.linear.gather [hbm4b:s0+s2], $0x8000, $0x38;
	[tilespmem:$0x10200] =	vst v63  }
0x1b: {  	_ =	swait.ge [sflag:s29], $0x8000  }
0x1c: {  	[sflag:s29] =	ssyncset.done $0x0  }
0x1d: {  	[sflag:s29] =	ssyncadd.s32 $0xFFFF8000  }
0x1e: {  	v3 =	vld [tilespmem:$0x0];
	_ =	sdelay $0x4  }
0x1f: {  	v4 =	vshll.u32 v3, $0x3  }
0x20: {  	v3 =	vand.u32 $0x7, v3;
	v4 =	vand.u32 $0xFFFFFFC0, v4  }
0x21: {  	v3 =	vor.u32 v3, v4  }
0x22: {  	v4 =	vperm.xlane v3, v0;
	_ =	sdelay $0x1  }
0x23: {  	v4 =	vadd.s32 v1, v4;
	_ =	sdelay $0x4  }
0x24: {  	[hbm4b:s4+s2] =	stream.indirect_vreg.scatter [tilespmem:s11], [sflag:$0x3], $0x80, v4, vm0, $0xb8;
	[tilespmem:$0x10200] =	vst v63  }
0x25: {  	s26 =	simm.s32 $0xA00;
	v3 =	vperm.xlane v3, v2  }
0x26: {  	[hbm4b:s5+s2] =	stream.indirect_vreg.scatter [tilespmem:s26], [sflag:$0x3], $0x80, v4, vm0, $0xb8;
	[tilespmem:$0x10200] =	vst v63  }
0x27: {  	v3 =	vadd.s32 v1, v3  }
0x28: {  	[hbm4b:s6+s2] =	stream.indirect_vreg.scatter [tilespmem:s28], [sflag:$0x3], $0x80, v4, vm0, $0xb8;
	[tilespmem:$0x10200] =	vst v63  }
0x29: {  	_ = 	snop  }
0x2a: {  	[hbm4b:s7+s2] =	stream.indirect_vreg.scatter [tilespmem:s31], [sflag:$0x3], $0x80, v4, vm0, $0xb8;
	[tilespmem:$0x10200] =	vst v63  }
0x2b: {  	s25 =	simm.s32 $0x2200  }
0x2c: {  	[hbm4b:s4+s2] =	stream.indirect_vreg.scatter [tilespmem:s25], [sflag:$0x3], $0x80, v3, vm0, $0xb8;
	[tilespmem:$0x10200] =	vst v63  }
0x2d: {  	s25 =	simm.s32 $0x2A00  }
0x2e: {  	[hbm4b:s5+s2] =	stream.indirect_vreg.scatter [tilespmem:s25], [sflag:$0x3], $0x80, v3, vm0, $0xb8;
	[tilespmem:$0x10200] =	vst v63  }
0x2f: {  	s25 =	simm.s32 $0x3200  }
0x30: {  	[hbm4b:s6+s2] =	stream.indirect_vreg.scatter [tilespmem:s25], [sflag:$0x3], $0x80, v3, vm0, $0xb8;
	[tilespmem:$0x10200] =	vst v63  }
0x31: {  	s25 =	simm.s32 $0x3A00  }
0x32: {  	[hbm4b:s7+s2] =	stream.indirect_vreg.scatter [tilespmem:s25], [sflag:$0x3], $0x80, v3, vm0, $0xb8;
	[tilespmem:$0x10200] =	vst v63  }
0x33: {  	v3 =	vld [tilespmem:$0x10];
	_ =	sdelay $0x4  }
0x34: {  	v57 =	vshll.u32 v3, $0x3  }
0x35: {  	v3 =	vand.u32 $0x7, v3;
	v4 =	vand.u32 $0xFFFFFFC0, v57  }
0x36: {  	v3 =	vor.u32 v3, v4  }
0x37: {  	v4 =	vperm.xlane v3, v0;
	_ =	sdelay $0x1  }
0x38: {  	v4 =	vadd.s32 v1, v4;
	_ =	sdelay $0x3  }
0x39: {  	s25 =	simm.s32 $0x4200  }
0x3a: {  	[hbm4b:s4+s2] =	stream.indirect_vreg.scatter [tilespmem:s25], [sflag:$0x3], $0x80, v4, vm0, $0xb8;
	[tilespmem:$0x10200] =	vst v63  }
0x3b: {  	v3 =	vperm.xlane v3, v2;
	s25 =	simm.s32 $0x4A00  }
0x3c: {  	[hbm4b:s5+s2] =	stream.indirect_vreg.scatter [tilespmem:s25], [sflag:$0x3], $0x80, v4, vm0, $0xb8;
	[tilespmem:$0x10200] =	vst v63  }
0x3d: {  	v3 =	vadd.s32 v1, v3;
	s25 =	simm.s32 $0x5200  }
0x3e: {  	[hbm4b:s6+s2] =	stream.indirect_vreg.scatter [tilespmem:s25], [sflag:$0x3], $0x80, v4, vm0, $0xb8;
	[tilespmem:$0x10200] =	vst v63  }
0x3f: {  	s25 =	simm.s32 $0x5A00  }
0x40: {  	[hbm4b:s7+s2] =	stream.indirect_vreg.scatter [tilespmem:s25], [sflag:$0x3], $0x80, v4, vm0, $0xb8;
	[tilespmem:$0x10200] =	vst v63  }
0x41: {  	s25 =	simm.s32 $0x6200  }
0x42: {  	[hbm4b:s4+s2] =	stream.indirect_vreg.scatter [tilespmem:s25], [sflag:$0x3], $0x80, v3, vm0, $0xb8;
	[tilespmem:$0x10200] =	vst v63  }
0x43: {  	s25 =	simm.s32 $0x6A00  }
0x44: {  	[hbm4b:s5+s2] =	stream.indirect_vreg.scatter [tilespmem:s25], [sflag:$0x3], $0x80, v3, vm0, $0xb8;
	[tilespmem:$0x10200] =	vst v63  }
0x45: {  	s25 =	simm.s32 $0x7200  }
0x46: {  	[hbm4b:s6+s2] =	stream.indirect_vreg.scatter [tilespmem:s25], [sflag:$0x3], $0x80, v3, vm0, $0xb8;
	[tilespmem:$0x10200] =	vst v63  }
0x47: {  	s25 =	simm.s32 $0x7A00  }
0x48: {  	[hbm4b:s7+s2] =	stream.indirect_vreg.scatter [tilespmem:s25], [sflag:$0x3], $0x80, v3, vm0, $0xb8;
	[tilespmem:$0x10200] =	vst v63  }
0x49: {  	_ =	swait.ge [sflag:s30], $0x8000  }
0x4a: {  	[sflag:s30] =	ssyncset.done $0x0  }
0x4b: {  	s0 =	rddreg [dreg:$0x5];
	[sflag:s30] =	ssyncadd.s32 $0xFFFF8000  }
0x4c: {  	[tilespmem:s11], [sflag:$0x1] =	stream.linear.gather [hbm4b:s0+s2], $0x8000, $0x38;
	[tilespmem:$0x10200] =	vst v63  }
0x4d: {  	s0 =	simm.s32 $0x2  }
0x4e: {  	_ =	swait.ge [sflag:s0], $0x8000  }
0x4f: {  	[sflag:s0] =	ssyncset.done $0x0  }
0x50: {  	[sflag:s0] =	ssyncadd.s32 $0xFFFF8000  }
0x51: {  	v3 =	vld [tilespmem:$0x80];
	_ =	sdelay $0x4  }
0x52: {  	v58 =	vshll.u32 v3, $0x3  }
0x53: {  	v3 =	vand.u32 $0x7, v3;
	v4 =	vand.u32 $0xFFFFFFC0, v58  }
0x54: {  	v3 =	vor.u32 v3, v4  }
0x55: {  	v4 =	vperm.xlane v3, v0;
	_ =	sdelay $0x1  }
0x56: {  	v4 =	vadd.s32 v1, v4;
	_ =	sdelay $0x4  }
0x57: {  	[hbm4b:s4+s2] =	stream.indirect_vreg.scatter [tilespmem:s12], [sflag:$0x4], $0x80, v4, vm0, $0xb8;
	[tilespmem:$0x10200] =	vst v63  }
0x58: {  	v3 =	vperm.xlane v3, v2  }
0x59: {  	[hbm4b:s5+s2] =	stream.indirect_vreg.scatter [tilespmem:s22], [sflag:$0x4], $0x80, v4, vm0, $0xb8;
	[tilespmem:$0x10200] =	vst v63  }
0x5a: {  	v3 =	vadd.s32 v1, v3  }
0x5b: {  	[hbm4b:s6+s2] =	stream.indirect_vreg.scatter [tilespmem:s23], [sflag:$0x4], $0x80, v4, vm0, $0xb8;
	[tilespmem:$0x10200] =	vst v63  }
0x5c: {  	_ = 	snop  }
0x5d: {  	[hbm4b:s7+s2] =	stream.indirect_vreg.scatter [tilespmem:s9], [sflag:$0x4], $0x80, v4, vm0, $0xb8;
	[tilespmem:$0x10200] =	vst v63  }
0x5e: {  	_ = 	snop  }
0x5f: {  	[hbm4b:s4+s2] =	stream.indirect_vreg.scatter [tilespmem:s10], [sflag:$0x4], $0x80, v3, vm0, $0xb8;
	[tilespmem:$0x10200] =	vst v63  }
0x60: {  	_ = 	snop  }
0x61: {  	[hbm4b:s5+s2] =	stream.indirect_vreg.scatter [tilespmem:s1], [sflag:$0x4], $0x80, v3, vm0, $0xb8;
	[tilespmem:$0x10200] =	vst v63  }
0x62: {  	_ = 	snop  }
0x63: {  	[hbm4b:s6+s2] =	stream.indirect_vreg.scatter [tilespmem:s3], [sflag:$0x4], $0x80, v3, vm0, $0xb8;
	[tilespmem:$0x10200] =	vst v63  }
0x64: {  	_ = 	snop  }
0x65: {  	[hbm4b:s7+s2] =	stream.indirect_vreg.scatter [tilespmem:s13], [sflag:$0x4], $0x80, v3, vm0, $0xb8;
	[tilespmem:$0x10200] =	vst v63  }
0x66: {  	v3 =	vld [tilespmem:$0x90];
	_ =	sdelay $0x4  }
0x67: {  	v59 =	vshll.u32 v3, $0x3  }
0x68: {  	v3 =	vand.u32 $0x7, v3;
	v4 =	vand.u32 $0xFFFFFFC0, v59  }
0x69: {  	v3 =	vor.u32 v3, v4  }
0x6a: {  	v4 =	vperm.xlane v3, v0;
	_ =	sdelay $0x1  }
0x6b: {  	v4 =	vadd.s32 v1, v4;
	_ =	sdelay $0x4  }
0x6c: {  	[hbm4b:s4+s2] =	stream.indirect_vreg.scatter [tilespmem:s14], [sflag:$0x4], $0x80, v4, vm0, $0xb8;
	[tilespmem:$0x10200] =	vst v63  }
0x6d: {  	v3 =	vperm.xlane v3, v2  }
0x6e: {  	[hbm4b:s5+s2] =	stream.indirect_vreg.scatter [tilespmem:s15], [sflag:$0x4], $0x80, v4, vm0, $0xb8;
	[tilespmem:$0x10200] =	vst v63  }
0x6f: {  	v3 =	vadd.s32 v1, v3  }
0x70: {  	[hbm4b:s6+s2] =	stream.indirect_vreg.scatter [tilespmem:s16], [sflag:$0x4], $0x80, v4, vm0, $0xb8;
	[tilespmem:$0x10200] =	vst v63  }
0x71: {  	_ = 	snop  }
0x72: {  	[hbm4b:s7+s2] =	stream.indirect_vreg.scatter [tilespmem:s17], [sflag:$0x4], $0x80, v4, vm0, $0xb8;
	[tilespmem:$0x10200] =	vst v63  }
0x73: {  	_ = 	snop  }
0x74: {  	[hbm4b:s4+s2] =	stream.indirect_vreg.scatter [tilespmem:s18], [sflag:$0x4], $0x80, v3, vm0, $0xb8;
	[tilespmem:$0x10200] =	vst v63  }
0x75: {  	_ = 	snop  }
0x76: {  	[hbm4b:s5+s2] =	stream.indirect_vreg.scatter [tilespmem:s19], [sflag:$0x4], $0x80, v3, vm0, $0xb8;
	[tilespmem:$0x10200] =	vst v63  }
0x77: {  	_ = 	snop  }
0x78: {  	[hbm4b:s6+s2] =	stream.indirect_vreg.scatter [tilespmem:s20], [sflag:$0x4], $0x80, v3, vm0, $0xb8;
	[tilespmem:$0x10200] =	vst v63  }
0x79: {  	_ = 	snop  }
0x7a: {  	[hbm4b:s7+s2] =	stream.indirect_vreg.scatter [tilespmem:s21], [sflag:$0x4], $0x80, v3, vm0, $0xb8;
	[tilespmem:$0x10200] =	vst v63  }
0x7b: {  	_ =	swait.ge [sflag:s24], $0x8000  }
0x7c: {  	[sflag:s24] =	ssyncset.done $0x0  }
0x7d: {  	s25 =	rddreg [dreg:$0x6];
	[sflag:s24] =	ssyncadd.s32 $0xFFFF8000  }
0x7e: {  	[tilespmem:s12], [sflag:$0x2] =	stream.linear.gather [hbm4b:s25+s2], $0x8000, $0x38;
	[tilespmem:$0x10200] =	vst v63  }
0x7f: {  	_ =	swait.ge [sflag:s29], $0x8000  }
0x80: {  	[sflag:s29] =	ssyncset.done $0x0  }
0x81: {  	[sflag:s29] =	ssyncadd.s32 $0xFFFF8000  }
0x82: {  	v3 =	vld [tilespmem:$0x100];
	_ =	sdelay $0x4  }
0x83: {  	v60 =	vshll.u32 v3, $0x3  }
0x84: {  	v3 =	vand.u32 $0x7, v3;
	v4 =	vand.u32 $0xFFFFFFC0, v60  }
0x85: {  	v3 =	vor.u32 v3, v4  }
0x86: {  	v4 =	vperm.xlane v3, v0;
	_ =	sdelay $0x1  }
0x87: {  	v4 =	vadd.s32 v1, v4;
	_ =	sdelay $0x4  }
0x88: {  	[hbm4b:s4+s2] =	stream.indirect_vreg.scatter [tilespmem:s11], [sflag:$0x3], $0x80, v4, vm0, $0xb8;
	[tilespmem:$0x10200] =	vst v63  }
0x89: {  	v3 =	vperm.xlane v3, v2  }
0x8a: {  	[hbm4b:s5+s2] =	stream.indirect_vreg.scatter [tilespmem:s26], [sflag:$0x3], $0x80, v4, vm0, $0xb8;
	[tilespmem:$0x10200] =	vst v63  }
0x8b: {  	v3 =	vadd.s32 v1, v3  }
0x8c: {  	[hbm4b:s6+s2] =	stream.indirect_vreg.scatter [tilespmem:s28], [sflag:$0x3], $0x80, v4, vm0, $0xb8;
	[tilespmem:$0x10200] =	vst v63  }
0x8d: {  	_ = 	snop  }
0x8e: {  	[hbm4b:s7+s2] =	stream.indirect_vreg.scatter [tilespmem:s31], [sflag:$0x3], $0x80, v4, vm0, $0xb8;
	[tilespmem:$0x10200] =	vst v63  }
0x8f: {  	s25 =	simm.s32 $0x2200  }
0x90: {  	[hbm4b:s4+s2] =	stream.indirect_vreg.scatter [tilespmem:s25], [sflag:$0x3], $0x80, v3, vm0, $0xb8;
	[tilespmem:$0x10200] =	vst v63  }
0x91: {  	s26 =	simm.s32 $0x2A00  }
0x92: {  	[hbm4b:s5+s2] =	stream.indirect_vreg.scatter [tilespmem:s26], [sflag:$0x3], $0x80, v3, vm0, $0xb8;
	[tilespmem:$0x10200] =	vst v63  }
0x93: {  	s25 =	simm.s32 $0x3200  }
0x94: {  	[hbm4b:s6+s2] =	stream.indirect_vreg.scatter [tilespmem:s25], [sflag:$0x3], $0x80, v3, vm0, $0xb8;
	[tilespmem:$0x10200] =	vst v63  }
0x95: {  	s26 =	simm.s32 $0x3A00  }
0x96: {  	[hbm4b:s7+s2] =	stream.indirect_vreg.scatter [tilespmem:s26], [sflag:$0x3], $0x80, v3, vm0, $0xb8;
	[tilespmem:$0x10200] =	vst v63  }
0x97: {  	v3 =	vld [tilespmem:$0x110];
	_ =	sdelay $0x4  }
0x98: {  	v61 =	vshll.u32 v3, $0x3  }
0x99: {  	v3 =	vand.u32 $0x7, v3;
	v4 =	vand.u32 $0xFFFFFFC0, v61  }
0x9a: {  	v3 =	vor.u32 v3, v4  }
0x9b: {  	v4 =	vperm.xlane v3, v0;
	_ =	sdelay $0x1  }
0x9c: {  	v4 =	vadd.s32 v1, v4;
	_ =	sdelay $0x3  }
0x9d: {  	s25 =	simm.s32 $0x4200  }
0x9e: {  	[hbm4b:s4+s2] =	stream.indirect_vreg.scatter [tilespmem:s25], [sflag:$0x3], $0x80, v4, vm0, $0xb8;
	[tilespmem:$0x10200] =	vst v63  }
0x9f: {  	s26 =	simm.s32 $0x4A00;
	v3 =	vperm.xlane v3, v2  }
0xa0: {  	[hbm4b:s5+s2] =	stream.indirect_vreg.scatter [tilespmem:s26], [sflag:$0x3], $0x80, v4, vm0, $0xb8;
	[tilespmem:$0x10200] =	vst v63  }
0xa1: {  	v3 =	vadd.s32 v1, v3;
	s25 =	simm.s32 $0x5200  }
0xa2: {  	[hbm4b:s6+s2] =	stream.indirect_vreg.scatter [tilespmem:s25], [sflag:$0x3], $0x80, v4, vm0, $0xb8;
	[tilespmem:$0x10200] =	vst v63  }
0xa3: {  	s26 =	simm.s32 $0x5A00  }
0xa4: {  	[hbm4b:s7+s2] =	stream.indirect_vreg.scatter [tilespmem:s26], [sflag:$0x3], $0x80, v4, vm0, $0xb8;
	[tilespmem:$0x10200] =	vst v63  }
0xa5: {  	s25 =	simm.s32 $0x6200  }
0xa6: {  	[hbm4b:s4+s2] =	stream.indirect_vreg.scatter [tilespmem:s25], [sflag:$0x3], $0x80, v3, vm0, $0xb8;
	[tilespmem:$0x10200] =	vst v63  }
0xa7: {  	s26 =	simm.s32 $0x6A00  }
0xa8: {  	[hbm4b:s5+s2] =	stream.indirect_vreg.scatter [tilespmem:s26], [sflag:$0x3], $0x80, v3, vm0, $0xb8;
	[tilespmem:$0x10200] =	vst v63  }
0xa9: {  	s25 =	simm.s32 $0x7200  }
0xaa: {  	[hbm4b:s6+s2] =	stream.indirect_vreg.scatter [tilespmem:s25], [sflag:$0x3], $0x80, v3, vm0, $0xb8;
	[tilespmem:$0x10200] =	vst v63  }
0xab: {  	s26 =	simm.s32 $0x7A00  }
0xac: {  	[hbm4b:s7+s2] =	stream.indirect_vreg.scatter [tilespmem:s26], [sflag:$0x3], $0x80, v3, vm0, $0xb8;
	[tilespmem:$0x10200] =	vst v63  }
0xad: {  	_ =	swait.ge [sflag:s0], $0x8000  }
0xae: {  	[sflag:s0] =	ssyncset.done $0x0  }
0xaf: {  	[sflag:s0] =	ssyncadd.s32 $0xFFFF8000  }
0xb0: {  	v3 =	vld [tilespmem:$0x180];
	_ =	sdelay $0x4  }
0xb1: {  	v62 =	vshll.u32 v3, $0x3  }
0xb2: {  	v3 =	vand.u32 $0x7, v3;
	v4 =	vand.u32 $0xFFFFFFC0, v62  }
0xb3: {  	v3 =	vor.u32 v3, v4  }
0xb4: {  	v4 =	vperm.xlane v3, v0;
	_ =	sdelay $0x1  }
0xb5: {  	v4 =	vadd.s32 v1, v4;
	_ =	sdelay $0x4  }
0xb6: {  	[hbm4b:s4+s2] =	stream.indirect_vreg.scatter [tilespmem:s12], [sflag:$0x4], $0x80, v4, vm0, $0xb8;
	[tilespmem:$0x10200] =	vst v63  }
0xb7: {  	v3 =	vperm.xlane v3, v2  }
0xb8: {  	[hbm4b:s5+s2] =	stream.indirect_vreg.scatter [tilespmem:s22], [sflag:$0x4], $0x80, v4, vm0, $0xb8;
	[tilespmem:$0x10200] =	vst v63  }
0xb9: {  	v3 =	vadd.s32 v1, v3  }
0xba: {  	[hbm4b:s6+s2] =	stream.indirect_vreg.scatter [tilespmem:s23], [sflag:$0x4], $0x80, v4, vm0, $0xb8;
	[tilespmem:$0x10200] =	vst v63  }
0xbb: {  	_ = 	snop  }
0xbc: {  	[hbm4b:s7+s2] =	stream.indirect_vreg.scatter [tilespmem:s9], [sflag:$0x4], $0x80, v4, vm0, $0xb8;
	[tilespmem:$0x10200] =	vst v63  }
0xbd: {  	_ = 	snop  }
0xbe: {  	[hbm4b:s4+s2] =	stream.indirect_vreg.scatter [tilespmem:s10], [sflag:$0x4], $0x80, v3, vm0, $0xb8;
	[tilespmem:$0x10200] =	vst v63  }
0xbf: {  	_ = 	snop  }
0xc0: {  	[hbm4b:s5+s2] =	stream.indirect_vreg.scatter [tilespmem:s1], [sflag:$0x4], $0x80, v3, vm0, $0xb8;
	[tilespmem:$0x10200] =	vst v63  }
0xc1: {  	_ = 	snop  }
0xc2: {  	[hbm4b:s6+s2] =	stream.indirect_vreg.scatter [tilespmem:s3], [sflag:$0x4], $0x80, v3, vm0, $0xb8;
	[tilespmem:$0x10200] =	vst v63  }
0xc3: {  	_ = 	snop  }
0xc4: {  	[hbm4b:s7+s2] =	stream.indirect_vreg.scatter [tilespmem:s13], [sflag:$0x4], $0x80, v3, vm0, $0xb8;
	[tilespmem:$0x10200] =	vst v63  }
0xc5: {  	v3 =	vld [tilespmem:$0x190];
	_ =	sdelay $0x4  }
0xc6: {  	v63 =	vshll.u32 v3, $0x3  }
0xc7: {  	v3 =	vand.u32 $0x7, v3;
	v4 =	vand.u32 $0xFFFFFFC0, v63  }
0xc8: {  	v3 =	vor.u32 v3, v4  }
0xc9: {  	v4 =	vperm.xlane v3, v0;
	_ =	sdelay $0x1  }
0xca: {  	v4 =	vadd.s32 v1, v4;
	_ =	sdelay $0x4  }
0xcb: {  	[hbm4b:s4+s2] =	stream.indirect_vreg.scatter [tilespmem:s14], [sflag:$0x4], $0x80, v4, vm0, $0xb8;
	[tilespmem:$0x10200] =	vst v63  }
0xcc: {  	v3 =	vperm.xlane v3, v2  }
0xcd: {  	[hbm4b:s5+s2] =	stream.indirect_vreg.scatter [tilespmem:s15], [sflag:$0x4], $0x80, v4, vm0, $0xb8;
	[tilespmem:$0x10200] =	vst v63  }
0xce: {  	v3 =	vadd.s32 v1, v3  }
0xcf: {  	[hbm4b:s6+s2] =	stream.indirect_vreg.scatter [tilespmem:s16], [sflag:$0x4], $0x80, v4, vm0, $0xb8;
	[tilespmem:$0x10200] =	vst v63  }
0xd0: {  	_ = 	snop  }
0xd1: {  	[hbm4b:s7+s2] =	stream.indirect_vreg.scatter [tilespmem:s17], [sflag:$0x4], $0x80, v4, vm0, $0xb8;
	[tilespmem:$0x10200] =	vst v63  }
0xd2: {  	_ = 	snop  }
0xd3: {  	[hbm4b:s4+s2] =	stream.indirect_vreg.scatter [tilespmem:s18], [sflag:$0x4], $0x80, v3, vm0, $0xb8;
	[tilespmem:$0x10200] =	vst v63  }
0xd4: {  	_ = 	snop  }
0xd5: {  	[hbm4b:s5+s2] =	stream.indirect_vreg.scatter [tilespmem:s19], [sflag:$0x4], $0x80, v3, vm0, $0xb8;
	[tilespmem:$0x10200] =	vst v63  }
0xd6: {  	_ = 	snop  }
0xd7: {  	[hbm4b:s6+s2] =	stream.indirect_vreg.scatter [tilespmem:s20], [sflag:$0x4], $0x80, v3, vm0, $0xb8;
	[tilespmem:$0x10200] =	vst v63  }
0xd8: {  	_ = 	snop  }
0xd9: {  	[hbm4b:s7+s2] =	stream.indirect_vreg.scatter [tilespmem:s21], [sflag:$0x4], $0x80, v3, vm0, $0xb8;
	[tilespmem:$0x10200] =	vst v63  }
0xda: {  	p0 =	sne.s32 s8, $0x1;
	_ =	swait.ge [sflag:s30], $0x8000  }
.Ltmp0:
0xdb: {  	[sflag:s30] =	ssyncset.done $0x0;
	(pc) =	sbr.rel @p0 .LBB2_1-.Ltmp0, $4  }
0xdc: {  	[sflag:s30] =	ssyncadd.s32 $0xFFFF8000  }
0xdd: {  	_ =	swait.ge [sflag:s24], $0x8000  }
0xde: {  	[sflag:s24] =	ssyncset.done $0x0  }
0xdf: {  	s8 =	sadd.s32 $0xFFFFFFFF, s8;
	[sflag:s24] =	ssyncadd.s32 $0xFFFF8000  }
0xe0: {  	_ =	sfence.sel $0x180000  }
0xe1: {  	[bflag:$0x0] =	sbarrier.arrive $0xFFFF  }
0xe2: {  	_ =	strace $0x90000047  }
0xe3: {  	s0 =	stileid.u32;
	[bflag:$0x2] =	sbarrier.arrive $0xFFFF  }
0xe4: {  	p0 =	sne.s32 s0, $0x0;
	s0 =	rddreg [dreg:$0x2]  }
0xe5: {  	s0 =	sadd.s32 @!p0 $0x100000, s0  }
0xe6: {  	[sflag:s0] =	ssyncadd.tile.s32 @!p0 $0x1;
	_ =	shalt  }
.Lfunc_end2:
_tile_overlayer_lowered:
.L_overlay_start_2:
0xe7: {  	(tag) =	ssettag $0x2  }
0xe8: {  	s0 =	rddreg [dreg:$0x0];
	s2 =	stileid.u32  }
0xe9: {  	s1 =	rddreg [dreg:$0x1];
	p0 =	sne.s32 s2, $0x0  }
0xea: {  	s3 =	rddreg [dreg:$0x2];
	[bflag:$0x3] =	sbarrier.arrive $0xFFFF;
	s2 =	simm.s32 @!p0 $0x1C05  }
0xeb: {  	[timem:s3], [sflag:s2] =	dma.local @!p0 [hbm:s0], s1  }
0xec: {  	s0 =	simm.s32 @!p0 $0x5  }
0xed: {  	_ =	swait.ge @!p0 [sflag:s0], s1  }
0xee: {  	s1 =	ssub.s32 @!p0 $0x0, s1;
	[sflag:s0] =	ssyncset.done @!p0 $0x0  }
0xef: {  	[sflag:s0] =	ssyncadd.s32 @!p0 s1  }
0xf0: {  	[bflag:$0x3] =	sbarrier.arrive $0xFFFF  }
0xf1: {  	_ =	shalt  }

</sc_bundles>
